<compile_context>
chip_gen: v7x
topology: tpu7x:2x2x1
jax: 0.10.2.dev20260603
libtpu: 0.0.44.dev20260713+nightly
codegen_flags: <defaults>
</compile_context>

<pallas_src>
import functools

import jax
import jax.numpy as jnp
from jax import lax
from jax.experimental import pallas as pl
from jax.experimental.pallas import tpu as pltpu
from jax.experimental.pallas import tpu_sc as plsc

_NC = 2
_NS = 16
_NW = _NC * _NS
_LANES = 16

_FUSE_CB = 12800
_NB = 2
_UNROLL = 8


def _to_bf16_bits(v):
    r = jax.lax.bitcast_convert_type(v, jnp.uint32)
    r = r + jnp.uint32(0x7FFF) + ((r >> 16) & jnp.uint32(1))
    return r >> 16


def _fuse_body(scale, embt_ref, at_ref, bw_ref, bias_ref, out_ref):
    acc = jnp.dot(bw_ref[...], at_ref[...], preferred_element_type=jnp.float32)
    ft = embt_ref[...] + scale * acc + scale * bias_ref[...]
    half = ft.shape[0] // 2
    lo = _to_bf16_bits(ft[:half, :])
    hi = _to_bf16_bits(ft[half:, :])
    word = lo | (hi << 16)
    out_ref[...] = jax.lax.bitcast_convert_type(word, jnp.int32)


def _fused_table_packed(embt, at, bw, bias2d, scale, num_emb, emb_dim):
    nblk = (num_emb + _FUSE_CB - 1) // _FUSE_CB
    hidden = at.shape[0]
    return pl.pallas_call(
        functools.partial(_fuse_body, scale),
        grid=(nblk,),
        in_specs=[
            pl.BlockSpec((emb_dim, _FUSE_CB), lambda i: (0, i)),
            pl.BlockSpec((hidden, _FUSE_CB), lambda i: (0, i)),
            pl.BlockSpec((emb_dim, hidden), lambda i: (0, 0)),
            pl.BlockSpec((emb_dim, 1), lambda i: (0, 0)),
        ],
        out_specs=pl.BlockSpec((emb_dim // 2, _FUSE_CB), lambda i: (0, i)),
        out_shape=jax.ShapeDtypeStruct((emb_dim // 2, num_emb), jnp.int32),
    )(embt, at, bw, bias2d)


@functools.lru_cache(maxsize=None)
def _make_permute(seq_len, batch, emb_dim, num_emb):
    n_vec = batch // _LANES
    n_main = (seq_len // _NB) - 1
    half = emb_dim // 2
    mesh = plsc.VectorSubcoreMesh(core_axis_name="c", subcore_axis_name="s")

    @functools.partial(
        pl.kernel,
        mesh=mesh,
        compiler_params=pltpu.CompilerParams(
            use_tc_tiling_on_sc=True, needs_layout_passes=False),
        out_type=jax.ShapeDtypeStruct((seq_len, emb_dim, batch), jnp.float32),
        scratch_types=(
            [pltpu.VMEM((num_emb,), jnp.int32)]
            + [pltpu.VMEM((batch,), jnp.int32)] * _NB
            + [pltpu.VMEM((batch,), jnp.float32)] * (2 * _NB)
            + [pltpu.SemaphoreType.DMA] * (3 * _NB)
        ),
    )
    def permute_kernel(ft_hbm, xt_hbm, out_hbm, row_v, *rest):
        ibufs = rest[:_NB]
        lbufs = rest[_NB:2 * _NB]
        hbufs = rest[2 * _NB:3 * _NB]
        isems = rest[3 * _NB:4 * _NB]
        lsems = rest[4 * _NB:5 * _NB]
        hsems = rest[5 * _NB:]
        wid = lax.axis_index("s") * _NC + lax.axis_index("c")

        def step(p, l, prefetch, first=False):
            pltpu.make_async_copy(xt_hbm.at[0], ibufs[p], isems[p]).wait()
            if not first:
                pltpu.make_async_copy(lbufs[p], out_hbm.at[0, 0],
                                      lsems[p]).wait()
                pltpu.make_async_copy(hbufs[p], out_hbm.at[0, 0],
                                      hsems[p]).wait()

            @pl.loop(0, n_vec // _UNROLL)
            def _per_vec(k0):
                base = k0 * (_UNROLL * _LANES)
                ivs = [ibufs[p][pl.ds(base + u * _LANES, _LANES)]
                       for u in range(_UNROLL)]
                ws = [plsc.load_gather(row_v, [iv]) for iv in ivs]
                los = [plsc.bitcast(w << 16, jnp.float32) for w in ws]
                his = [plsc.bitcast(w & jnp.int32(-65536), jnp.float32)
                       for w in ws]
                for u in range(_UNROLL):
                    lbufs[p][pl.ds(base + u * _LANES, _LANES)] = los[u]
                    hbufs[p][pl.ds(base + u * _LANES, _LANES)] = his[u]

            pltpu.async_copy(lbufs[p], out_hbm.at[l, wid], lsems[p])
            pltpu.async_copy(hbufs[p], out_hbm.at[l, wid + half], hsems[p])
            if prefetch:
                pltpu.async_copy(xt_hbm.at[l + _NB], ibufs[p], isems[p])

        pltpu.sync_copy(ft_hbm.at[wid], row_v)
        for p in range(_NB):
            pltpu.async_copy(xt_hbm.at[p], ibufs[p], isems[p])

        for p in range(_NB):
            step(p, p, prefetch=True, first=True)

        @pl.loop(1, n_main)
        def _main(lp):
            for p in range(_NB):
                step(p, lp * _NB + p, prefetch=True)

        for l in range(n_main * _NB, seq_len):
            step(l % _NB, l, prefetch=(l + _NB < seq_len))

        for p in range(_NB):
            pltpu.make_async_copy(lbufs[p], out_hbm.at[0, 0], lsems[p]).wait()
            pltpu.make_async_copy(hbufs[p], out_hbm.at[0, 0], hsems[p]).wait()

    return permute_kernel


def kernel(x, emb_W, A_W, B_W, B_b):
    num_emb, emb_dim = emb_W.shape
    hidden = A_W.shape[1]
    batch, seq_len = x.shape
    scale = 0.1 / hidden

    ft = _fused_table_packed(emb_W.T, A_W.T, B_W, B_b.reshape(emb_dim, 1),
                             scale, num_emb, emb_dim)
    t3 = _make_permute(seq_len, batch, emb_dim, num_emb)(ft, x.T)
    return t3.transpose(2, 0, 1)

# --- scband reference (transcript-rebuilt; emitter-appended) ---
"""Pipeline reference for scband-embedding-lo-ra-61821759258645 (READ-ONLY COPY).

The authoritative reference and input builder live on the scoring server;
editing this copy changes nothing except your own understanding.
"""

import jax, jax.numpy as jnp
import numpy as np

NUM_EMB = 100000
EMB_DIM = 64
HIDDEN = NUM_EMB // 1000  # 100
SCALER = 0.1


def setup_inputs(seed: int = 0) -> dict:
    key = jax.random.key(seed)
    k1, k2, k3, k4 = jax.random.split(key, 4)
    x = jax.random.randint(k1, (4096, 50), 0, NUM_EMB, dtype=jnp.int32)
    emb_W = jax.random.normal(k2, (NUM_EMB, EMB_DIM), dtype=jnp.float32) * 0.02
    A_W = jax.random.normal(k3, (NUM_EMB, HIDDEN), dtype=jnp.float32) * 0.02
    B_W = jax.random.normal(k4, (EMB_DIM, HIDDEN), dtype=jnp.float32) * 0.02
    B_b = jnp.zeros((EMB_DIM,), dtype=jnp.float32)
    return {"x": x, "emb_W": emb_W, "A_W": A_W, "B_W": B_W, "B_b": B_b}


def reference(x, emb_W, A_W, B_W, B_b):
    # frozen base embedding lookup
    hidden_state = jnp.take(emb_W, x, axis=0)          # [B, L, EMB_DIM]
    # LoRA path: A embedding lookup then B linear (torch Linear: y = a @ W^T + b)
    a = jnp.take(A_W, x, axis=0)                        # [B, L, HIDDEN]
    res = a @ B_W.T + B_b                               # [B, L, EMB_DIM]
    hidden_state = hidden_state + (SCALER / HIDDEN) * res
    return hidden_state

if __name__ == "__main__":
    import jax
    _d = setup_inputs()
    print(jax.jit(kernel)(*tuple(_d.values())))

</pallas_src>

<mosaic_0001>
#map = affine_map<(d0, d1) -> (0, 0)>
#map1 = affine_map<(d0, d1) -> (0, 0, 0)>
module attributes {stable_mosaic.version = 14 : i64} {
  func.func @permute_kernel(%arg0: i32, %arg1: i32, %arg2: memref<32x100000xi32, #tpu.memory_space<hbm>>, %arg3: memref<50x4096xi32, #tpu.memory_space<hbm>>, %arg4: memref<50x64x4096xf32, #tpu.memory_space<hbm>>, %arg5: memref<100000xi32, #tpu.memory_space<vmem>>, %arg6: memref<4096xi32, #tpu.memory_space<vmem>>, %arg7: memref<4096xi32, #tpu.memory_space<vmem>>, %arg8: memref<4096xf32, #tpu.memory_space<vmem>>, %arg9: memref<4096xf32, #tpu.memory_space<vmem>>, %arg10: memref<4096xf32, #tpu.memory_space<vmem>>, %arg11: memref<4096xf32, #tpu.memory_space<vmem>>, %arg12: memref<!tpu.dma_semaphore, #tpu.memory_space<semaphore_mem>>, %arg13: memref<!tpu.dma_semaphore, #tpu.memory_space<semaphore_mem>>, %arg14: memref<!tpu.dma_semaphore, #tpu.memory_space<semaphore_mem>>, %arg15: memref<!tpu.dma_semaphore, #tpu.memory_space<semaphore_mem>>, %arg16: memref<!tpu.dma_semaphore, #tpu.memory_space<semaphore_mem>>, %arg17: memref<!tpu.dma_semaphore, #tpu.memory_space<semaphore_mem>>) attributes {dimension_semantics = [#tpu.dimension_semantics<core_parallel>, #tpu.dimension_semantics<subcore_parallel>], iteration_bounds = array<i64: 2, 16>, scalar_prefetch = 0 : i64, scratch_operands = 13 : i64, tpu.core_type = #tpu.core_type<sc_vector_subcore>, window_params = [{transform_indices = #map}, {transform_indices = #map}, {transform_indices = #map1}]} {
    %mul3A = arith.constant 2 : i32
    %mul3A_0 = arith.muli %arg1, %mul3A : i32
    %add3A = arith.addi %mul3A_0, %arg0 : i32
    "tpu.region"() ({
      %run_scoped3A = tpu.sem_alloc : memref<!tpu.dma_semaphore, #tpu.memory_space<semaphore_mem>>
      %dma_start3A_207 = arith.constant 0 : i32
      %dma_start3A_208 = tpu.memref_slice %arg2[%add3A, %dma_start3A_207] : memref<32x100000xi32, #tpu.memory_space<hbm>> -> memref<1x100000xi32, #tpu.memory_space<hbm>>
      %dma_start3A_209 = tpu.memref_squeeze %dma_start3A_208 : memref<1x100000xi32, #tpu.memory_space<hbm>> -> memref<100000xi32, #tpu.memory_space<hbm>>
      %dma_start3A_210 = arith.constant 0 : i32
      %dma_start3A_211 = tpu.memref_slice %arg2[%add3A, %dma_start3A_210] : memref<32x100000xi32, #tpu.memory_space<hbm>> -> memref<1x100000xi32, #tpu.memory_space<hbm>>
      %dma_start3A_212 = tpu.memref_squeeze %dma_start3A_211 : memref<1x100000xi32, #tpu.memory_space<hbm>> -> memref<100000xi32, #tpu.memory_space<hbm>>
      tpu.enqueue_dma source(%dma_start3A_212 : memref<100000xi32, #tpu.memory_space<hbm>>) target(%arg5 : memref<100000xi32, #tpu.memory_space<vmem>>) target_semaphore(%run_scoped3A : memref<!tpu.dma_semaphore, #tpu.memory_space<semaphore_mem>>)
      %dma_wait3A_213 = arith.constant 0 : i32
      %dma_wait3A_214 = tpu.memref_slice %arg2[%add3A, %dma_wait3A_213] : memref<32x100000xi32, #tpu.memory_space<hbm>> -> memref<1x100000xi32, #tpu.memory_space<hbm>>
      %dma_wait3A_215 = tpu.memref_squeeze %dma_wait3A_214 : memref<1x100000xi32, #tpu.memory_space<hbm>> -> memref<100000xi32, #tpu.memory_space<hbm>>
      %dma_wait3A_216 = arith.constant 0 : i32
      %dma_wait3A_217 = tpu.memref_slice %arg2[%add3A, %dma_wait3A_216] : memref<32x100000xi32, #tpu.memory_space<hbm>> -> memref<1x100000xi32, #tpu.memory_space<hbm>>
      %dma_wait3A_218 = tpu.memref_squeeze %dma_wait3A_217 : memref<1x100000xi32, #tpu.memory_space<hbm>> -> memref<100000xi32, #tpu.memory_space<hbm>>
      tpu.wait_dma2 semaphore(%run_scoped3A : memref<!tpu.dma_semaphore, #tpu.memory_space<semaphore_mem>>) src(%dma_wait3A_218 : memref<100000xi32, #tpu.memory_space<hbm>>) dst(%arg5 : memref<100000xi32, #tpu.memory_space<vmem>>)
      tpu.yield
    }) : () -> ()
    %dma_start3A = arith.constant 0 : i32
    %dma_start3A_1 = arith.constant 0 : i32
    %dma_start3A_2 = tpu.memref_slice %arg3[%dma_start3A, %dma_start3A_1] : memref<50x4096xi32, #tpu.memory_space<hbm>> -> memref<1x4096xi32, #tpu.memory_space<hbm>>
    %dma_start3A_3 = tpu.memref_squeeze %dma_start3A_2 : memref<1x4096xi32, #tpu.memory_space<hbm>> -> memref<4096xi32, #tpu.memory_space<hbm>>
    %dma_start3A_4 = arith.constant 0 : i32
    %dma_start3A_5 = tpu.memref_slice %arg3[%dma_start3A, %dma_start3A_4] : memref<50x4096xi32, #tpu.memory_space<hbm>> -> memref<1x4096xi32, #tpu.memory_space<hbm>>
    %dma_start3A_6 = tpu.memref_squeeze %dma_start3A_5 : memref<1x4096xi32, #tpu.memory_space<hbm>> -> memref<4096xi32, #tpu.memory_space<hbm>>
    tpu.enqueue_dma source(%dma_start3A_6 : memref<4096xi32, #tpu.memory_space<hbm>>) target(%arg6 : memref<4096xi32, #tpu.memory_space<vmem>>) target_semaphore(%arg12 : memref<!tpu.dma_semaphore, #tpu.memory_space<semaphore_mem>>)
    %dma_start3A_7 = arith.constant 1 : i32
    %dma_start3A_8 = arith.constant 0 : i32
    %dma_start3A_9 = tpu.memref_slice %arg3[%dma_start3A_7, %dma_start3A_8] : memref<50x4096xi32, #tpu.memory_space<hbm>> -> memref<1x4096xi32, #tpu.memory_space<hbm>>
    %dma_start3A_10 = tpu.memref_squeeze %dma_start3A_9 : memref<1x4096xi32, #tpu.memory_space<hbm>> -> memref<4096xi32, #tpu.memory_space<hbm>>
    %dma_start3A_11 = arith.constant 0 : i32
    %dma_start3A_12 = tpu.memref_slice %arg3[%dma_start3A_7, %dma_start3A_11] : memref<50x4096xi32, #tpu.memory_space<hbm>> -> memref<1x4096xi32, #tpu.memory_space<hbm>>
    %dma_start3A_13 = tpu.memref_squeeze %dma_start3A_12 : memref<1x4096xi32, #tpu.memory_space<hbm>> -> memref<4096xi32, #tpu.memory_space<hbm>>
    tpu.enqueue_dma source(%dma_start3A_13 : memref<4096xi32, #tpu.memory_space<hbm>>) target(%arg7 : memref<4096xi32, #tpu.memory_space<vmem>>) target_semaphore(%arg13 : memref<!tpu.dma_semaphore, #tpu.memory_space<semaphore_mem>>)
    %dma_wait3A = arith.constant 0 : i32
    %dma_wait3A_14 = arith.constant 0 : i32
    %dma_wait3A_15 = tpu.memref_slice %arg3[%dma_wait3A, %dma_wait3A_14] : memref<50x4096xi32, #tpu.memory_space<hbm>> -> memref<1x4096xi32, #tpu.memory_space<hbm>>
    %dma_wait3A_16 = tpu.memref_squeeze %dma_wait3A_15 : memref<1x4096xi32, #tpu.memory_space<hbm>> -> memref<4096xi32, #tpu.memory_space<hbm>>
    %dma_wait3A_17 = arith.constant 0 : i32
    %dma_wait3A_18 = tpu.memref_slice %arg3[%dma_wait3A, %dma_wait3A_17] : memref<50x4096xi32, #tpu.memory_space<hbm>> -> memref<1x4096xi32, #tpu.memory_space<hbm>>
    %dma_wait3A_19 = tpu.memref_squeeze %dma_wait3A_18 : memref<1x4096xi32, #tpu.memory_space<hbm>> -> memref<4096xi32, #tpu.memory_space<hbm>>
    tpu.wait_dma2 semaphore(%arg12 : memref<!tpu.dma_semaphore, #tpu.memory_space<semaphore_mem>>) src(%dma_wait3A_19 : memref<4096xi32, #tpu.memory_space<hbm>>) dst(%arg6 : memref<4096xi32, #tpu.memory_space<vmem>>)
    %scan3A = arith.constant 0 : i32
    %scan3A_20 = arith.constant 32 : i32
    %scan3A_21 = arith.addi %scan3A, %scan3A_20 : i32
    %scan3A_22 = arith.constant 1 : i32
    scf.for %scan3A_207 = %scan3A to %scan3A_21 step %scan3A_22  : i32 {
      %mul3A_208 = arith.constant 1 : i32
      %mul3A_209 = arith.muli %scan3A_207, %mul3A_208 : i32
      %add3A_210 = arith.constant 0 : i32
      %add3A_211 = arith.addi %add3A_210, %mul3A_209 : i32
      %mul3A_212 = arith.constant 128 : i32
      %mul3A_213 = arith.muli %add3A_211, %mul3A_212 : i32
      %add3A_214 = arith.constant 0 : i32
      %add3A_215 = arith.addi %mul3A_213, %add3A_214 : i32
      %get3A = arith.index_cast %add3A_215 : i32 to index
      %get3A_216 = tpu.vector_load %arg6[%get3A] {strides = array<i32>} : memref<4096xi32, #tpu.memory_space<vmem>>, vector<16xi32>,
      %add3A_217 = arith.constant 16 : i32
      %add3A_218 = arith.addi %mul3A_213, %add3A_217 : i32
      %get3A_219 = arith.index_cast %add3A_218 : i32 to index
      %get3A_220 = tpu.vector_load %arg6[%get3A_219] {strides = array<i32>} : memref<4096xi32, #tpu.memory_space<vmem>>, vector<16xi32>,
      %add3A_221 = arith.constant 32 : i32
      %add3A_222 = arith.addi %mul3A_213, %add3A_221 : i32
      %get3A_223 = arith.index_cast %add3A_222 : i32 to index
      %get3A_224 = tpu.vector_load %arg6[%get3A_223] {strides = array<i32>} : memref<4096xi32, #tpu.memory_space<vmem>>, vector<16xi32>,
      %add3A_225 = arith.constant 48 : i32
      %add3A_226 = arith.addi %mul3A_213, %add3A_225 : i32
      %get3A_227 = arith.index_cast %add3A_226 : i32 to index
      %get3A_228 = tpu.vector_load %arg6[%get3A_227] {strides = array<i32>} : memref<4096xi32, #tpu.memory_space<vmem>>, vector<16xi32>,
      %add3A_229 = arith.constant 64 : i32
      %add3A_230 = arith.addi %mul3A_213, %add3A_229 : i32
      %get3A_231 = arith.index_cast %add3A_230 : i32 to index
      %get3A_232 = tpu.vector_load %arg6[%get3A_231] {strides = array<i32>} : memref<4096xi32, #tpu.memory_space<vmem>>, vector<16xi32>,
      %add3A_233 = arith.constant 80 : i32
      %add3A_234 = arith.addi %mul3A_213, %add3A_233 : i32
      %get3A_235 = arith.index_cast %add3A_234 : i32 to index
      %get3A_236 = tpu.vector_load %arg6[%get3A_235] {strides = array<i32>} : memref<4096xi32, #tpu.memory_space<vmem>>, vector<16xi32>,
      %add3A_237 = arith.constant 96 : i32
      %add3A_238 = arith.addi %mul3A_213, %add3A_237 : i32
      %get3A_239 = arith.index_cast %add3A_238 : i32 to index
      %get3A_240 = tpu.vector_load %arg6[%get3A_239] {strides = array<i32>} : memref<4096xi32, #tpu.memory_space<vmem>>, vector<16xi32>,
      %add3A_241 = arith.constant 112 : i32
      %add3A_242 = arith.addi %mul3A_213, %add3A_241 : i32
      %get3A_243 = arith.index_cast %add3A_242 : i32 to index
      %get3A_244 = tpu.vector_load %arg6[%get3A_243] {strides = array<i32>} : memref<4096xi32, #tpu.memory_space<vmem>>, vector<16xi32>,
      %gather3A = tpu.vector_load_idx %arg5[%get3A_216] : memref<100000xi32, #tpu.memory_space<vmem>>[vector<16xi32>], vector<16xi32>,
      %gather3A_245 = tpu.vector_load_idx %arg5[%get3A_220] : memref<100000xi32, #tpu.memory_space<vmem>>[vector<16xi32>], vector<16xi32>,
      %gather3A_246 = tpu.vector_load_idx %arg5[%get3A_224] : memref<100000xi32, #tpu.memory_space<vmem>>[vector<16xi32>], vector<16xi32>,
      %gather3A_247 = tpu.vector_load_idx %arg5[%get3A_228] : memref<100000xi32, #tpu.memory_space<vmem>>[vector<16xi32>], vector<16xi32>,
      %gather3A_248 = tpu.vector_load_idx %arg5[%get3A_232] : memref<100000xi32, #tpu.memory_space<vmem>>[vector<16xi32>], vector<16xi32>,
      %gather3A_249 = tpu.vector_load_idx %arg5[%get3A_236] : memref<100000xi32, #tpu.memory_space<vmem>>[vector<16xi32>], vector<16xi32>,
      %gather3A_250 = tpu.vector_load_idx %arg5[%get3A_240] : memref<100000xi32, #tpu.memory_space<vmem>>[vector<16xi32>], vector<16xi32>,
      %gather3A_251 = tpu.vector_load_idx %arg5[%get3A_244] : memref<100000xi32, #tpu.memory_space<vmem>>[vector<16xi32>], vector<16xi32>,
      %shift_left3A = arith.constant 16 : i32
      %shift_left3A_252 = vector.broadcast %shift_left3A : i32 to vector<16xi32>
      %shift_left3A_253 = arith.shli %gather3A, %shift_left3A_252 : vector<16xi32>
      %bitcast3A = vector.bitcast %shift_left3A_253 : vector<16xi32> to vector<16xf32>
      %shift_left3A_254 = arith.constant 16 : i32
      %shift_left3A_255 = vector.broadcast %shift_left3A_254 : i32 to vector<16xi32>
      %shift_left3A_256 = arith.shli %gather3A_245, %shift_left3A_255 : vector<16xi32>
      %bitcast3A_257 = vector.bitcast %shift_left3A_256 : vector<16xi32> to vector<16xf32>
      %shift_left3A_258 = arith.constant 16 : i32
      %shift_left3A_259 = vector.broadcast %shift_left3A_258 : i32 to vector<16xi32>
      %shift_left3A_260 = arith.shli %gather3A_246, %shift_left3A_259 : vector<16xi32>
      %bitcast3A_261 = vector.bitcast %shift_left3A_260 : vector<16xi32> to vector<16xf32>
      %shift_left3A_262 = arith.constant 16 : i32
      %shift_left3A_263 = vector.broadcast %shift_left3A_262 : i32 to vector<16xi32>
      %shift_left3A_264 = arith.shli %gather3A_247, %shift_left3A_263 : vector<16xi32>
      %bitcast3A_265 = vector.bitcast %shift_left3A_264 : vector<16xi32> to vector<16xf32>
      %shift_left3A_266 = arith.constant 16 : i32
      %shift_left3A_267 = vector.broadcast %shift_left3A_266 : i32 to vector<16xi32>
      %shift_left3A_268 = arith.shli %gather3A_248, %shift_left3A_267 : vector<16xi32>
      %bitcast3A_269 = vector.bitcast %shift_left3A_268 : vector<16xi32> to vector<16xf32>
      %shift_left3A_270 = arith.constant 16 : i32
      %shift_left3A_271 = vector.broadcast %shift_left3A_270 : i32 to vector<16xi32>
      %shift_left3A_272 = arith.shli %gather3A_249, %shift_left3A_271 : vector<16xi32>
      %bitcast3A_273 = vector.bitcast %shift_left3A_272 : vector<16xi32> to vector<16xf32>
      %shift_left3A_274 = arith.constant 16 : i32
      %shift_left3A_275 = vector.broadcast %shift_left3A_274 : i32 to vector<16xi32>
      %shift_left3A_276 = arith.shli %gather3A_250, %shift_left3A_275 : vector<16xi32>
      %bitcast3A_277 = vector.bitcast %shift_left3A_276 : vector<16xi32> to vector<16xf32>
      %shift_left3A_278 = arith.constant 16 : i32
      %shift_left3A_279 = vector.broadcast %shift_left3A_278 : i32 to vector<16xi32>
      %shift_left3A_280 = arith.shli %gather3A_251, %shift_left3A_279 : vector<16xi32>
      %bitcast3A_281 = vector.bitcast %shift_left3A_280 : vector<16xi32> to vector<16xf32>
      %and3A = arith.constant -65536 : i32
      %and3A_282 = vector.broadcast %and3A : i32 to vector<16xi32>
      %and3A_283 = arith.andi %gather3A, %and3A_282 : vector<16xi32>
      %bitcast3A_284 = vector.bitcast %and3A_283 : vector<16xi32> to vector<16xf32>
      %and3A_285 = arith.constant -65536 : i32
      %and3A_286 = vector.broadcast %and3A_285 : i32 to vector<16xi32>
      %and3A_287 = arith.andi %gather3A_245, %and3A_286 : vector<16xi32>
      %bitcast3A_288 = vector.bitcast %and3A_287 : vector<16xi32> to vector<16xf32>
      %and3A_289 = arith.constant -65536 : i32
      %and3A_290 = vector.broadcast %and3A_289 : i32 to vector<16xi32>
      %and3A_291 = arith.andi %gather3A_246, %and3A_290 : vector<16xi32>
      %bitcast3A_292 = vector.bitcast %and3A_291 : vector<16xi32> to vector<16xf32>
      %and3A_293 = arith.constant -65536 : i32
      %and3A_294 = vector.broadcast %and3A_293 : i32 to vector<16xi32>
      %and3A_295 = arith.andi %gather3A_247, %and3A_294 : vector<16xi32>
      %bitcast3A_296 = vector.bitcast %and3A_295 : vector<16xi32> to vector<16xf32>
      %and3A_297 = arith.constant -65536 : i32
      %and3A_298 = vector.broadcast %and3A_297 : i32 to vector<16xi32>
      %and3A_299 = arith.andi %gather3A_248, %and3A_298 : vector<16xi32>
      %bitcast3A_300 = vector.bitcast %and3A_299 : vector<16xi32> to vector<16xf32>
      %and3A_301 = arith.constant -65536 : i32
      %and3A_302 = vector.broadcast %and3A_301 : i32 to vector<16xi32>
      %and3A_303 = arith.andi %gather3A_249, %and3A_302 : vector<16xi32>
      %bitcast3A_304 = vector.bitcast %and3A_303 : vector<16xi32> to vector<16xf32>
      %and3A_305 = arith.constant -65536 : i32
      %and3A_306 = vector.broadcast %and3A_305 : i32 to vector<16xi32>
      %and3A_307 = arith.andi %gather3A_250, %and3A_306 : vector<16xi32>
      %bitcast3A_308 = vector.bitcast %and3A_307 : vector<16xi32> to vector<16xf32>
      %and3A_309 = arith.constant -65536 : i32
      %and3A_310 = vector.broadcast %and3A_309 : i32 to vector<16xi32>
      %and3A_311 = arith.andi %gather3A_251, %and3A_310 : vector<16xi32>
      %bitcast3A_312 = vector.bitcast %and3A_311 : vector<16xi32> to vector<16xf32>
      %add3A_313 = arith.constant 0 : i32
      %add3A_314 = arith.addi %mul3A_213, %add3A_313 : i32
      %swap3A = arith.index_cast %add3A_314 : i32 to index
      %swap3A_315 = tpu.vector_load %arg8[%swap3A] {strides = array<i32>} : memref<4096xf32, #tpu.memory_space<vmem>>, vector<16xf32>,
      tpu.vector_store %arg8[%swap3A], %bitcast3A {strides = array<i32>} : memref<4096xf32, #tpu.memory_space<vmem>>, vector<16xf32>,
      %add3A_316 = arith.constant 0 : i32
      %add3A_317 = arith.addi %mul3A_213, %add3A_316 : i32
      %swap3A_318 = arith.index_cast %add3A_317 : i32 to index
      %swap3A_319 = tpu.vector_load %arg10[%swap3A_318] {strides = array<i32>} : memref<4096xf32, #tpu.memory_space<vmem>>, vector<16xf32>,
      tpu.vector_store %arg10[%swap3A_318], %bitcast3A_284 {strides = array<i32>} : memref<4096xf32, #tpu.memory_space<vmem>>, vector<16xf32>,
      %add3A_320 = arith.constant 16 : i32
      %add3A_321 = arith.addi %mul3A_213, %add3A_320 : i32
      %swap3A_322 = arith.index_cast %add3A_321 : i32 to index
      %swap3A_323 = tpu.vector_load %arg8[%swap3A_322] {strides = array<i32>} : memref<4096xf32, #tpu.memory_space<vmem>>, vector<16xf32>,
      tpu.vector_store %arg8[%swap3A_322], %bitcast3A_257 {strides = array<i32>} : memref<4096xf32, #tpu.memory_space<vmem>>, vector<16xf32>,
      %add3A_324 = arith.constant 16 : i32
      %add3A_325 = arith.addi %mul3A_213, %add3A_324 : i32
      %swap3A_326 = arith.index_cast %add3A_325 : i32 to index
      %swap3A_327 = tpu.vector_load %arg10[%swap3A_326] {strides = array<i32>} : memref<4096xf32, #tpu.memory_space<vmem>>, vector<16xf32>,
      tpu.vector_store %arg10[%swap3A_326], %bitcast3A_288 {strides = array<i32>} : memref<4096xf32, #tpu.memory_space<vmem>>, vector<16xf32>,
      %add3A_328 = arith.constant 32 : i32
      %add3A_329 = arith.addi %mul3A_213, %add3A_328 : i32
      %swap3A_330 = arith.index_cast %add3A_329 : i32 to index
      %swap3A_331 = tpu.vector_load %arg8[%swap3A_330] {strides = array<i32>} : memref<4096xf32, #tpu.memory_space<vmem>>, vector<16xf32>,
      tpu.vector_store %arg8[%swap3A_330], %bitcast3A_261 {strides = array<i32>} : memref<4096xf32, #tpu.memory_space<vmem>>, vector<16xf32>,
      %add3A_332 = arith.constant 32 : i32
      %add3A_333 = arith.addi %mul3A_213, %add3A_332 : i32
      %swap3A_334 = arith.index_cast %add3A_333 : i32 to index
      %swap3A_335 = tpu.vector_load %arg10[%swap3A_334] {strides = array<i32>} : memref<4096xf32, #tpu.memory_space<vmem>>, vector<16xf32>,
      tpu.vector_store %arg10[%swap3A_334], %bitcast3A_292 {strides = array<i32>} : memref<4096xf32, #tpu.memory_space<vmem>>, vector<16xf32>,
      %add3A_336 = arith.constant 48 : i32
      %add3A_337 = arith.addi %mul3A_213, %add3A_336 : i32
      %swap3A_338 = arith.index_cast %add3A_337 : i32 to index
      %swap3A_339 = tpu.vector_load %arg8[%swap3A_338] {strides = array<i32>} : memref<4096xf32, #tpu.memory_space<vmem>>, vector<16xf32>,
      tpu.vector_store %arg8[%swap3A_338], %bitcast3A_265 {strides = array<i32>} : memref<4096xf32, #tpu.memory_space<vmem>>, vector<16xf32>,
      %add3A_340 = arith.constant 48 : i32
      %add3A_341 = arith.addi %mul3A_213, %add3A_340 : i32
      %swap3A_342 = arith.index_cast %add3A_341 : i32 to index
      %swap3A_343 = tpu.vector_load %arg10[%swap3A_342] {strides = array<i32>} : memref<4096xf32, #tpu.memory_space<vmem>>, vector<16xf32>,
      tpu.vector_store %arg10[%swap3A_342], %bitcast3A_296 {strides = array<i32>} : memref<4096xf32, #tpu.memory_space<vmem>>, vector<16xf32>,
      %add3A_344 = arith.constant 64 : i32
      %add3A_345 = arith.addi %mul3A_213, %add3A_344 : i32
      %swap3A_346 = arith.index_cast %add3A_345 : i32 to index
      %swap3A_347 = tpu.vector_load %arg8[%swap3A_346] {strides = array<i32>} : memref<4096xf32, #tpu.memory_space<vmem>>, vector<16xf32>,
      tpu.vector_store %arg8[%swap3A_346], %bitcast3A_269 {strides = array<i32>} : memref<4096xf32, #tpu.memory_space<vmem>>, vector<16xf32>,
      %add3A_348 = arith.constant 64 : i32
      %add3A_349 = arith.addi %mul3A_213, %add3A_348 : i32
      %swap3A_350 = arith.index_cast %add3A_349 : i32 to index
      %swap3A_351 = tpu.vector_load %arg10[%swap3A_350] {strides = array<i32>} : memref<4096xf32, #tpu.memory_space<vmem>>, vector<16xf32>,
      tpu.vector_store %arg10[%swap3A_350], %bitcast3A_300 {strides = array<i32>} : memref<4096xf32, #tpu.memory_space<vmem>>, vector<16xf32>,
      %add3A_352 = arith.constant 80 : i32
      %add3A_353 = arith.addi %mul3A_213, %add3A_352 : i32
      %swap3A_354 = arith.index_cast %add3A_353 : i32 to index
      %swap3A_355 = tpu.vector_load %arg8[%swap3A_354] {strides = array<i32>} : memref<4096xf32, #tpu.memory_space<vmem>>, vector<16xf32>,
      tpu.vector_store %arg8[%swap3A_354], %bitcast3A_273 {strides = array<i32>} : memref<4096xf32, #tpu.memory_space<vmem>>, vector<16xf32>,
      %add3A_356 = arith.constant 80 : i32
      %add3A_357 = arith.addi %mul3A_213, %add3A_356 : i32
      %swap3A_358 = arith.index_cast %add3A_357 : i32 to index
      %swap3A_359 = tpu.vector_load %arg10[%swap3A_358] {strides = array<i32>} : memref<4096xf32, #tpu.memory_space<vmem>>, vector<16xf32>,
      tpu.vector_store %arg10[%swap3A_358], %bitcast3A_304 {strides = array<i32>} : memref<4096xf32, #tpu.memory_space<vmem>>, vector<16xf32>,
      %add3A_360 = arith.constant 96 : i32
      %add3A_361 = arith.addi %mul3A_213, %add3A_360 : i32
      %swap3A_362 = arith.index_cast %add3A_361 : i32 to index
      %swap3A_363 = tpu.vector_load %arg8[%swap3A_362] {strides = array<i32>} : memref<4096xf32, #tpu.memory_space<vmem>>, vector<16xf32>,
      tpu.vector_store %arg8[%swap3A_362], %bitcast3A_277 {strides = array<i32>} : memref<4096xf32, #tpu.memory_space<vmem>>, vector<16xf32>,
      %add3A_364 = arith.constant 96 : i32
      %add3A_365 = arith.addi %mul3A_213, %add3A_364 : i32
      %swap3A_366 = arith.index_cast %add3A_365 : i32 to index
      %swap3A_367 = tpu.vector_load %arg10[%swap3A_366] {strides = array<i32>} : memref<4096xf32, #tpu.memory_space<vmem>>, vector<16xf32>,
      tpu.vector_store %arg10[%swap3A_366], %bitcast3A_308 {strides = array<i32>} : memref<4096xf32, #tpu.memory_space<vmem>>, vector<16xf32>,
      %add3A_368 = arith.constant 112 : i32
      %add3A_369 = arith.addi %mul3A_213, %add3A_368 : i32
      %swap3A_370 = arith.index_cast %add3A_369 : i32 to index
      %swap3A_371 = tpu.vector_load %arg8[%swap3A_370] {strides = array<i32>} : memref<4096xf32, #tpu.memory_space<vmem>>, vector<16xf32>,
      tpu.vector_store %arg8[%swap3A_370], %bitcast3A_281 {strides = array<i32>} : memref<4096xf32, #tpu.memory_space<vmem>>, vector<16xf32>,
      %add3A_372 = arith.constant 112 : i32
      %add3A_373 = arith.addi %mul3A_213, %add3A_372 : i32
      %swap3A_374 = arith.index_cast %add3A_373 : i32 to index
      %swap3A_375 = tpu.vector_load %arg10[%swap3A_374] {strides = array<i32>} : memref<4096xf32, #tpu.memory_space<vmem>>, vector<16xf32>,
      tpu.vector_store %arg10[%swap3A_374], %bitcast3A_312 {strides = array<i32>} : memref<4096xf32, #tpu.memory_space<vmem>>, vector<16xf32>,
    }
    %scan3A_23 = arith.constant 32 : i32
    %dma_start3A_24 = arith.constant 0 : i32
    %dma_start3A_25 = arith.constant 0 : i32
    %dma_start3A_26 = tpu.memref_slice %arg4[%dma_start3A_24, %add3A, %dma_start3A_25] : memref<50x64x4096xf32, #tpu.memory_space<hbm>> -> memref<1x1x4096xf32, #tpu.memory_space<hbm>>
    %dma_start3A_27 = tpu.memref_squeeze %dma_start3A_26 : memref<1x1x4096xf32, #tpu.memory_space<hbm>> -> memref<4096xf32, #tpu.memory_space<hbm>>
    %dma_start3A_28 = arith.constant 0 : i32
    %dma_start3A_29 = tpu.memref_slice %arg4[%dma_start3A_24, %add3A, %dma_start3A_28] : memref<50x64x4096xf32, #tpu.memory_space<hbm>> -> memref<1x1x4096xf32, #tpu.memory_space<hbm>>
    %dma_start3A_30 = tpu.memref_squeeze %dma_start3A_29 : memref<1x1x4096xf32, #tpu.memory_space<hbm>> -> memref<4096xf32, #tpu.memory_space<hbm>>
    tpu.enqueue_dma source(%arg8 : memref<4096xf32, #tpu.memory_space<vmem>>) target(%dma_start3A_30 : memref<4096xf32, #tpu.memory_space<hbm>>) target_semaphore(%arg14 : memref<!tpu.dma_semaphore, #tpu.memory_space<semaphore_mem>>)
    %add3A_31 = arith.constant 32 : i32
    %add3A_32 = arith.addi %add3A, %add3A_31 : i32
    %dma_start3A_33 = arith.constant 0 : i32
    %dma_start3A_34 = arith.constant 0 : i32
    %dma_start3A_35 = tpu.memref_slice %arg4[%dma_start3A_33, %add3A_32, %dma_start3A_34] : memref<50x64x4096xf32, #tpu.memory_space<hbm>> -> memref<1x1x4096xf32, #tpu.memory_space<hbm>>
    %dma_start3A_36 = tpu.memref_squeeze %dma_start3A_35 : memref<1x1x4096xf32, #tpu.memory_space<hbm>> -> memref<4096xf32, #tpu.memory_space<hbm>>
    %dma_start3A_37 = arith.constant 0 : i32
    %dma_start3A_38 = tpu.memref_slice %arg4[%dma_start3A_33, %add3A_32, %dma_start3A_37] : memref<50x64x4096xf32, #tpu.memory_space<hbm>> -> memref<1x1x4096xf32, #tpu.memory_space<hbm>>
    %dma_start3A_39 = tpu.memref_squeeze %dma_start3A_38 : memref<1x1x4096xf32, #tpu.memory_space<hbm>> -> memref<4096xf32, #tpu.memory_space<hbm>>
    tpu.enqueue_dma source(%arg10 : memref<4096xf32, #tpu.memory_space<vmem>>) target(%dma_start3A_39 : memref<4096xf32, #tpu.memory_space<hbm>>) target_semaphore(%arg16 : memref<!tpu.dma_semaphore, #tpu.memory_space<semaphore_mem>>)
    %dma_start3A_40 = arith.constant 2 : i32
    %dma_start3A_41 = arith.constant 0 : i32
    %dma_start3A_42 = tpu.memref_slice %arg3[%dma_start3A_40, %dma_start3A_41] : memref<50x4096xi32, #tpu.memory_space<hbm>> -> memref<1x4096xi32, #tpu.memory_space<hbm>>
    %dma_start3A_43 = tpu.memref_squeeze %dma_start3A_42 : memref<1x4096xi32, #tpu.memory_space<hbm>> -> memref<4096xi32, #tpu.memory_space<hbm>>
    %dma_start3A_44 = arith.constant 0 : i32
    %dma_start3A_45 = tpu.memref_slice %arg3[%dma_start3A_40, %dma_start3A_44] : memref<50x4096xi32, #tpu.memory_space<hbm>> -> memref<1x4096xi32, #tpu.memory_space<hbm>>
    %dma_start3A_46 = tpu.memref_squeeze %dma_start3A_45 : memref<1x4096xi32, #tpu.memory_space<hbm>> -> memref<4096xi32, #tpu.memory_space<hbm>>
    tpu.enqueue_dma source(%dma_start3A_46 : memref<4096xi32, #tpu.memory_space<hbm>>) target(%arg6 : memref<4096xi32, #tpu.memory_space<vmem>>) target_semaphore(%arg12 : memref<!tpu.dma_semaphore, #tpu.memory_space<semaphore_mem>>)
    %dma_wait3A_47 = arith.constant 0 : i32
    %dma_wait3A_48 = arith.constant 0 : i32
    %dma_wait3A_49 = tpu.memref_slice %arg3[%dma_wait3A_47, %dma_wait3A_48] : memref<50x4096xi32, #tpu.memory_space<hbm>> -> memref<1x4096xi32, #tpu.memory_space<hbm>>
    %dma_wait3A_50 = tpu.memref_squeeze %dma_wait3A_49 : memref<1x4096xi32, #tpu.memory_space<hbm>> -> memref<4096xi32, #tpu.memory_space<hbm>>
    %dma_wait3A_51 = arith.constant 0 : i32
    %dma_wait3A_52 = tpu.memref_slice %arg3[%dma_wait3A_47, %dma_wait3A_51] : memref<50x4096xi32, #tpu.memory_space<hbm>> -> memref<1x4096xi32, #tpu.memory_space<hbm>>
    %dma_wait3A_53 = tpu.memref_squeeze %dma_wait3A_52 : memref<1x4096xi32, #tpu.memory_space<hbm>> -> memref<4096xi32, #tpu.memory_space<hbm>>
    tpu.wait_dma2 semaphore(%arg13 : memref<!tpu.dma_semaphore, #tpu.memory_space<semaphore_mem>>) src(%dma_wait3A_53 : memref<4096xi32, #tpu.memory_space<hbm>>) dst(%arg7 : memref<4096xi32, #tpu.memory_space<vmem>>)
    %scan3A_54 = arith.constant 0 : i32
    %scan3A_55 = arith.constant 32 : i32
    %scan3A_56 = arith.addi %scan3A_54, %scan3A_55 : i32
    %scan3A_57 = arith.constant 1 : i32
    scf.for %scan3A_207 = %scan3A_54 to %scan3A_56 step %scan3A_57  : i32 {
      %mul3A_208 = arith.constant 1 : i32
      %mul3A_209 = arith.muli %scan3A_207, %mul3A_208 : i32
      %add3A_210 = arith.constant 0 : i32
      %add3A_211 = arith.addi %add3A_210, %mul3A_209 : i32
      %mul3A_212 = arith.constant 128 : i32
      %mul3A_213 = arith.muli %add3A_211, %mul3A_212 : i32
      %add3A_214 = arith.constant 0 : i32
      %add3A_215 = arith.addi %mul3A_213, %add3A_214 : i32
      %get3A = arith.index_cast %add3A_215 : i32 to index
      %get3A_216 = tpu.vector_load %arg7[%get3A] {strides = array<i32>} : memref<4096xi32, #tpu.memory_space<vmem>>, vector<16xi32>,
      %add3A_217 = arith.constant 16 : i32
      %add3A_218 = arith.addi %mul3A_213, %add3A_217 : i32
      %get3A_219 = arith.index_cast %add3A_218 : i32 to index
      %get3A_220 = tpu.vector_load %arg7[%get3A_219] {strides = array<i32>} : memref<4096xi32, #tpu.memory_space<vmem>>, vector<16xi32>,
      %add3A_221 = arith.constant 32 : i32
      %add3A_222 = arith.addi %mul3A_213, %add3A_221 : i32
      %get3A_223 = arith.index_cast %add3A_222 : i32 to index
      %get3A_224 = tpu.vector_load %arg7[%get3A_223] {strides = array<i32>} : memref<4096xi32, #tpu.memory_space<vmem>>, vector<16xi32>,
      %add3A_225 = arith.constant 48 : i32
      %add3A_226 = arith.addi %mul3A_213, %add3A_225 : i32
      %get3A_227 = arith.index_cast %add3A_226 : i32 to index
      %get3A_228 = tpu.vector_load %arg7[%get3A_227] {strides = array<i32>} : memref<4096xi32, #tpu.memory_space<vmem>>, vector<16xi32>,
      %add3A_229 = arith.constant 64 : i32
      %add3A_230 = arith.addi %mul3A_213, %add3A_229 : i32
      %get3A_231 = arith.index_cast %add3A_230 : i32 to index
      %get3A_232 = tpu.vector_load %arg7[%get3A_231] {strides = array<i32>} : memref<4096xi32, #tpu.memory_space<vmem>>, vector<16xi32>,
      %add3A_233 = arith.constant 80 : i32
      %add3A_234 = arith.addi %mul3A_213, %add3A_233 : i32
      %get3A_235 = arith.index_cast %add3A_234 : i32 to index
      %get3A_236 = tpu.vector_load %arg7[%get3A_235] {strides = array<i32>} : memref<4096xi32, #tpu.memory_space<vmem>>, vector<16xi32>,
      %add3A_237 = arith.constant 96 : i32
      %add3A_238 = arith.addi %mul3A_213, %add3A_237 : i32
      %get3A_239 = arith.index_cast %add3A_238 : i32 to index
      %get3A_240 = tpu.vector_load %arg7[%get3A_239] {strides = array<i32>} : memref<4096xi32, #tpu.memory_space<vmem>>, vector<16xi32>,
      %add3A_241 = arith.constant 112 : i32
      %add3A_242 = arith.addi %mul3A_213, %add3A_241 : i32
      %get3A_243 = arith.index_cast %add3A_242 : i32 to index
      %get3A_244 = tpu.vector_load %arg7[%get3A_243] {strides = array<i32>} : memref<4096xi32, #tpu.memory_space<vmem>>, vector<16xi32>,
      %gather3A = tpu.vector_load_idx %arg5[%get3A_216] : memref<100000xi32, #tpu.memory_space<vmem>>[vector<16xi32>], vector<16xi32>,
      %gather3A_245 = tpu.vector_load_idx %arg5[%get3A_220] : memref<100000xi32, #tpu.memory_space<vmem>>[vector<16xi32>], vector<16xi32>,
      %gather3A_246 = tpu.vector_load_idx %arg5[%get3A_224] : memref<100000xi32, #tpu.memory_space<vmem>>[vector<16xi32>], vector<16xi32>,
      %gather3A_247 = tpu.vector_load_idx %arg5[%get3A_228] : memref<100000xi32, #tpu.memory_space<vmem>>[vector<16xi32>], vector<16xi32>,
      %gather3A_248 = tpu.vector_load_idx %arg5[%get3A_232] : memref<100000xi32, #tpu.memory_space<vmem>>[vector<16xi32>], vector<16xi32>,
      %gather3A_249 = tpu.vector_load_idx %arg5[%get3A_236] : memref<100000xi32, #tpu.memory_space<vmem>>[vector<16xi32>], vector<16xi32>,
      %gather3A_250 = tpu.vector_load_idx %arg5[%get3A_240] : memref<100000xi32, #tpu.memory_space<vmem>>[vector<16xi32>], vector<16xi32>,
      %gather3A_251 = tpu.vector_load_idx %arg5[%get3A_244] : memref<100000xi32, #tpu.memory_space<vmem>>[vector<16xi32>], vector<16xi32>,
      %shift_left3A = arith.constant 16 : i32
      %shift_left3A_252 = vector.broadcast %shift_left3A : i32 to vector<16xi32>
      %shift_left3A_253 = arith.shli %gather3A, %shift_left3A_252 : vector<16xi32>
      %bitcast3A = vector.bitcast %shift_left3A_253 : vector<16xi32> to vector<16xf32>
      %shift_left3A_254 = arith.constant 16 : i32
      %shift_left3A_255 = vector.broadcast %shift_left3A_254 : i32 to vector<16xi32>
      %shift_left3A_256 = arith.shli %gather3A_245, %shift_left3A_255 : vector<16xi32>
      %bitcast3A_257 = vector.bitcast %shift_left3A_256 : vector<16xi32> to vector<16xf32>
      %shift_left3A_258 = arith.constant 16 : i32
      %shift_left3A_259 = vector.broadcast %shift_left3A_258 : i32 to vector<16xi32>
      %shift_left3A_260 = arith.shli %gather3A_246, %shift_left3A_259 : vector<16xi32>
      %bitcast3A_261 = vector.bitcast %shift_left3A_260 : vector<16xi32> to vector<16xf32>
      %shift_left3A_262 = arith.constant 16 : i32
      %shift_left3A_263 = vector.broadcast %shift_left3A_262 : i32 to vector<16xi32>
      %shift_left3A_264 = arith.shli %gather3A_247, %shift_left3A_263 : vector<16xi32>
      %bitcast3A_265 = vector.bitcast %shift_left3A_264 : vector<16xi32> to vector<16xf32>
      %shift_left3A_266 = arith.constant 16 : i32
      %shift_left3A_267 = vector.broadcast %shift_left3A_266 : i32 to vector<16xi32>
      %shift_left3A_268 = arith.shli %gather3A_248, %shift_left3A_267 : vector<16xi32>
      %bitcast3A_269 = vector.bitcast %shift_left3A_268 : vector<16xi32> to vector<16xf32>
      %shift_left3A_270 = arith.constant 16 : i32
      %shift_left3A_271 = vector.broadcast %shift_left3A_270 : i32 to vector<16xi32>
      %shift_left3A_272 = arith.shli %gather3A_249, %shift_left3A_271 : vector<16xi32>
      %bitcast3A_273 = vector.bitcast %shift_left3A_272 : vector<16xi32> to vector<16xf32>
      %shift_left3A_274 = arith.constant 16 : i32
      %shift_left3A_275 = vector.broadcast %shift_left3A_274 : i32 to vector<16xi32>
      %shift_left3A_276 = arith.shli %gather3A_250, %shift_left3A_275 : vector<16xi32>
      %bitcast3A_277 = vector.bitcast %shift_left3A_276 : vector<16xi32> to vector<16xf32>
      %shift_left3A_278 = arith.constant 16 : i32
      %shift_left3A_279 = vector.broadcast %shift_left3A_278 : i32 to vector<16xi32>
      %shift_left3A_280 = arith.shli %gather3A_251, %shift_left3A_279 : vector<16xi32>
      %bitcast3A_281 = vector.bitcast %shift_left3A_280 : vector<16xi32> to vector<16xf32>
      %and3A = arith.constant -65536 : i32
      %and3A_282 = vector.broadcast %and3A : i32 to vector<16xi32>
      %and3A_283 = arith.andi %gather3A, %and3A_282 : vector<16xi32>
      %bitcast3A_284 = vector.bitcast %and3A_283 : vector<16xi32> to vector<16xf32>
      %and3A_285 = arith.constant -65536 : i32
      %and3A_286 = vector.broadcast %and3A_285 : i32 to vector<16xi32>
      %and3A_287 = arith.andi %gather3A_245, %and3A_286 : vector<16xi32>
      %bitcast3A_288 = vector.bitcast %and3A_287 : vector<16xi32> to vector<16xf32>
      %and3A_289 = arith.constant -65536 : i32
      %and3A_290 = vector.broadcast %and3A_289 : i32 to vector<16xi32>
      %and3A_291 = arith.andi %gather3A_246, %and3A_290 : vector<16xi32>
      %bitcast3A_292 = vector.bitcast %and3A_291 : vector<16xi32> to vector<16xf32>
      %and3A_293 = arith.constant -65536 : i32
      %and3A_294 = vector.broadcast %and3A_293 : i32 to vector<16xi32>
      %and3A_295 = arith.andi %gather3A_247, %and3A_294 : vector<16xi32>
      %bitcast3A_296 = vector.bitcast %and3A_295 : vector<16xi32> to vector<16xf32>
      %and3A_297 = arith.constant -65536 : i32
      %and3A_298 = vector.broadcast %and3A_297 : i32 to vector<16xi32>
      %and3A_299 = arith.andi %gather3A_248, %and3A_298 : vector<16xi32>
      %bitcast3A_300 = vector.bitcast %and3A_299 : vector<16xi32> to vector<16xf32>
      %and3A_301 = arith.constant -65536 : i32
      %and3A_302 = vector.broadcast %and3A_301 : i32 to vector<16xi32>
      %and3A_303 = arith.andi %gather3A_249, %and3A_302 : vector<16xi32>
      %bitcast3A_304 = vector.bitcast %and3A_303 : vector<16xi32> to vector<16xf32>
      %and3A_305 = arith.constant -65536 : i32
      %and3A_306 = vector.broadcast %and3A_305 : i32 to vector<16xi32>
      %and3A_307 = arith.andi %gather3A_250, %and3A_306 : vector<16xi32>
      %bitcast3A_308 = vector.bitcast %and3A_307 : vector<16xi32> to vector<16xf32>
      %and3A_309 = arith.constant -65536 : i32
      %and3A_310 = vector.broadcast %and3A_309 : i32 to vector<16xi32>
      %and3A_311 = arith.andi %gather3A_251, %and3A_310 : vector<16xi32>
      %bitcast3A_312 = vector.bitcast %and3A_311 : vector<16xi32> to vector<16xf32>
      %add3A_313 = arith.constant 0 : i32
      %add3A_314 = arith.addi %mul3A_213, %add3A_313 : i32
      %swap3A = arith.index_cast %add3A_314 : i32 to index
      %swap3A_315 = tpu.vector_load %arg9[%swap3A] {strides = array<i32>} : memref<4096xf32, #tpu.memory_space<vmem>>, vector<16xf32>,
      tpu.vector_store %arg9[%swap3A], %bitcast3A {strides = array<i32>} : memref<4096xf32, #tpu.memory_space<vmem>>, vector<16xf32>,
      %add3A_316 = arith.constant 0 : i32
      %add3A_317 = arith.addi %mul3A_213, %add3A_316 : i32
      %swap3A_318 = arith.index_cast %add3A_317 : i32 to index
      %swap3A_319 = tpu.vector_load %arg11[%swap3A_318] {strides = array<i32>} : memref<4096xf32, #tpu.memory_space<vmem>>, vector<16xf32>,
      tpu.vector_store %arg11[%swap3A_318], %bitcast3A_284 {strides = array<i32>} : memref<4096xf32, #tpu.memory_space<vmem>>, vector<16xf32>,
      %add3A_320 = arith.constant 16 : i32
      %add3A_321 = arith.addi %mul3A_213, %add3A_320 : i32
      %swap3A_322 = arith.index_cast %add3A_321 : i32 to index
      %swap3A_323 = tpu.vector_load %arg9[%swap3A_322] {strides = array<i32>} : memref<4096xf32, #tpu.memory_space<vmem>>, vector<16xf32>,
      tpu.vector_store %arg9[%swap3A_322], %bitcast3A_257 {strides = array<i32>} : memref<4096xf32, #tpu.memory_space<vmem>>, vector<16xf32>,
      %add3A_324 = arith.constant 16 : i32
      %add3A_325 = arith.addi %mul3A_213, %add3A_324 : i32
      %swap3A_326 = arith.index_cast %add3A_325 : i32 to index
      %swap3A_327 = tpu.vector_load %arg11[%swap3A_326] {strides = array<i32>} : memref<4096xf32, #tpu.memory_space<vmem>>, vector<16xf32>,
      tpu.vector_store %arg11[%swap3A_326], %bitcast3A_288 {strides = array<i32>} : memref<4096xf32, #tpu.memory_space<vmem>>, vector<16xf32>,
      %add3A_328 = arith.constant 32 : i32
      %add3A_329 = arith.addi %mul3A_213, %add3A_328 : i32
      %swap3A_330 = arith.index_cast %add3A_329 : i32 to index
      %swap3A_331 = tpu.vector_load %arg9[%swap3A_330] {strides = array<i32>} : memref<4096xf32, #tpu.memory_space<vmem>>, vector<16xf32>,
      tpu.vector_store %arg9[%swap3A_330], %bitcast3A_261 {strides = array<i32>} : memref<4096xf32, #tpu.memory_space<vmem>>, vector<16xf32>,
      %add3A_332 = arith.constant 32 : i32
      %add3A_333 = arith.addi %mul3A_213, %add3A_332 : i32
      %swap3A_334 = arith.index_cast %add3A_333 : i32 to index
      %swap3A_335 = tpu.vector_load %arg11[%swap3A_334] {strides = array<i32>} : memref<4096xf32, #tpu.memory_space<vmem>>, vector<16xf32>,
      tpu.vector_store %arg11[%swap3A_334], %bitcast3A_292 {strides = array<i32>} : memref<4096xf32, #tpu.memory_space<vmem>>, vector<16xf32>,
      %add3A_336 = arith.constant 48 : i32
      %add3A_337 = arith.addi %mul3A_213, %add3A_336 : i32
      %swap3A_338 = arith.index_cast %add3A_337 : i32 to index
      %swap3A_339 = tpu.vector_load %arg9[%swap3A_338] {strides = array<i32>} : memref<4096xf32, #tpu.memory_space<vmem>>, vector<16xf32>,
      tpu.vector_store %arg9[%swap3A_338], %bitcast3A_265 {strides = array<i32>} : memref<4096xf32, #tpu.memory_space<vmem>>, vector<16xf32>,
      %add3A_340 = arith.constant 48 : i32
      %add3A_341 = arith.addi %mul3A_213, %add3A_340 : i32
      %swap3A_342 = arith.index_cast %add3A_341 : i32 to index
      %swap3A_343 = tpu.vector_load %arg11[%swap3A_342] {strides = array<i32>} : memref<4096xf32, #tpu.memory_space<vmem>>, vector<16xf32>,
      tpu.vector_store %arg11[%swap3A_342], %bitcast3A_296 {strides = array<i32>} : memref<4096xf32, #tpu.memory_space<vmem>>, vector<16xf32>,
      %add3A_344 = arith.constant 64 : i32
      %add3A_345 = arith.addi %mul3A_213, %add3A_344 : i32
      %swap3A_346 = arith.index_cast %add3A_345 : i32 to index
      %swap3A_347 = tpu.vector_load %arg9[%swap3A_346] {strides = array<i32>} : memref<4096xf32, #tpu.memory_space<vmem>>, vector<16xf32>,
      tpu.vector_store %arg9[%swap3A_346], %bitcast3A_269 {strides = array<i32>} : memref<4096xf32, #tpu.memory_space<vmem>>, vector<16xf32>,
      %add3A_348 = arith.constant 64 : i32
      %add3A_349 = arith.addi %mul3A_213, %add3A_348 : i32
      %swap3A_350 = arith.index_cast %add3A_349 : i32 to index
      %swap3A_351 = tpu.vector_load %arg11[%swap3A_350] {strides = array<i32>} : memref<4096xf32, #tpu.memory_space<vmem>>, vector<16xf32>,
      tpu.vector_store %arg11[%swap3A_350], %bitcast3A_300 {strides = array<i32>} : memref<4096xf32, #tpu.memory_space<vmem>>, vector<16xf32>,
      %add3A_352 = arith.constant 80 : i32
      %add3A_353 = arith.addi %mul3A_213, %add3A_352 : i32
      %swap3A_354 = arith.index_cast %add3A_353 : i32 to index
      %swap3A_355 = tpu.vector_load %arg9[%swap3A_354] {strides = array<i32>} : memref<4096xf32, #tpu.memory_space<vmem>>, vector<16xf32>,
      tpu.vector_store %arg9[%swap3A_354], %bitcast3A_273 {strides = array<i32>} : memref<4096xf32, #tpu.memory_space<vmem>>, vector<16xf32>,
      %add3A_356 = arith.constant 80 : i32
      %add3A_357 = arith.addi %mul3A_213, %add3A_356 : i32
      %swap3A_358 = arith.index_cast %add3A_357 : i32 to index
      %swap3A_359 = tpu.vector_load %arg11[%swap3A_358] {strides = array<i32>} : memref<4096xf32, #tpu.memory_space<vmem>>, vector<16xf32>,
      tpu.vector_store %arg11[%swap3A_358], %bitcast3A_304 {strides = array<i32>} : memref<4096xf32, #tpu.memory_space<vmem>>, vector<16xf32>,
      %add3A_360 = arith.constant 96 : i32
      %add3A_361 = arith.addi %mul3A_213, %add3A_360 : i32
      %swap3A_362 = arith.index_cast %add3A_361 : i32 to index
      %swap3A_363 = tpu.vector_load %arg9[%swap3A_362] {strides = array<i32>} : memref<4096xf32, #tpu.memory_space<vmem>>, vector<16xf32>,
      tpu.vector_store %arg9[%swap3A_362], %bitcast3A_277 {strides = array<i32>} : memref<4096xf32, #tpu.memory_space<vmem>>, vector<16xf32>,
      %add3A_364 = arith.constant 96 : i32
      %add3A_365 = arith.addi %mul3A_213, %add3A_364 : i32
      %swap3A_366 = arith.index_cast %add3A_365 : i32 to index
      %swap3A_367 = tpu.vector_load %arg11[%swap3A_366] {strides = array<i32>} : memref<4096xf32, #tpu.memory_space<vmem>>, vector<16xf32>,
      tpu.vector_store %arg11[%swap3A_366], %bitcast3A_308 {strides = array<i32>} : memref<4096xf32, #tpu.memory_space<vmem>>, vector<16xf32>,
      %add3A_368 = arith.constant 112 : i32
      %add3A_369 = arith.addi %mul3A_213, %add3A_368 : i32
      %swap3A_370 = arith.index_cast %add3A_369 : i32 to index
      %swap3A_371 = tpu.vector_load %arg9[%swap3A_370] {strides = array<i32>} : memref<4096xf32, #tpu.memory_space<vmem>>, vector<16xf32>,
      tpu.vector_store %arg9[%swap3A_370], %bitcast3A_281 {strides = array<i32>} : memref<4096xf32, #tpu.memory_space<vmem>>, vector<16xf32>,
      %add3A_372 = arith.constant 112 : i32
      %add3A_373 = arith.addi %mul3A_213, %add3A_372 : i32
      %swap3A_374 = arith.index_cast %add3A_373 : i32 to index
      %swap3A_375 = tpu.vector_load %arg11[%swap3A_374] {strides = array<i32>} : memref<4096xf32, #tpu.memory_space<vmem>>, vector<16xf32>,
      tpu.vector_store %arg11[%swap3A_374], %bitcast3A_312 {strides = array<i32>} : memref<4096xf32, #tpu.memory_space<vmem>>, vector<16xf32>,
    }
    %scan3A_58 = arith.constant 32 : i32
    %dma_start3A_59 = arith.constant 1 : i32
    %dma_start3A_60 = arith.constant 0 : i32
    %dma_start3A_61 = tpu.memref_slice %arg4[%dma_start3A_59, %add3A, %dma_start3A_60] : memref<50x64x4096xf32, #tpu.memory_space<hbm>> -> memref<1x1x4096xf32, #tpu.memory_space<hbm>>
    %dma_start3A_62 = tpu.memref_squeeze %dma_start3A_61 : memref<1x1x4096xf32, #tpu.memory_space<hbm>> -> memref<4096xf32, #tpu.memory_space<hbm>>
    %dma_start3A_63 = arith.constant 0 : i32
    %dma_start3A_64 = tpu.memref_slice %arg4[%dma_start3A_59, %add3A, %dma_start3A_63] : memref<50x64x4096xf32, #tpu.memory_space<hbm>> -> memref<1x1x4096xf32, #tpu.memory_space<hbm>>
    %dma_start3A_65 = tpu.memref_squeeze %dma_start3A_64 : memref<1x1x4096xf32, #tpu.memory_space<hbm>> -> memref<4096xf32, #tpu.memory_space<hbm>>
    tpu.enqueue_dma source(%arg9 : memref<4096xf32, #tpu.memory_space<vmem>>) target(%dma_start3A_65 : memref<4096xf32, #tpu.memory_space<hbm>>) target_semaphore(%arg15 : memref<!tpu.dma_semaphore, #tpu.memory_space<semaphore_mem>>)
    %add3A_66 = arith.constant 32 : i32
    %add3A_67 = arith.addi %add3A, %add3A_66 : i32
    %dma_start3A_68 = arith.constant 1 : i32
    %dma_start3A_69 = arith.constant 0 : i32
    %dma_start3A_70 = tpu.memref_slice %arg4[%dma_start3A_68, %add3A_67, %dma_start3A_69] : memref<50x64x4096xf32, #tpu.memory_space<hbm>> -> memref<1x1x4096xf32, #tpu.memory_space<hbm>>
    %dma_start3A_71 = tpu.memref_squeeze %dma_start3A_70 : memref<1x1x4096xf32, #tpu.memory_space<hbm>> -> memref<4096xf32, #tpu.memory_space<hbm>>
    %dma_start3A_72 = arith.constant 0 : i32
    %dma_start3A_73 = tpu.memref_slice %arg4[%dma_start3A_68, %add3A_67, %dma_start3A_72] : memref<50x64x4096xf32, #tpu.memory_space<hbm>> -> memref<1x1x4096xf32, #tpu.memory_space<hbm>>
    %dma_start3A_74 = tpu.memref_squeeze %dma_start3A_73 : memref<1x1x4096xf32, #tpu.memory_space<hbm>> -> memref<4096xf32, #tpu.memory_space<hbm>>
    tpu.enqueue_dma source(%arg11 : memref<4096xf32, #tpu.memory_space<vmem>>) target(%dma_start3A_74 : memref<4096xf32, #tpu.memory_space<hbm>>) target_semaphore(%arg17 : memref<!tpu.dma_semaphore, #tpu.memory_space<semaphore_mem>>)
    %dma_start3A_75 = arith.constant 3 : i32
    %dma_start3A_76 = arith.constant 0 : i32
    %dma_start3A_77 = tpu.memref_slice %arg3[%dma_start3A_75, %dma_start3A_76] : memref<50x4096xi32, #tpu.memory_space<hbm>> -> memref<1x4096xi32, #tpu.memory_space<hbm>>
    %dma_start3A_78 = tpu.memref_squeeze %dma_start3A_77 : memref<1x4096xi32, #tpu.memory_space<hbm>> -> memref<4096xi32, #tpu.memory_space<hbm>>
    %dma_start3A_79 = arith.constant 0 : i32
    %dma_start3A_80 = tpu.memref_slice %arg3[%dma_start3A_75, %dma_start3A_79] : memref<50x4096xi32, #tpu.memory_space<hbm>> -> memref<1x4096xi32, #tpu.memory_space<hbm>>
    %dma_start3A_81 = tpu.memref_squeeze %dma_start3A_80 : memref<1x4096xi32, #tpu.memory_space<hbm>> -> memref<4096xi32, #tpu.memory_space<hbm>>
    tpu.enqueue_dma source(%dma_start3A_81 : memref<4096xi32, #tpu.memory_space<hbm>>) target(%arg7 : memref<4096xi32, #tpu.memory_space<vmem>>) target_semaphore(%arg13 : memref<!tpu.dma_semaphore, #tpu.memory_space<semaphore_mem>>)
    %scan3A_82 = arith.constant 0 : i32
    %scan3A_83 = arith.constant 23 : i32
    %scan3A_84 = arith.addi %scan3A_82, %scan3A_83 : i32
    %scan3A_85 = arith.constant 1 : i32
    scf.for %scan3A_207 = %scan3A_82 to %scan3A_84 step %scan3A_85  : i32 {
      %mul3A_208 = arith.constant 1 : i32
      %mul3A_209 = arith.muli %scan3A_207, %mul3A_208 : i32
      %add3A_210 = arith.constant 1 : i32
      %add3A_211 = arith.addi %add3A_210, %mul3A_209 : i32
      %mul3A_212 = arith.constant 2 : i32
      %mul3A_213 = arith.muli %add3A_211, %mul3A_212 : i32
      %add3A_214 = arith.constant 0 : i32
      %add3A_215 = arith.addi %mul3A_213, %add3A_214 : i32
      %dma_wait3A_216 = arith.constant 0 : i32
      %dma_wait3A_217 = arith.constant 0 : i32
      %dma_wait3A_218 = tpu.memref_slice %arg3[%dma_wait3A_216, %dma_wait3A_217] : memref<50x4096xi32, #tpu.memory_space<hbm>> -> memref<1x4096xi32, #tpu.memory_space<hbm>>
      %dma_wait3A_219 = tpu.memref_squeeze %dma_wait3A_218 : memref<1x4096xi32, #tpu.memory_space<hbm>> -> memref<4096xi32, #tpu.memory_space<hbm>>
      %dma_wait3A_220 = arith.constant 0 : i32
      %dma_wait3A_221 = tpu.memref_slice %arg3[%dma_wait3A_216, %dma_wait3A_220] : memref<50x4096xi32, #tpu.memory_space<hbm>> -> memref<1x4096xi32, #tpu.memory_space<hbm>>
      %dma_wait3A_222 = tpu.memref_squeeze %dma_wait3A_221 : memref<1x4096xi32, #tpu.memory_space<hbm>> -> memref<4096xi32, #tpu.memory_space<hbm>>
      tpu.wait_dma2 semaphore(%arg12 : memref<!tpu.dma_semaphore, #tpu.memory_space<semaphore_mem>>) src(%dma_wait3A_222 : memref<4096xi32, #tpu.memory_space<hbm>>) dst(%arg6 : memref<4096xi32, #tpu.memory_space<vmem>>)
      %dma_wait3A_223 = arith.constant 0 : i32
      %dma_wait3A_224 = arith.constant 0 : i32
      %dma_wait3A_225 = arith.constant 0 : i32
      %dma_wait3A_226 = tpu.memref_slice %arg4[%dma_wait3A_223, %dma_wait3A_224, %dma_wait3A_225] : memref<50x64x4096xf32, #tpu.memory_space<hbm>> -> memref<1x1x4096xf32, #tpu.memory_space<hbm>>
      %dma_wait3A_227 = tpu.memref_squeeze %dma_wait3A_226 : memref<1x1x4096xf32, #tpu.memory_space<hbm>> -> memref<4096xf32, #tpu.memory_space<hbm>>
      %dma_wait3A_228 = arith.constant 0 : i32
      %dma_wait3A_229 = tpu.memref_slice %arg4[%dma_wait3A_223, %dma_wait3A_224, %dma_wait3A_228] : memref<50x64x4096xf32, #tpu.memory_space<hbm>> -> memref<1x1x4096xf32, #tpu.memory_space<hbm>>
      %dma_wait3A_230 = tpu.memref_squeeze %dma_wait3A_229 : memref<1x1x4096xf32, #tpu.memory_space<hbm>> -> memref<4096xf32, #tpu.memory_space<hbm>>
      tpu.wait_dma2 semaphore(%arg14 : memref<!tpu.dma_semaphore, #tpu.memory_space<semaphore_mem>>) src(%arg8 : memref<4096xf32, #tpu.memory_space<vmem>>) dst(%dma_wait3A_230 : memref<4096xf32, #tpu.memory_space<hbm>>)
      %dma_wait3A_231 = arith.constant 0 : i32
      %dma_wait3A_232 = arith.constant 0 : i32
      %dma_wait3A_233 = arith.constant 0 : i32
      %dma_wait3A_234 = tpu.memref_slice %arg4[%dma_wait3A_231, %dma_wait3A_232, %dma_wait3A_233] : memref<50x64x4096xf32, #tpu.memory_space<hbm>> -> memref<1x1x4096xf32, #tpu.memory_space<hbm>>
      %dma_wait3A_235 = tpu.memref_squeeze %dma_wait3A_234 : memref<1x1x4096xf32, #tpu.memory_space<hbm>> -> memref<4096xf32, #tpu.memory_space<hbm>>
      %dma_wait3A_236 = arith.constant 0 : i32
      %dma_wait3A_237 = tpu.memref_slice %arg4[%dma_wait3A_231, %dma_wait3A_232, %dma_wait3A_236] : memref<50x64x4096xf32, #tpu.memory_space<hbm>> -> memref<1x1x4096xf32, #tpu.memory_space<hbm>>
      %dma_wait3A_238 = tpu.memref_squeeze %dma_wait3A_237 : memref<1x1x4096xf32, #tpu.memory_space<hbm>> -> memref<4096xf32, #tpu.memory_space<hbm>>
      tpu.wait_dma2 semaphore(%arg16 : memref<!tpu.dma_semaphore, #tpu.memory_space<semaphore_mem>>) src(%arg10 : memref<4096xf32, #tpu.memory_space<vmem>>) dst(%dma_wait3A_238 : memref<4096xf32, #tpu.memory_space<hbm>>)
      %scan3A_239 = arith.constant 0 : i32
      %scan3A_240 = arith.constant 32 : i32
      %scan3A_241 = arith.addi %scan3A_239, %scan3A_240 : i32
      %scan3A_242 = arith.constant 1 : i32
      scf.for %scan3A_320 = %scan3A_239 to %scan3A_241 step %scan3A_242  : i32 {
        %mul3A_321 = arith.constant 1 : i32
        %mul3A_322 = arith.muli %scan3A_320, %mul3A_321 : i32
        %add3A_323 = arith.constant 0 : i32
        %add3A_324 = arith.addi %add3A_323, %mul3A_322 : i32
        %mul3A_325 = arith.constant 128 : i32
        %mul3A_326 = arith.muli %add3A_324, %mul3A_325 : i32
        %add3A_327 = arith.constant 0 : i32
        %add3A_328 = arith.addi %mul3A_326, %add3A_327 : i32
        %get3A = arith.index_cast %add3A_328 : i32 to index
        %get3A_329 = tpu.vector_load %arg6[%get3A] {strides = array<i32>} : memref<4096xi32, #tpu.memory_space<vmem>>, vector<16xi32>,
        %add3A_330 = arith.constant 16 : i32
        %add3A_331 = arith.addi %mul3A_326, %add3A_330 : i32
        %get3A_332 = arith.index_cast %add3A_331 : i32 to index
        %get3A_333 = tpu.vector_load %arg6[%get3A_332] {strides = array<i32>} : memref<4096xi32, #tpu.memory_space<vmem>>, vector<16xi32>,
        %add3A_334 = arith.constant 32 : i32
        %add3A_335 = arith.addi %mul3A_326, %add3A_334 : i32
        %get3A_336 = arith.index_cast %add3A_335 : i32 to index
        %get3A_337 = tpu.vector_load %arg6[%get3A_336] {strides = array<i32>} : memref<4096xi32, #tpu.memory_space<vmem>>, vector<16xi32>,
        %add3A_338 = arith.constant 48 : i32
        %add3A_339 = arith.addi %mul3A_326, %add3A_338 : i32
        %get3A_340 = arith.index_cast %add3A_339 : i32 to index
        %get3A_341 = tpu.vector_load %arg6[%get3A_340] {strides = array<i32>} : memref<4096xi32, #tpu.memory_space<vmem>>, vector<16xi32>,
        %add3A_342 = arith.constant 64 : i32
        %add3A_343 = arith.addi %mul3A_326, %add3A_342 : i32
        %get3A_344 = arith.index_cast %add3A_343 : i32 to index
        %get3A_345 = tpu.vector_load %arg6[%get3A_344] {strides = array<i32>} : memref<4096xi32, #tpu.memory_space<vmem>>, vector<16xi32>,
        %add3A_346 = arith.constant 80 : i32
        %add3A_347 = arith.addi %mul3A_326, %add3A_346 : i32
        %get3A_348 = arith.index_cast %add3A_347 : i32 to index
        %get3A_349 = tpu.vector_load %arg6[%get3A_348] {strides = array<i32>} : memref<4096xi32, #tpu.memory_space<vmem>>, vector<16xi32>,
        %add3A_350 = arith.constant 96 : i32
        %add3A_351 = arith.addi %mul3A_326, %add3A_350 : i32
        %get3A_352 = arith.index_cast %add3A_351 : i32 to index
        %get3A_353 = tpu.vector_load %arg6[%get3A_352] {strides = array<i32>} : memref<4096xi32, #tpu.memory_space<vmem>>, vector<16xi32>,
        %add3A_354 = arith.constant 112 : i32
        %add3A_355 = arith.addi %mul3A_326, %add3A_354 : i32
        %get3A_356 = arith.index_cast %add3A_355 : i32 to index
        %get3A_357 = tpu.vector_load %arg6[%get3A_356] {strides = array<i32>} : memref<4096xi32, #tpu.memory_space<vmem>>, vector<16xi32>,
        %gather3A = tpu.vector_load_idx %arg5[%get3A_329] : memref<100000xi32, #tpu.memory_space<vmem>>[vector<16xi32>], vector<16xi32>,
        %gather3A_358 = tpu.vector_load_idx %arg5[%get3A_333] : memref<100000xi32, #tpu.memory_space<vmem>>[vector<16xi32>], vector<16xi32>,
        %gather3A_359 = tpu.vector_load_idx %arg5[%get3A_337] : memref<100000xi32, #tpu.memory_space<vmem>>[vector<16xi32>], vector<16xi32>,
        %gather3A_360 = tpu.vector_load_idx %arg5[%get3A_341] : memref<100000xi32, #tpu.memory_space<vmem>>[vector<16xi32>], vector<16xi32>,
        %gather3A_361 = tpu.vector_load_idx %arg5[%get3A_345] : memref<100000xi32, #tpu.memory_space<vmem>>[vector<16xi32>], vector<16xi32>,
        %gather3A_362 = tpu.vector_load_idx %arg5[%get3A_349] : memref<100000xi32, #tpu.memory_space<vmem>>[vector<16xi32>], vector<16xi32>,
        %gather3A_363 = tpu.vector_load_idx %arg5[%get3A_353] : memref<100000xi32, #tpu.memory_space<vmem>>[vector<16xi32>], vector<16xi32>,
        %gather3A_364 = tpu.vector_load_idx %arg5[%get3A_357] : memref<100000xi32, #tpu.memory_space<vmem>>[vector<16xi32>], vector<16xi32>,
        %shift_left3A = arith.constant 16 : i32
        %shift_left3A_365 = vector.broadcast %shift_left3A : i32 to vector<16xi32>
        %shift_left3A_366 = arith.shli %gather3A, %shift_left3A_365 : vector<16xi32>
        %bitcast3A = vector.bitcast %shift_left3A_366 : vector<16xi32> to vector<16xf32>
        %shift_left3A_367 = arith.constant 16 : i32
        %shift_left3A_368 = vector.broadcast %shift_left3A_367 : i32 to vector<16xi32>
        %shift_left3A_369 = arith.shli %gather3A_358, %shift_left3A_368 : vector<16xi32>
        %bitcast3A_370 = vector.bitcast %shift_left3A_369 : vector<16xi32> to vector<16xf32>
        %shift_left3A_371 = arith.constant 16 : i32
        %shift_left3A_372 = vector.broadcast %shift_left3A_371 : i32 to vector<16xi32>
        %shift_left3A_373 = arith.shli %gather3A_359, %shift_left3A_372 : vector<16xi32>
        %bitcast3A_374 = vector.bitcast %shift_left3A_373 : vector<16xi32> to vector<16xf32>
        %shift_left3A_375 = arith.constant 16 : i32
        %shift_left3A_376 = vector.broadcast %shift_left3A_375 : i32 to vector<16xi32>
        %shift_left3A_377 = arith.shli %gather3A_360, %shift_left3A_376 : vector<16xi32>
        %bitcast3A_378 = vector.bitcast %shift_left3A_377 : vector<16xi32> to vector<16xf32>
        %shift_left3A_379 = arith.constant 16 : i32
        %shift_left3A_380 = vector.broadcast %shift_left3A_379 : i32 to vector<16xi32>
        %shift_left3A_381 = arith.shli %gather3A_361, %shift_left3A_380 : vector<16xi32>
        %bitcast3A_382 = vector.bitcast %shift_left3A_381 : vector<16xi32> to vector<16xf32>
        %shift_left3A_383 = arith.constant 16 : i32
        %shift_left3A_384 = vector.broadcast %shift_left3A_383 : i32 to vector<16xi32>
        %shift_left3A_385 = arith.shli %gather3A_362, %shift_left3A_384 : vector<16xi32>
        %bitcast3A_386 = vector.bitcast %shift_left3A_385 : vector<16xi32> to vector<16xf32>
        %shift_left3A_387 = arith.constant 16 : i32
        %shift_left3A_388 = vector.broadcast %shift_left3A_387 : i32 to vector<16xi32>
        %shift_left3A_389 = arith.shli %gather3A_363, %shift_left3A_388 : vector<16xi32>
        %bitcast3A_390 = vector.bitcast %shift_left3A_389 : vector<16xi32> to vector<16xf32>
        %shift_left3A_391 = arith.constant 16 : i32
        %shift_left3A_392 = vector.broadcast %shift_left3A_391 : i32 to vector<16xi32>
        %shift_left3A_393 = arith.shli %gather3A_364, %shift_left3A_392 : vector<16xi32>
        %bitcast3A_394 = vector.bitcast %shift_left3A_393 : vector<16xi32> to vector<16xf32>
        %and3A = arith.constant -65536 : i32
        %and3A_395 = vector.broadcast %and3A : i32 to vector<16xi32>
        %and3A_396 = arith.andi %gather3A, %and3A_395 : vector<16xi32>
        %bitcast3A_397 = vector.bitcast %and3A_396 : vector<16xi32> to vector<16xf32>
        %and3A_398 = arith.constant -65536 : i32
        %and3A_399 = vector.broadcast %and3A_398 : i32 to vector<16xi32>
        %and3A_400 = arith.andi %gather3A_358, %and3A_399 : vector<16xi32>
        %bitcast3A_401 = vector.bitcast %and3A_400 : vector<16xi32> to vector<16xf32>
        %and3A_402 = arith.constant -65536 : i32
        %and3A_403 = vector.broadcast %and3A_402 : i32 to vector<16xi32>
        %and3A_404 = arith.andi %gather3A_359, %and3A_403 : vector<16xi32>
        %bitcast3A_405 = vector.bitcast %and3A_404 : vector<16xi32> to vector<16xf32>
        %and3A_406 = arith.constant -65536 : i32
        %and3A_407 = vector.broadcast %and3A_406 : i32 to vector<16xi32>
        %and3A_408 = arith.andi %gather3A_360, %and3A_407 : vector<16xi32>
        %bitcast3A_409 = vector.bitcast %and3A_408 : vector<16xi32> to vector<16xf32>
        %and3A_410 = arith.constant -65536 : i32
        %and3A_411 = vector.broadcast %and3A_410 : i32 to vector<16xi32>
        %and3A_412 = arith.andi %gather3A_361, %and3A_411 : vector<16xi32>
        %bitcast3A_413 = vector.bitcast %and3A_412 : vector<16xi32> to vector<16xf32>
        %and3A_414 = arith.constant -65536 : i32
        %and3A_415 = vector.broadcast %and3A_414 : i32 to vector<16xi32>
        %and3A_416 = arith.andi %gather3A_362, %and3A_415 : vector<16xi32>
        %bitcast3A_417 = vector.bitcast %and3A_416 : vector<16xi32> to vector<16xf32>
        %and3A_418 = arith.constant -65536 : i32
        %and3A_419 = vector.broadcast %and3A_418 : i32 to vector<16xi32>
        %and3A_420 = arith.andi %gather3A_363, %and3A_419 : vector<16xi32>
        %bitcast3A_421 = vector.bitcast %and3A_420 : vector<16xi32> to vector<16xf32>
        %and3A_422 = arith.constant -65536 : i32
        %and3A_423 = vector.broadcast %and3A_422 : i32 to vector<16xi32>
        %and3A_424 = arith.andi %gather3A_364, %and3A_423 : vector<16xi32>
        %bitcast3A_425 = vector.bitcast %and3A_424 : vector<16xi32> to vector<16xf32>
        %add3A_426 = arith.constant 0 : i32
        %add3A_427 = arith.addi %mul3A_326, %add3A_426 : i32
        %swap3A = arith.index_cast %add3A_427 : i32 to index
        %swap3A_428 = tpu.vector_load %arg8[%swap3A] {strides = array<i32>} : memref<4096xf32, #tpu.memory_space<vmem>>, vector<16xf32>,
        tpu.vector_store %arg8[%swap3A], %bitcast3A {strides = array<i32>} : memref<4096xf32, #tpu.memory_space<vmem>>, vector<16xf32>,
        %add3A_429 = arith.constant 0 : i32
        %add3A_430 = arith.addi %mul3A_326, %add3A_429 : i32
        %swap3A_431 = arith.index_cast %add3A_430 : i32 to index
        %swap3A_432 = tpu.vector_load %arg10[%swap3A_431] {strides = array<i32>} : memref<4096xf32, #tpu.memory_space<vmem>>, vector<16xf32>,
        tpu.vector_store %arg10[%swap3A_431], %bitcast3A_397 {strides = array<i32>} : memref<4096xf32, #tpu.memory_space<vmem>>, vector<16xf32>,
        %add3A_433 = arith.constant 16 : i32
        %add3A_434 = arith.addi %mul3A_326, %add3A_433 : i32
        %swap3A_435 = arith.index_cast %add3A_434 : i32 to index
        %swap3A_436 = tpu.vector_load %arg8[%swap3A_435] {strides = array<i32>} : memref<4096xf32, #tpu.memory_space<vmem>>, vector<16xf32>,
        tpu.vector_store %arg8[%swap3A_435], %bitcast3A_370 {strides = array<i32>} : memref<4096xf32, #tpu.memory_space<vmem>>, vector<16xf32>,
        %add3A_437 = arith.constant 16 : i32
        %add3A_438 = arith.addi %mul3A_326, %add3A_437 : i32
        %swap3A_439 = arith.index_cast %add3A_438 : i32 to index
        %swap3A_440 = tpu.vector_load %arg10[%swap3A_439] {strides = array<i32>} : memref<4096xf32, #tpu.memory_space<vmem>>, vector<16xf32>,
        tpu.vector_store %arg10[%swap3A_439], %bitcast3A_401 {strides = array<i32>} : memref<4096xf32, #tpu.memory_space<vmem>>, vector<16xf32>,
        %add3A_441 = arith.constant 32 : i32
        %add3A_442 = arith.addi %mul3A_326, %add3A_441 : i32
        %swap3A_443 = arith.index_cast %add3A_442 : i32 to index
        %swap3A_444 = tpu.vector_load %arg8[%swap3A_443] {strides = array<i32>} : memref<4096xf32, #tpu.memory_space<vmem>>, vector<16xf32>,
        tpu.vector_store %arg8[%swap3A_443], %bitcast3A_374 {strides = array<i32>} : memref<4096xf32, #tpu.memory_space<vmem>>, vector<16xf32>,
        %add3A_445 = arith.constant 32 : i32
        %add3A_446 = arith.addi %mul3A_326, %add3A_445 : i32
        %swap3A_447 = arith.index_cast %add3A_446 : i32 to index
        %swap3A_448 = tpu.vector_load %arg10[%swap3A_447] {strides = array<i32>} : memref<4096xf32, #tpu.memory_space<vmem>>, vector<16xf32>,
        tpu.vector_store %arg10[%swap3A_447], %bitcast3A_405 {strides = array<i32>} : memref<4096xf32, #tpu.memory_space<vmem>>, vector<16xf32>,
        %add3A_449 = arith.constant 48 : i32
        %add3A_450 = arith.addi %mul3A_326, %add3A_449 : i32
        %swap3A_451 = arith.index_cast %add3A_450 : i32 to index
        %swap3A_452 = tpu.vector_load %arg8[%swap3A_451] {strides = array<i32>} : memref<4096xf32, #tpu.memory_space<vmem>>, vector<16xf32>,
        tpu.vector_store %arg8[%swap3A_451], %bitcast3A_378 {strides = array<i32>} : memref<4096xf32, #tpu.memory_space<vmem>>, vector<16xf32>,
        %add3A_453 = arith.constant 48 : i32
        %add3A_454 = arith.addi %mul3A_326, %add3A_453 : i32
        %swap3A_455 = arith.index_cast %add3A_454 : i32 to index
        %swap3A_456 = tpu.vector_load %arg10[%swap3A_455] {strides = array<i32>} : memref<4096xf32, #tpu.memory_space<vmem>>, vector<16xf32>,
        tpu.vector_store %arg10[%swap3A_455], %bitcast3A_409 {strides = array<i32>} : memref<4096xf32, #tpu.memory_space<vmem>>, vector<16xf32>,
        %add3A_457 = arith.constant 64 : i32
        %add3A_458 = arith.addi %mul3A_326, %add3A_457 : i32
        %swap3A_459 = arith.index_cast %add3A_458 : i32 to index
        %swap3A_460 = tpu.vector_load %arg8[%swap3A_459] {strides = array<i32>} : memref<4096xf32, #tpu.memory_space<vmem>>, vector<16xf32>,
        tpu.vector_store %arg8[%swap3A_459], %bitcast3A_382 {strides = array<i32>} : memref<4096xf32, #tpu.memory_space<vmem>>, vector<16xf32>,
        %add3A_461 = arith.constant 64 : i32
        %add3A_462 = arith.addi %mul3A_326, %add3A_461 : i32
        %swap3A_463 = arith.index_cast %add3A_462 : i32 to index
        %swap3A_464 = tpu.vector_load %arg10[%swap3A_463] {strides = array<i32>} : memref<4096xf32, #tpu.memory_space<vmem>>, vector<16xf32>,
        tpu.vector_store %arg10[%swap3A_463], %bitcast3A_413 {strides = array<i32>} : memref<4096xf32, #tpu.memory_space<vmem>>, vector<16xf32>,
        %add3A_465 = arith.constant 80 : i32
        %add3A_466 = arith.addi %mul3A_326, %add3A_465 : i32
        %swap3A_467 = arith.index_cast %add3A_466 : i32 to index
        %swap3A_468 = tpu.vector_load %arg8[%swap3A_467] {strides = array<i32>} : memref<4096xf32, #tpu.memory_space<vmem>>, vector<16xf32>,
        tpu.vector_store %arg8[%swap3A_467], %bitcast3A_386 {strides = array<i32>} : memref<4096xf32, #tpu.memory_space<vmem>>, vector<16xf32>,
        %add3A_469 = arith.constant 80 : i32
        %add3A_470 = arith.addi %mul3A_326, %add3A_469 : i32
        %swap3A_471 = arith.index_cast %add3A_470 : i32 to index
        %swap3A_472 = tpu.vector_load %arg10[%swap3A_471] {strides = array<i32>} : memref<4096xf32, #tpu.memory_space<vmem>>, vector<16xf32>,
        tpu.vector_store %arg10[%swap3A_471], %bitcast3A_417 {strides = array<i32>} : memref<4096xf32, #tpu.memory_space<vmem>>, vector<16xf32>,
        %add3A_473 = arith.constant 96 : i32
        %add3A_474 = arith.addi %mul3A_326, %add3A_473 : i32
        %swap3A_475 = arith.index_cast %add3A_474 : i32 to index
        %swap3A_476 = tpu.vector_load %arg8[%swap3A_475] {strides = array<i32>} : memref<4096xf32, #tpu.memory_space<vmem>>, vector<16xf32>,
        tpu.vector_store %arg8[%swap3A_475], %bitcast3A_390 {strides = array<i32>} : memref<4096xf32, #tpu.memory_space<vmem>>, vector<16xf32>,
        %add3A_477 = arith.constant 96 : i32
        %add3A_478 = arith.addi %mul3A_326, %add3A_477 : i32
        %swap3A_479 = arith.index_cast %add3A_478 : i32 to index
        %swap3A_480 = tpu.vector_load %arg10[%swap3A_479] {strides = array<i32>} : memref<4096xf32, #tpu.memory_space<vmem>>, vector<16xf32>,
        tpu.vector_store %arg10[%swap3A_479], %bitcast3A_421 {strides = array<i32>} : memref<4096xf32, #tpu.memory_space<vmem>>, vector<16xf32>,
        %add3A_481 = arith.constant 112 : i32
        %add3A_482 = arith.addi %mul3A_326, %add3A_481 : i32
        %swap3A_483 = arith.index_cast %add3A_482 : i32 to index
        %swap3A_484 = tpu.vector_load %arg8[%swap3A_483] {strides = array<i32>} : memref<4096xf32, #tpu.memory_space<vmem>>, vector<16xf32>,
        tpu.vector_store %arg8[%swap3A_483], %bitcast3A_394 {strides = array<i32>} : memref<4096xf32, #tpu.memory_space<vmem>>, vector<16xf32>,
        %add3A_485 = arith.constant 112 : i32
        %add3A_486 = arith.addi %mul3A_326, %add3A_485 : i32
        %swap3A_487 = arith.index_cast %add3A_486 : i32 to index
        %swap3A_488 = tpu.vector_load %arg10[%swap3A_487] {strides = array<i32>} : memref<4096xf32, #tpu.memory_space<vmem>>, vector<16xf32>,
        tpu.vector_store %arg10[%swap3A_487], %bitcast3A_425 {strides = array<i32>} : memref<4096xf32, #tpu.memory_space<vmem>>, vector<16xf32>,
      }
      %scan3A_243 = arith.constant 32 : i32
      %dma_start3A_244 = arith.constant 0 : i32
      %dma_start3A_245 = tpu.memref_slice %arg4[%add3A_215, %add3A, %dma_start3A_244] : memref<50x64x4096xf32, #tpu.memory_space<hbm>> -> memref<1x1x4096xf32, #tpu.memory_space<hbm>>
      %dma_start3A_246 = tpu.memref_squeeze %dma_start3A_245 : memref<1x1x4096xf32, #tpu.memory_space<hbm>> -> memref<4096xf32, #tpu.memory_space<hbm>>
      %dma_start3A_247 = arith.constant 0 : i32
      %dma_start3A_248 = tpu.memref_slice %arg4[%add3A_215, %add3A, %dma_start3A_247] : memref<50x64x4096xf32, #tpu.memory_space<hbm>> -> memref<1x1x4096xf32, #tpu.memory_space<hbm>>
      %dma_start3A_249 = tpu.memref_squeeze %dma_start3A_248 : memref<1x1x4096xf32, #tpu.memory_space<hbm>> -> memref<4096xf32, #tpu.memory_space<hbm>>
      tpu.enqueue_dma source(%arg8 : memref<4096xf32, #tpu.memory_space<vmem>>) target(%dma_start3A_249 : memref<4096xf32, #tpu.memory_space<hbm>>) target_semaphore(%arg14 : memref<!tpu.dma_semaphore, #tpu.memory_space<semaphore_mem>>)
      %add3A_250 = arith.constant 32 : i32
      %add3A_251 = arith.addi %add3A, %add3A_250 : i32
      %dma_start3A_252 = arith.constant 0 : i32
      %dma_start3A_253 = tpu.memref_slice %arg4[%add3A_215, %add3A_251, %dma_start3A_252] : memref<50x64x4096xf32, #tpu.memory_space<hbm>> -> memref<1x1x4096xf32, #tpu.memory_space<hbm>>
      %dma_start3A_254 = tpu.memref_squeeze %dma_start3A_253 : memref<1x1x4096xf32, #tpu.memory_space<hbm>> -> memref<4096xf32, #tpu.memory_space<hbm>>
      %dma_start3A_255 = arith.constant 0 : i32
      %dma_start3A_256 = tpu.memref_slice %arg4[%add3A_215, %add3A_251, %dma_start3A_255] : memref<50x64x4096xf32, #tpu.memory_space<hbm>> -> memref<1x1x4096xf32, #tpu.memory_space<hbm>>
      %dma_start3A_257 = tpu.memref_squeeze %dma_start3A_256 : memref<1x1x4096xf32, #tpu.memory_space<hbm>> -> memref<4096xf32, #tpu.memory_space<hbm>>
      tpu.enqueue_dma source(%arg10 : memref<4096xf32, #tpu.memory_space<vmem>>) target(%dma_start3A_257 : memref<4096xf32, #tpu.memory_space<hbm>>) target_semaphore(%arg16 : memref<!tpu.dma_semaphore, #tpu.memory_space<semaphore_mem>>)
      %add3A_258 = arith.constant 2 : i32
      %add3A_259 = arith.addi %add3A_215, %add3A_258 : i32
      %dma_start3A_260 = arith.constant 0 : i32
      %dma_start3A_261 = tpu.memref_slice %arg3[%add3A_259, %dma_start3A_260] : memref<50x4096xi32, #tpu.memory_space<hbm>> -> memref<1x4096xi32, #tpu.memory_space<hbm>>
      %dma_start3A_262 = tpu.memref_squeeze %dma_start3A_261 : memref<1x4096xi32, #tpu.memory_space<hbm>> -> memref<4096xi32, #tpu.memory_space<hbm>>
      %dma_start3A_263 = arith.constant 0 : i32
      %dma_start3A_264 = tpu.memref_slice %arg3[%add3A_259, %dma_start3A_263] : memref<50x4096xi32, #tpu.memory_space<hbm>> -> memref<1x4096xi32, #tpu.memory_space<hbm>>
      %dma_start3A_265 = tpu.memref_squeeze %dma_start3A_264 : memref<1x4096xi32, #tpu.memory_space<hbm>> -> memref<4096xi32, #tpu.memory_space<hbm>>
      tpu.enqueue_dma source(%dma_start3A_265 : memref<4096xi32, #tpu.memory_space<hbm>>) target(%arg6 : memref<4096xi32, #tpu.memory_space<vmem>>) target_semaphore(%arg12 : memref<!tpu.dma_semaphore, #tpu.memory_space<semaphore_mem>>)
      %mul3A_266 = arith.constant 2 : i32
      %mul3A_267 = arith.muli %add3A_211, %mul3A_266 : i32
      %add3A_268 = arith.constant 1 : i32
      %add3A_269 = arith.addi %mul3A_267, %add3A_268 : i32
      %dma_wait3A_270 = arith.constant 0 : i32
      %dma_wait3A_271 = arith.constant 0 : i32
      %dma_wait3A_272 = tpu.memref_slice %arg3[%dma_wait3A_270, %dma_wait3A_271] : memref<50x4096xi32, #tpu.memory_space<hbm>> -> memref<1x4096xi32, #tpu.memory_space<hbm>>
      %dma_wait3A_273 = tpu.memref_squeeze %dma_wait3A_272 : memref<1x4096xi32, #tpu.memory_space<hbm>> -> memref<4096xi32, #tpu.memory_space<hbm>>
      %dma_wait3A_274 = arith.constant 0 : i32
      %dma_wait3A_275 = tpu.memref_slice %arg3[%dma_wait3A_270, %dma_wait3A_274] : memref<50x4096xi32, #tpu.memory_space<hbm>> -> memref<1x4096xi32, #tpu.memory_space<hbm>>
      %dma_wait3A_276 = tpu.memref_squeeze %dma_wait3A_275 : memref<1x4096xi32, #tpu.memory_space<hbm>> -> memref<4096xi32, #tpu.memory_space<hbm>>
      tpu.wait_dma2 semaphore(%arg13 : memref<!tpu.dma_semaphore, #tpu.memory_space<semaphore_mem>>) src(%dma_wait3A_276 : memref<4096xi32, #tpu.memory_space<hbm>>) dst(%arg7 : memref<4096xi32, #tpu.memory_space<vmem>>)
      %dma_wait3A_277 = arith.constant 0 : i32
      %dma_wait3A_278 = arith.constant 0 : i32
      %dma_wait3A_279 = arith.constant 0 : i32
      %dma_wait3A_280 = tpu.memref_slice %arg4[%dma_wait3A_277, %dma_wait3A_278, %dma_wait3A_279] : memref<50x64x4096xf32, #tpu.memory_space<hbm>> -> memref<1x1x4096xf32, #tpu.memory_space<hbm>>
      %dma_wait3A_281 = tpu.memref_squeeze %dma_wait3A_280 : memref<1x1x4096xf32, #tpu.memory_space<hbm>> -> memref<4096xf32, #tpu.memory_space<hbm>>
      %dma_wait3A_282 = arith.constant 0 : i32
      %dma_wait3A_283 = tpu.memref_slice %arg4[%dma_wait3A_277, %dma_wait3A_278, %dma_wait3A_282] : memref<50x64x4096xf32, #tpu.memory_space<hbm>> -> memref<1x1x4096xf32, #tpu.memory_space<hbm>>
      %dma_wait3A_284 = tpu.memref_squeeze %dma_wait3A_283 : memref<1x1x4096xf32, #tpu.memory_space<hbm>> -> memref<4096xf32, #tpu.memory_space<hbm>>
      tpu.wait_dma2 semaphore(%arg15 : memref<!tpu.dma_semaphore, #tpu.memory_space<semaphore_mem>>) src(%arg9 : memref<4096xf32, #tpu.memory_space<vmem>>) dst(%dma_wait3A_284 : memref<4096xf32, #tpu.memory_space<hbm>>)
      %dma_wait3A_285 = arith.constant 0 : i32
      %dma_wait3A_286 = arith.constant 0 : i32
      %dma_wait3A_287 = arith.constant 0 : i32
      %dma_wait3A_288 = tpu.memref_slice %arg4[%dma_wait3A_285, %dma_wait3A_286, %dma_wait3A_287] : memref<50x64x4096xf32, #tpu.memory_space<hbm>> -> memref<1x1x4096xf32, #tpu.memory_space<hbm>>
      %dma_wait3A_289 = tpu.memref_squeeze %dma_wait3A_288 : memref<1x1x4096xf32, #tpu.memory_space<hbm>> -> memref<4096xf32, #tpu.memory_space<hbm>>
      %dma_wait3A_290 = arith.constant 0 : i32
      %dma_wait3A_291 = tpu.memref_slice %arg4[%dma_wait3A_285, %dma_wait3A_286, %dma_wait3A_290] : memref<50x64x4096xf32, #tpu.memory_space<hbm>> -> memref<1x1x4096xf32, #tpu.memory_space<hbm>>
      %dma_wait3A_292 = tpu.memref_squeeze %dma_wait3A_291 : memref<1x1x4096xf32, #tpu.memory_space<hbm>> -> memref<4096xf32, #tpu.memory_space<hbm>>
      tpu.wait_dma2 semaphore(%arg17 : memref<!tpu.dma_semaphore, #tpu.memory_space<semaphore_mem>>) src(%arg11 : memref<4096xf32, #tpu.memory_space<vmem>>) dst(%dma_wait3A_292 : memref<4096xf32, #tpu.memory_space<hbm>>)
      %scan3A_293 = arith.constant 0 : i32
      %scan3A_294 = arith.constant 32 : i32
      %scan3A_295 = arith.addi %scan3A_293, %scan3A_294 : i32
      %scan3A_296 = arith.constant 1 : i32
      scf.for %scan3A_320 = %scan3A_293 to %scan3A_295 step %scan3A_296  : i32 {
        %mul3A_321 = arith.constant 1 : i32
        %mul3A_322 = arith.muli %scan3A_320, %mul3A_321 : i32
        %add3A_323 = arith.constant 0 : i32
        %add3A_324 = arith.addi %add3A_323, %mul3A_322 : i32
        %mul3A_325 = arith.constant 128 : i32
        %mul3A_326 = arith.muli %add3A_324, %mul3A_325 : i32
        %add3A_327 = arith.constant 0 : i32
        %add3A_328 = arith.addi %mul3A_326, %add3A_327 : i32
        %get3A = arith.index_cast %add3A_328 : i32 to index
        %get3A_329 = tpu.vector_load %arg7[%get3A] {strides = array<i32>} : memref<4096xi32, #tpu.memory_space<vmem>>, vector<16xi32>,
        %add3A_330 = arith.constant 16 : i32
        %add3A_331 = arith.addi %mul3A_326, %add3A_330 : i32
        %get3A_332 = arith.index_cast %add3A_331 : i32 to index
        %get3A_333 = tpu.vector_load %arg7[%get3A_332] {strides = array<i32>} : memref<4096xi32, #tpu.memory_space<vmem>>, vector<16xi32>,
        %add3A_334 = arith.constant 32 : i32
        %add3A_335 = arith.addi %mul3A_326, %add3A_334 : i32
        %get3A_336 = arith.index_cast %add3A_335 : i32 to index
        %get3A_337 = tpu.vector_load %arg7[%get3A_336] {strides = array<i32>} : memref<4096xi32, #tpu.memory_space<vmem>>, vector<16xi32>,
        %add3A_338 = arith.constant 48 : i32
        %add3A_339 = arith.addi %mul3A_326, %add3A_338 : i32
        %get3A_340 = arith.index_cast %add3A_339 : i32 to index
        %get3A_341 = tpu.vector_load %arg7[%get3A_340] {strides = array<i32>} : memref<4096xi32, #tpu.memory_space<vmem>>, vector<16xi32>,
        %add3A_342 = arith.constant 64 : i32
        %add3A_343 = arith.addi %mul3A_326, %add3A_342 : i32
        %get3A_344 = arith.index_cast %add3A_343 : i32 to index
        %get3A_345 = tpu.vector_load %arg7[%get3A_344] {strides = array<i32>} : memref<4096xi32, #tpu.memory_space<vmem>>, vector<16xi32>,
        %add3A_346 = arith.constant 80 : i32
        %add3A_347 = arith.addi %mul3A_326, %add3A_346 : i32
        %get3A_348 = arith.index_cast %add3A_347 : i32 to index
        %get3A_349 = tpu.vector_load %arg7[%get3A_348] {strides = array<i32>} : memref<4096xi32, #tpu.memory_space<vmem>>, vector<16xi32>,
        %add3A_350 = arith.constant 96 : i32
        %add3A_351 = arith.addi %mul3A_326, %add3A_350 : i32
        %get3A_352 = arith.index_cast %add3A_351 : i32 to index
        %get3A_353 = tpu.vector_load %arg7[%get3A_352] {strides = array<i32>} : memref<4096xi32, #tpu.memory_space<vmem>>, vector<16xi32>,
        %add3A_354 = arith.constant 112 : i32
        %add3A_355 = arith.addi %mul3A_326, %add3A_354 : i32
        %get3A_356 = arith.index_cast %add3A_355 : i32 to index
        %get3A_357 = tpu.vector_load %arg7[%get3A_356] {strides = array<i32>} : memref<4096xi32, #tpu.memory_space<vmem>>, vector<16xi32>,
        %gather3A = tpu.vector_load_idx %arg5[%get3A_329] : memref<100000xi32, #tpu.memory_space<vmem>>[vector<16xi32>], vector<16xi32>,
        %gather3A_358 = tpu.vector_load_idx %arg5[%get3A_333] : memref<100000xi32, #tpu.memory_space<vmem>>[vector<16xi32>], vector<16xi32>,
        %gather3A_359 = tpu.vector_load_idx %arg5[%get3A_337] : memref<100000xi32, #tpu.memory_space<vmem>>[vector<16xi32>], vector<16xi32>,
        %gather3A_360 = tpu.vector_load_idx %arg5[%get3A_341] : memref<100000xi32, #tpu.memory_space<vmem>>[vector<16xi32>], vector<16xi32>,
        %gather3A_361 = tpu.vector_load_idx %arg5[%get3A_345] : memref<100000xi32, #tpu.memory_space<vmem>>[vector<16xi32>], vector<16xi32>,
        %gather3A_362 = tpu.vector_load_idx %arg5[%get3A_349] : memref<100000xi32, #tpu.memory_space<vmem>>[vector<16xi32>], vector<16xi32>,
        %gather3A_363 = tpu.vector_load_idx %arg5[%get3A_353] : memref<100000xi32, #tpu.memory_space<vmem>>[vector<16xi32>], vector<16xi32>,
        %gather3A_364 = tpu.vector_load_idx %arg5[%get3A_357] : memref<100000xi32, #tpu.memory_space<vmem>>[vector<16xi32>], vector<16xi32>,
        %shift_left3A = arith.constant 16 : i32
        %shift_left3A_365 = vector.broadcast %shift_left3A : i32 to vector<16xi32>
        %shift_left3A_366 = arith.shli %gather3A, %shift_left3A_365 : vector<16xi32>
        %bitcast3A = vector.bitcast %shift_left3A_366 : vector<16xi32> to vector<16xf32>
        %shift_left3A_367 = arith.constant 16 : i32
        %shift_left3A_368 = vector.broadcast %shift_left3A_367 : i32 to vector<16xi32>
        %shift_left3A_369 = arith.shli %gather3A_358, %shift_left3A_368 : vector<16xi32>
        %bitcast3A_370 = vector.bitcast %shift_left3A_369 : vector<16xi32> to vector<16xf32>
        %shift_left3A_371 = arith.constant 16 : i32
        %shift_left3A_372 = vector.broadcast %shift_left3A_371 : i32 to vector<16xi32>
        %shift_left3A_373 = arith.shli %gather3A_359, %shift_left3A_372 : vector<16xi32>
        %bitcast3A_374 = vector.bitcast %shift_left3A_373 : vector<16xi32> to vector<16xf32>
        %shift_left3A_375 = arith.constant 16 : i32
        %shift_left3A_376 = vector.broadcast %shift_left3A_375 : i32 to vector<16xi32>
        %shift_left3A_377 = arith.shli %gather3A_360, %shift_left3A_376 : vector<16xi32>
        %bitcast3A_378 = vector.bitcast %shift_left3A_377 : vector<16xi32> to vector<16xf32>
        %shift_left3A_379 = arith.constant 16 : i32
        %shift_left3A_380 = vector.broadcast %shift_left3A_379 : i32 to vector<16xi32>
        %shift_left3A_381 = arith.shli %gather3A_361, %shift_left3A_380 : vector<16xi32>
        %bitcast3A_382 = vector.bitcast %shift_left3A_381 : vector<16xi32> to vector<16xf32>
        %shift_left3A_383 = arith.constant 16 : i32
        %shift_left3A_384 = vector.broadcast %shift_left3A_383 : i32 to vector<16xi32>
        %shift_left3A_385 = arith.shli %gather3A_362, %shift_left3A_384 : vector<16xi32>
        %bitcast3A_386 = vector.bitcast %shift_left3A_385 : vector<16xi32> to vector<16xf32>
        %shift_left3A_387 = arith.constant 16 : i32
        %shift_left3A_388 = vector.broadcast %shift_left3A_387 : i32 to vector<16xi32>
        %shift_left3A_389 = arith.shli %gather3A_363, %shift_left3A_388 : vector<16xi32>
        %bitcast3A_390 = vector.bitcast %shift_left3A_389 : vector<16xi32> to vector<16xf32>
        %shift_left3A_391 = arith.constant 16 : i32
        %shift_left3A_392 = vector.broadcast %shift_left3A_391 : i32 to vector<16xi32>
        %shift_left3A_393 = arith.shli %gather3A_364, %shift_left3A_392 : vector<16xi32>
        %bitcast3A_394 = vector.bitcast %shift_left3A_393 : vector<16xi32> to vector<16xf32>
        %and3A = arith.constant -65536 : i32
        %and3A_395 = vector.broadcast %and3A : i32 to vector<16xi32>
        %and3A_396 = arith.andi %gather3A, %and3A_395 : vector<16xi32>
        %bitcast3A_397 = vector.bitcast %and3A_396 : vector<16xi32> to vector<16xf32>
        %and3A_398 = arith.constant -65536 : i32
        %and3A_399 = vector.broadcast %and3A_398 : i32 to vector<16xi32>
        %and3A_400 = arith.andi %gather3A_358, %and3A_399 : vector<16xi32>
        %bitcast3A_401 = vector.bitcast %and3A_400 : vector<16xi32> to vector<16xf32>
        %and3A_402 = arith.constant -65536 : i32
        %and3A_403 = vector.broadcast %and3A_402 : i32 to vector<16xi32>
        %and3A_404 = arith.andi %gather3A_359, %and3A_403 : vector<16xi32>
        %bitcast3A_405 = vector.bitcast %and3A_404 : vector<16xi32> to vector<16xf32>
        %and3A_406 = arith.constant -65536 : i32
        %and3A_407 = vector.broadcast %and3A_406 : i32 to vector<16xi32>
        %and3A_408 = arith.andi %gather3A_360, %and3A_407 : vector<16xi32>
        %bitcast3A_409 = vector.bitcast %and3A_408 : vector<16xi32> to vector<16xf32>
        %and3A_410 = arith.constant -65536 : i32
        %and3A_411 = vector.broadcast %and3A_410 : i32 to vector<16xi32>
        %and3A_412 = arith.andi %gather3A_361, %and3A_411 : vector<16xi32>
        %bitcast3A_413 = vector.bitcast %and3A_412 : vector<16xi32> to vector<16xf32>
        %and3A_414 = arith.constant -65536 : i32
        %and3A_415 = vector.broadcast %and3A_414 : i32 to vector<16xi32>
        %and3A_416 = arith.andi %gather3A_362, %and3A_415 : vector<16xi32>
        %bitcast3A_417 = vector.bitcast %and3A_416 : vector<16xi32> to vector<16xf32>
        %and3A_418 = arith.constant -65536 : i32
        %and3A_419 = vector.broadcast %and3A_418 : i32 to vector<16xi32>
        %and3A_420 = arith.andi %gather3A_363, %and3A_419 : vector<16xi32>
        %bitcast3A_421 = vector.bitcast %and3A_420 : vector<16xi32> to vector<16xf32>
        %and3A_422 = arith.constant -65536 : i32
        %and3A_423 = vector.broadcast %and3A_422 : i32 to vector<16xi32>
        %and3A_424 = arith.andi %gather3A_364, %and3A_423 : vector<16xi32>
        %bitcast3A_425 = vector.bitcast %and3A_424 : vector<16xi32> to vector<16xf32>
        %add3A_426 = arith.constant 0 : i32
        %add3A_427 = arith.addi %mul3A_326, %add3A_426 : i32
        %swap3A = arith.index_cast %add3A_427 : i32 to index
        %swap3A_428 = tpu.vector_load %arg9[%swap3A] {strides = array<i32>} : memref<4096xf32, #tpu.memory_space<vmem>>, vector<16xf32>,
        tpu.vector_store %arg9[%swap3A], %bitcast3A {strides = array<i32>} : memref<4096xf32, #tpu.memory_space<vmem>>, vector<16xf32>,
        %add3A_429 = arith.constant 0 : i32
        %add3A_430 = arith.addi %mul3A_326, %add3A_429 : i32
        %swap3A_431 = arith.index_cast %add3A_430 : i32 to index
        %swap3A_432 = tpu.vector_load %arg11[%swap3A_431] {strides = array<i32>} : memref<4096xf32, #tpu.memory_space<vmem>>, vector<16xf32>,
        tpu.vector_store %arg11[%swap3A_431], %bitcast3A_397 {strides = array<i32>} : memref<4096xf32, #tpu.memory_space<vmem>>, vector<16xf32>,
        %add3A_433 = arith.constant 16 : i32
        %add3A_434 = arith.addi %mul3A_326, %add3A_433 : i32
        %swap3A_435 = arith.index_cast %add3A_434 : i32 to index
        %swap3A_436 = tpu.vector_load %arg9[%swap3A_435] {strides = array<i32>} : memref<4096xf32, #tpu.memory_space<vmem>>, vector<16xf32>,
        tpu.vector_store %arg9[%swap3A_435], %bitcast3A_370 {strides = array<i32>} : memref<4096xf32, #tpu.memory_space<vmem>>, vector<16xf32>,
        %add3A_437 = arith.constant 16 : i32
        %add3A_438 = arith.addi %mul3A_326, %add3A_437 : i32
        %swap3A_439 = arith.index_cast %add3A_438 : i32 to index
        %swap3A_440 = tpu.vector_load %arg11[%swap3A_439] {strides = array<i32>} : memref<4096xf32, #tpu.memory_space<vmem>>, vector<16xf32>,
        tpu.vector_store %arg11[%swap3A_439], %bitcast3A_401 {strides = array<i32>} : memref<4096xf32, #tpu.memory_space<vmem>>, vector<16xf32>,
        %add3A_441 = arith.constant 32 : i32
        %add3A_442 = arith.addi %mul3A_326, %add3A_441 : i32
        %swap3A_443 = arith.index_cast %add3A_442 : i32 to index
        %swap3A_444 = tpu.vector_load %arg9[%swap3A_443] {strides = array<i32>} : memref<4096xf32, #tpu.memory_space<vmem>>, vector<16xf32>,
        tpu.vector_store %arg9[%swap3A_443], %bitcast3A_374 {strides = array<i32>} : memref<4096xf32, #tpu.memory_space<vmem>>, vector<16xf32>,
        %add3A_445 = arith.constant 32 : i32
        %add3A_446 = arith.addi %mul3A_326, %add3A_445 : i32
        %swap3A_447 = arith.index_cast %add3A_446 : i32 to index
        %swap3A_448 = tpu.vector_load %arg11[%swap3A_447] {strides = array<i32>} : memref<4096xf32, #tpu.memory_space<vmem>>, vector<16xf32>,
        tpu.vector_store %arg11[%swap3A_447], %bitcast3A_405 {strides = array<i32>} : memref<4096xf32, #tpu.memory_space<vmem>>, vector<16xf32>,
        %add3A_449 = arith.constant 48 : i32
        %add3A_450 = arith.addi %mul3A_326, %add3A_449 : i32
        %swap3A_451 = arith.index_cast %add3A_450 : i32 to index
        %swap3A_452 = tpu.vector_load %arg9[%swap3A_451] {strides = array<i32>} : memref<4096xf32, #tpu.memory_space<vmem>>, vector<16xf32>,
        tpu.vector_store %arg9[%swap3A_451], %bitcast3A_378 {strides = array<i32>} : memref<4096xf32, #tpu.memory_space<vmem>>, vector<16xf32>,
        %add3A_453 = arith.constant 48 : i32
        %add3A_454 = arith.addi %mul3A_326, %add3A_453 : i32
        %swap3A_455 = arith.index_cast %add3A_454 : i32 to index
        %swap3A_456 = tpu.vector_load %arg11[%swap3A_455] {strides = array<i32>} : memref<4096xf32, #tpu.memory_space<vmem>>, vector<16xf32>,
        tpu.vector_store %arg11[%swap3A_455], %bitcast3A_409 {strides = array<i32>} : memref<4096xf32, #tpu.memory_space<vmem>>, vector<16xf32>,
        %add3A_457 = arith.constant 64 : i32
        %add3A_458 = arith.addi %mul3A_326, %add3A_457 : i32
        %swap3A_459 = arith.index_cast %add3A_458 : i32 to index
        %swap3A_460 = tpu.vector_load %arg9[%swap3A_459] {strides = array<i32>} : memref<4096xf32, #tpu.memory_space<vmem>>, vector<16xf32>,
        tpu.vector_store %arg9[%swap3A_459], %bitcast3A_382 {strides = array<i32>} : memref<4096xf32, #tpu.memory_space<vmem>>, vector<16xf32>,
        %add3A_461 = arith.constant 64 : i32
        %add3A_462 = arith.addi %mul3A_326, %add3A_461 : i32
        %swap3A_463 = arith.index_cast %add3A_462 : i32 to index
        %swap3A_464 = tpu.vector_load %arg11[%swap3A_463] {strides = array<i32>} : memref<4096xf32, #tpu.memory_space<vmem>>, vector<16xf32>,
        tpu.vector_store %arg11[%swap3A_463], %bitcast3A_413 {strides = array<i32>} : memref<4096xf32, #tpu.memory_space<vmem>>, vector<16xf32>,
        %add3A_465 = arith.constant 80 : i32
        %add3A_466 = arith.addi %mul3A_326, %add3A_465 : i32
        %swap3A_467 = arith.index_cast %add3A_466 : i32 to index
        %swap3A_468 = tpu.vector_load %arg9[%swap3A_467] {strides = array<i32>} : memref<4096xf32, #tpu.memory_space<vmem>>, vector<16xf32>,
        tpu.vector_store %arg9[%swap3A_467], %bitcast3A_386 {strides = array<i32>} : memref<4096xf32, #tpu.memory_space<vmem>>, vector<16xf32>,
        %add3A_469 = arith.constant 80 : i32
        %add3A_470 = arith.addi %mul3A_326, %add3A_469 : i32
        %swap3A_471 = arith.index_cast %add3A_470 : i32 to index
        %swap3A_472 = tpu.vector_load %arg11[%swap3A_471] {strides = array<i32>} : memref<4096xf32, #tpu.memory_space<vmem>>, vector<16xf32>,
        tpu.vector_store %arg11[%swap3A_471], %bitcast3A_417 {strides = array<i32>} : memref<4096xf32, #tpu.memory_space<vmem>>, vector<16xf32>,
        %add3A_473 = arith.constant 96 : i32
        %add3A_474 = arith.addi %mul3A_326, %add3A_473 : i32
        %swap3A_475 = arith.index_cast %add3A_474 : i32 to index
        %swap3A_476 = tpu.vector_load %arg9[%swap3A_475] {strides = array<i32>} : memref<4096xf32, #tpu.memory_space<vmem>>, vector<16xf32>,
        tpu.vector_store %arg9[%swap3A_475], %bitcast3A_390 {strides = array<i32>} : memref<4096xf32, #tpu.memory_space<vmem>>, vector<16xf32>,
        %add3A_477 = arith.constant 96 : i32
        %add3A_478 = arith.addi %mul3A_326, %add3A_477 : i32
        %swap3A_479 = arith.index_cast %add3A_478 : i32 to index
        %swap3A_480 = tpu.vector_load %arg11[%swap3A_479] {strides = array<i32>} : memref<4096xf32, #tpu.memory_space<vmem>>, vector<16xf32>,
        tpu.vector_store %arg11[%swap3A_479], %bitcast3A_421 {strides = array<i32>} : memref<4096xf32, #tpu.memory_space<vmem>>, vector<16xf32>,
        %add3A_481 = arith.constant 112 : i32
        %add3A_482 = arith.addi %mul3A_326, %add3A_481 : i32
        %swap3A_483 = arith.index_cast %add3A_482 : i32 to index
        %swap3A_484 = tpu.vector_load %arg9[%swap3A_483] {strides = array<i32>} : memref<4096xf32, #tpu.memory_space<vmem>>, vector<16xf32>,
        tpu.vector_store %arg9[%swap3A_483], %bitcast3A_394 {strides = array<i32>} : memref<4096xf32, #tpu.memory_space<vmem>>, vector<16xf32>,
        %add3A_485 = arith.constant 112 : i32
        %add3A_486 = arith.addi %mul3A_326, %add3A_485 : i32
        %swap3A_487 = arith.index_cast %add3A_486 : i32 to index
        %swap3A_488 = tpu.vector_load %arg11[%swap3A_487] {strides = array<i32>} : memref<4096xf32, #tpu.memory_space<vmem>>, vector<16xf32>,
        tpu.vector_store %arg11[%swap3A_487], %bitcast3A_425 {strides = array<i32>} : memref<4096xf32, #tpu.memory_space<vmem>>, vector<16xf32>,
      }
      %scan3A_297 = arith.constant 32 : i32
      %dma_start3A_298 = arith.constant 0 : i32
      %dma_start3A_299 = tpu.memref_slice %arg4[%add3A_269, %add3A, %dma_start3A_298] : memref<50x64x4096xf32, #tpu.memory_space<hbm>> -> memref<1x1x4096xf32, #tpu.memory_space<hbm>>
      %dma_start3A_300 = tpu.memref_squeeze %dma_start3A_299 : memref<1x1x4096xf32, #tpu.memory_space<hbm>> -> memref<4096xf32, #tpu.memory_space<hbm>>
      %dma_start3A_301 = arith.constant 0 : i32
      %dma_start3A_302 = tpu.memref_slice %arg4[%add3A_269, %add3A, %dma_start3A_301] : memref<50x64x4096xf32, #tpu.memory_space<hbm>> -> memref<1x1x4096xf32, #tpu.memory_space<hbm>>
      %dma_start3A_303 = tpu.memref_squeeze %dma_start3A_302 : memref<1x1x4096xf32, #tpu.memory_space<hbm>> -> memref<4096xf32, #tpu.memory_space<hbm>>
      tpu.enqueue_dma source(%arg9 : memref<4096xf32, #tpu.memory_space<vmem>>) target(%dma_start3A_303 : memref<4096xf32, #tpu.memory_space<hbm>>) target_semaphore(%arg15 : memref<!tpu.dma_semaphore, #tpu.memory_space<semaphore_mem>>)
      %add3A_304 = arith.constant 32 : i32
      %add3A_305 = arith.addi %add3A, %add3A_304 : i32
      %dma_start3A_306 = arith.constant 0 : i32
      %dma_start3A_307 = tpu.memref_slice %arg4[%add3A_269, %add3A_305, %dma_start3A_306] : memref<50x64x4096xf32, #tpu.memory_space<hbm>> -> memref<1x1x4096xf32, #tpu.memory_space<hbm>>
      %dma_start3A_308 = tpu.memref_squeeze %dma_start3A_307 : memref<1x1x4096xf32, #tpu.memory_space<hbm>> -> memref<4096xf32, #tpu.memory_space<hbm>>
      %dma_start3A_309 = arith.constant 0 : i32
      %dma_start3A_310 = tpu.memref_slice %arg4[%add3A_269, %add3A_305, %dma_start3A_309] : memref<50x64x4096xf32, #tpu.memory_space<hbm>> -> memref<1x1x4096xf32, #tpu.memory_space<hbm>>
      %dma_start3A_311 = tpu.memref_squeeze %dma_start3A_310 : memref<1x1x4096xf32, #tpu.memory_space<hbm>> -> memref<4096xf32, #tpu.memory_space<hbm>>
      tpu.enqueue_dma source(%arg11 : memref<4096xf32, #tpu.memory_space<vmem>>) target(%dma_start3A_311 : memref<4096xf32, #tpu.memory_space<hbm>>) target_semaphore(%arg17 : memref<!tpu.dma_semaphore, #tpu.memory_space<semaphore_mem>>)
      %add3A_312 = arith.constant 2 : i32
      %add3A_313 = arith.addi %add3A_269, %add3A_312 : i32
      %dma_start3A_314 = arith.constant 0 : i32
      %dma_start3A_315 = tpu.memref_slice %arg3[%add3A_313, %dma_start3A_314] : memref<50x4096xi32, #tpu.memory_space<hbm>> -> memref<1x4096xi32, #tpu.memory_space<hbm>>
      %dma_start3A_316 = tpu.memref_squeeze %dma_start3A_315 : memref<1x4096xi32, #tpu.memory_space<hbm>> -> memref<4096xi32, #tpu.memory_space<hbm>>
      %dma_start3A_317 = arith.constant 0 : i32
      %dma_start3A_318 = tpu.memref_slice %arg3[%add3A_313, %dma_start3A_317] : memref<50x4096xi32, #tpu.memory_space<hbm>> -> memref<1x4096xi32, #tpu.memory_space<hbm>>
      %dma_start3A_319 = tpu.memref_squeeze %dma_start3A_318 : memref<1x4096xi32, #tpu.memory_space<hbm>> -> memref<4096xi32, #tpu.memory_space<hbm>>
      tpu.enqueue_dma source(%dma_start3A_319 : memref<4096xi32, #tpu.memory_space<hbm>>) target(%arg7 : memref<4096xi32, #tpu.memory_space<vmem>>) target_semaphore(%arg13 : memref<!tpu.dma_semaphore, #tpu.memory_space<semaphore_mem>>)
    }
    %scan3A_86 = arith.constant 23 : i32
    %dma_wait3A_87 = arith.constant 0 : i32
    %dma_wait3A_88 = arith.constant 0 : i32
    %dma_wait3A_89 = tpu.memref_slice %arg3[%dma_wait3A_87, %dma_wait3A_88] : memref<50x4096xi32, #tpu.memory_space<hbm>> -> memref<1x4096xi32, #tpu.memory_space<hbm>>
    %dma_wait3A_90 = tpu.memref_squeeze %dma_wait3A_89 : memref<1x4096xi32, #tpu.memory_space<hbm>> -> memref<4096xi32, #tpu.memory_space<hbm>>
    %dma_wait3A_91 = arith.constant 0 : i32
    %dma_wait3A_92 = tpu.memref_slice %arg3[%dma_wait3A_87, %dma_wait3A_91] : memref<50x4096xi32, #tpu.memory_space<hbm>> -> memref<1x4096xi32, #tpu.memory_space<hbm>>
    %dma_wait3A_93 = tpu.memref_squeeze %dma_wait3A_92 : memref<1x4096xi32, #tpu.memory_space<hbm>> -> memref<4096xi32, #tpu.memory_space<hbm>>
    tpu.wait_dma2 semaphore(%arg12 : memref<!tpu.dma_semaphore, #tpu.memory_space<semaphore_mem>>) src(%dma_wait3A_93 : memref<4096xi32, #tpu.memory_space<hbm>>) dst(%arg6 : memref<4096xi32, #tpu.memory_space<vmem>>)
    %dma_wait3A_94 = arith.constant 0 : i32
    %dma_wait3A_95 = arith.constant 0 : i32
    %dma_wait3A_96 = arith.constant 0 : i32
    %dma_wait3A_97 = tpu.memref_slice %arg4[%dma_wait3A_94, %dma_wait3A_95, %dma_wait3A_96] : memref<50x64x4096xf32, #tpu.memory_space<hbm>> -> memref<1x1x4096xf32, #tpu.memory_space<hbm>>
    %dma_wait3A_98 = tpu.memref_squeeze %dma_wait3A_97 : memref<1x1x4096xf32, #tpu.memory_space<hbm>> -> memref<4096xf32, #tpu.memory_space<hbm>>
    %dma_wait3A_99 = arith.constant 0 : i32
    %dma_wait3A_100 = tpu.memref_slice %arg4[%dma_wait3A_94, %dma_wait3A_95, %dma_wait3A_99] : memref<50x64x4096xf32, #tpu.memory_space<hbm>> -> memref<1x1x4096xf32, #tpu.memory_space<hbm>>
    %dma_wait3A_101 = tpu.memref_squeeze %dma_wait3A_100 : memref<1x1x4096xf32, #tpu.memory_space<hbm>> -> memref<4096xf32, #tpu.memory_space<hbm>>
    tpu.wait_dma2 semaphore(%arg14 : memref<!tpu.dma_semaphore, #tpu.memory_space<semaphore_mem>>) src(%arg8 : memref<4096xf32, #tpu.memory_space<vmem>>) dst(%dma_wait3A_101 : memref<4096xf32, #tpu.memory_space<hbm>>)
    %dma_wait3A_102 = arith.constant 0 : i32
    %dma_wait3A_103 = arith.constant 0 : i32
    %dma_wait3A_104 = arith.constant 0 : i32
    %dma_wait3A_105 = tpu.memref_slice %arg4[%dma_wait3A_102, %dma_wait3A_103, %dma_wait3A_104] : memref<50x64x4096xf32, #tpu.memory_space<hbm>> -> memref<1x1x4096xf32, #tpu.memory_space<hbm>>
    %dma_wait3A_106 = tpu.memref_squeeze %dma_wait3A_105 : memref<1x1x4096xf32, #tpu.memory_space<hbm>> -> memref<4096xf32, #tpu.memory_space<hbm>>
    %dma_wait3A_107 = arith.constant 0 : i32
    %dma_wait3A_108 = tpu.memref_slice %arg4[%dma_wait3A_102, %dma_wait3A_103, %dma_wait3A_107] : memref<50x64x4096xf32, #tpu.memory_space<hbm>> -> memref<1x1x4096xf32, #tpu.memory_space<hbm>>
    %dma_wait3A_109 = tpu.memref_squeeze %dma_wait3A_108 : memref<1x1x4096xf32, #tpu.memory_space<hbm>> -> memref<4096xf32, #tpu.memory_space<hbm>>
    tpu.wait_dma2 semaphore(%arg16 : memref<!tpu.dma_semaphore, #tpu.memory_space<semaphore_mem>>) src(%arg10 : memref<4096xf32, #tpu.memory_space<vmem>>) dst(%dma_wait3A_109 : memref<4096xf32, #tpu.memory_space<hbm>>)
    %scan3A_110 = arith.constant 0 : i32
    %scan3A_111 = arith.constant 32 : i32
    %scan3A_112 = arith.addi %scan3A_110, %scan3A_111 : i32
    %scan3A_113 = arith.constant 1 : i32
    scf.for %scan3A_207 = %scan3A_110 to %scan3A_112 step %scan3A_113  : i32 {
      %mul3A_208 = arith.constant 1 : i32
      %mul3A_209 = arith.muli %scan3A_207, %mul3A_208 : i32
      %add3A_210 = arith.constant 0 : i32
      %add3A_211 = arith.addi %add3A_210, %mul3A_209 : i32
      %mul3A_212 = arith.constant 128 : i32
      %mul3A_213 = arith.muli %add3A_211, %mul3A_212 : i32
      %add3A_214 = arith.constant 0 : i32
      %add3A_215 = arith.addi %mul3A_213, %add3A_214 : i32
      %get3A = arith.index_cast %add3A_215 : i32 to index
      %get3A_216 = tpu.vector_load %arg6[%get3A] {strides = array<i32>} : memref<4096xi32, #tpu.memory_space<vmem>>, vector<16xi32>,
      %add3A_217 = arith.constant 16 : i32
      %add3A_218 = arith.addi %mul3A_213, %add3A_217 : i32
      %get3A_219 = arith.index_cast %add3A_218 : i32 to index
      %get3A_220 = tpu.vector_load %arg6[%get3A_219] {strides = array<i32>} : memref<4096xi32, #tpu.memory_space<vmem>>, vector<16xi32>,
      %add3A_221 = arith.constant 32 : i32
      %add3A_222 = arith.addi %mul3A_213, %add3A_221 : i32
      %get3A_223 = arith.index_cast %add3A_222 : i32 to index
      %get3A_224 = tpu.vector_load %arg6[%get3A_223] {strides = array<i32>} : memref<4096xi32, #tpu.memory_space<vmem>>, vector<16xi32>,
      %add3A_225 = arith.constant 48 : i32
      %add3A_226 = arith.addi %mul3A_213, %add3A_225 : i32
      %get3A_227 = arith.index_cast %add3A_226 : i32 to index
      %get3A_228 = tpu.vector_load %arg6[%get3A_227] {strides = array<i32>} : memref<4096xi32, #tpu.memory_space<vmem>>, vector<16xi32>,
      %add3A_229 = arith.constant 64 : i32
      %add3A_230 = arith.addi %mul3A_213, %add3A_229 : i32
      %get3A_231 = arith.index_cast %add3A_230 : i32 to index
      %get3A_232 = tpu.vector_load %arg6[%get3A_231] {strides = array<i32>} : memref<4096xi32, #tpu.memory_space<vmem>>, vector<16xi32>,
      %add3A_233 = arith.constant 80 : i32
      %add3A_234 = arith.addi %mul3A_213, %add3A_233 : i32
      %get3A_235 = arith.index_cast %add3A_234 : i32 to index
      %get3A_236 = tpu.vector_load %arg6[%get3A_235] {strides = array<i32>} : memref<4096xi32, #tpu.memory_space<vmem>>, vector<16xi32>,
      %add3A_237 = arith.constant 96 : i32
      %add3A_238 = arith.addi %mul3A_213, %add3A_237 : i32
      %get3A_239 = arith.index_cast %add3A_238 : i32 to index
      %get3A_240 = tpu.vector_load %arg6[%get3A_239] {strides = array<i32>} : memref<4096xi32, #tpu.memory_space<vmem>>, vector<16xi32>,
      %add3A_241 = arith.constant 112 : i32
      %add3A_242 = arith.addi %mul3A_213, %add3A_241 : i32
      %get3A_243 = arith.index_cast %add3A_242 : i32 to index
      %get3A_244 = tpu.vector_load %arg6[%get3A_243] {strides = array<i32>} : memref<4096xi32, #tpu.memory_space<vmem>>, vector<16xi32>,
      %gather3A = tpu.vector_load_idx %arg5[%get3A_216] : memref<100000xi32, #tpu.memory_space<vmem>>[vector<16xi32>], vector<16xi32>,
      %gather3A_245 = tpu.vector_load_idx %arg5[%get3A_220] : memref<100000xi32, #tpu.memory_space<vmem>>[vector<16xi32>], vector<16xi32>,
      %gather3A_246 = tpu.vector_load_idx %arg5[%get3A_224] : memref<100000xi32, #tpu.memory_space<vmem>>[vector<16xi32>], vector<16xi32>,
      %gather3A_247 = tpu.vector_load_idx %arg5[%get3A_228] : memref<100000xi32, #tpu.memory_space<vmem>>[vector<16xi32>], vector<16xi32>,
      %gather3A_248 = tpu.vector_load_idx %arg5[%get3A_232] : memref<100000xi32, #tpu.memory_space<vmem>>[vector<16xi32>], vector<16xi32>,
      %gather3A_249 = tpu.vector_load_idx %arg5[%get3A_236] : memref<100000xi32, #tpu.memory_space<vmem>>[vector<16xi32>], vector<16xi32>,
      %gather3A_250 = tpu.vector_load_idx %arg5[%get3A_240] : memref<100000xi32, #tpu.memory_space<vmem>>[vector<16xi32>], vector<16xi32>,
      %gather3A_251 = tpu.vector_load_idx %arg5[%get3A_244] : memref<100000xi32, #tpu.memory_space<vmem>>[vector<16xi32>], vector<16xi32>,
      %shift_left3A = arith.constant 16 : i32
      %shift_left3A_252 = vector.broadcast %shift_left3A : i32 to vector<16xi32>
      %shift_left3A_253 = arith.shli %gather3A, %shift_left3A_252 : vector<16xi32>
      %bitcast3A = vector.bitcast %shift_left3A_253 : vector<16xi32> to vector<16xf32>
      %shift_left3A_254 = arith.constant 16 : i32
      %shift_left3A_255 = vector.broadcast %shift_left3A_254 : i32 to vector<16xi32>
      %shift_left3A_256 = arith.shli %gather3A_245, %shift_left3A_255 : vector<16xi32>
      %bitcast3A_257 = vector.bitcast %shift_left3A_256 : vector<16xi32> to vector<16xf32>
      %shift_left3A_258 = arith.constant 16 : i32
      %shift_left3A_259 = vector.broadcast %shift_left3A_258 : i32 to vector<16xi32>
      %shift_left3A_260 = arith.shli %gather3A_246, %shift_left3A_259 : vector<16xi32>
      %bitcast3A_261 = vector.bitcast %shift_left3A_260 : vector<16xi32> to vector<16xf32>
      %shift_left3A_262 = arith.constant 16 : i32
      %shift_left3A_263 = vector.broadcast %shift_left3A_262 : i32 to vector<16xi32>
      %shift_left3A_264 = arith.shli %gather3A_247, %shift_left3A_263 : vector<16xi32>
      %bitcast3A_265 = vector.bitcast %shift_left3A_264 : vector<16xi32> to vector<16xf32>
      %shift_left3A_266 = arith.constant 16 : i32
      %shift_left3A_267 = vector.broadcast %shift_left3A_266 : i32 to vector<16xi32>
      %shift_left3A_268 = arith.shli %gather3A_248, %shift_left3A_267 : vector<16xi32>
      %bitcast3A_269 = vector.bitcast %shift_left3A_268 : vector<16xi32> to vector<16xf32>
      %shift_left3A_270 = arith.constant 16 : i32
      %shift_left3A_271 = vector.broadcast %shift_left3A_270 : i32 to vector<16xi32>
      %shift_left3A_272 = arith.shli %gather3A_249, %shift_left3A_271 : vector<16xi32>
      %bitcast3A_273 = vector.bitcast %shift_left3A_272 : vector<16xi32> to vector<16xf32>
      %shift_left3A_274 = arith.constant 16 : i32
      %shift_left3A_275 = vector.broadcast %shift_left3A_274 : i32 to vector<16xi32>
      %shift_left3A_276 = arith.shli %gather3A_250, %shift_left3A_275 : vector<16xi32>
      %bitcast3A_277 = vector.bitcast %shift_left3A_276 : vector<16xi32> to vector<16xf32>
      %shift_left3A_278 = arith.constant 16 : i32
      %shift_left3A_279 = vector.broadcast %shift_left3A_278 : i32 to vector<16xi32>
      %shift_left3A_280 = arith.shli %gather3A_251, %shift_left3A_279 : vector<16xi32>
      %bitcast3A_281 = vector.bitcast %shift_left3A_280 : vector<16xi32> to vector<16xf32>
      %and3A = arith.constant -65536 : i32
      %and3A_282 = vector.broadcast %and3A : i32 to vector<16xi32>
      %and3A_283 = arith.andi %gather3A, %and3A_282 : vector<16xi32>
      %bitcast3A_284 = vector.bitcast %and3A_283 : vector<16xi32> to vector<16xf32>
      %and3A_285 = arith.constant -65536 : i32
      %and3A_286 = vector.broadcast %and3A_285 : i32 to vector<16xi32>
      %and3A_287 = arith.andi %gather3A_245, %and3A_286 : vector<16xi32>
      %bitcast3A_288 = vector.bitcast %and3A_287 : vector<16xi32> to vector<16xf32>
      %and3A_289 = arith.constant -65536 : i32
      %and3A_290 = vector.broadcast %and3A_289 : i32 to vector<16xi32>
      %and3A_291 = arith.andi %gather3A_246, %and3A_290 : vector<16xi32>
      %bitcast3A_292 = vector.bitcast %and3A_291 : vector<16xi32> to vector<16xf32>
      %and3A_293 = arith.constant -65536 : i32
      %and3A_294 = vector.broadcast %and3A_293 : i32 to vector<16xi32>
      %and3A_295 = arith.andi %gather3A_247, %and3A_294 : vector<16xi32>
      %bitcast3A_296 = vector.bitcast %and3A_295 : vector<16xi32> to vector<16xf32>
      %and3A_297 = arith.constant -65536 : i32
      %and3A_298 = vector.broadcast %and3A_297 : i32 to vector<16xi32>
      %and3A_299 = arith.andi %gather3A_248, %and3A_298 : vector<16xi32>
      %bitcast3A_300 = vector.bitcast %and3A_299 : vector<16xi32> to vector<16xf32>
      %and3A_301 = arith.constant -65536 : i32
      %and3A_302 = vector.broadcast %and3A_301 : i32 to vector<16xi32>
      %and3A_303 = arith.andi %gather3A_249, %and3A_302 : vector<16xi32>
      %bitcast3A_304 = vector.bitcast %and3A_303 : vector<16xi32> to vector<16xf32>
      %and3A_305 = arith.constant -65536 : i32
      %and3A_306 = vector.broadcast %and3A_305 : i32 to vector<16xi32>
      %and3A_307 = arith.andi %gather3A_250, %and3A_306 : vector<16xi32>
      %bitcast3A_308 = vector.bitcast %and3A_307 : vector<16xi32> to vector<16xf32>
      %and3A_309 = arith.constant -65536 : i32
      %and3A_310 = vector.broadcast %and3A_309 : i32 to vector<16xi32>
      %and3A_311 = arith.andi %gather3A_251, %and3A_310 : vector<16xi32>
      %bitcast3A_312 = vector.bitcast %and3A_311 : vector<16xi32> to vector<16xf32>
      %add3A_313 = arith.constant 0 : i32
      %add3A_314 = arith.addi %mul3A_213, %add3A_313 : i32
      %swap3A = arith.index_cast %add3A_314 : i32 to index
      %swap3A_315 = tpu.vector_load %arg8[%swap3A] {strides = array<i32>} : memref<4096xf32, #tpu.memory_space<vmem>>, vector<16xf32>,
      tpu.vector_store %arg8[%swap3A], %bitcast3A {strides = array<i32>} : memref<4096xf32, #tpu.memory_space<vmem>>, vector<16xf32>,
      %add3A_316 = arith.constant 0 : i32
      %add3A_317 = arith.addi %mul3A_213, %add3A_316 : i32
      %swap3A_318 = arith.index_cast %add3A_317 : i32 to index
      %swap3A_319 = tpu.vector_load %arg10[%swap3A_318] {strides = array<i32>} : memref<4096xf32, #tpu.memory_space<vmem>>, vector<16xf32>,
      tpu.vector_store %arg10[%swap3A_318], %bitcast3A_284 {strides = array<i32>} : memref<4096xf32, #tpu.memory_space<vmem>>, vector<16xf32>,
      %add3A_320 = arith.constant 16 : i32
      %add3A_321 = arith.addi %mul3A_213, %add3A_320 : i32
      %swap3A_322 = arith.index_cast %add3A_321 : i32 to index
      %swap3A_323 = tpu.vector_load %arg8[%swap3A_322] {strides = array<i32>} : memref<4096xf32, #tpu.memory_space<vmem>>, vector<16xf32>,
      tpu.vector_store %arg8[%swap3A_322], %bitcast3A_257 {strides = array<i32>} : memref<4096xf32, #tpu.memory_space<vmem>>, vector<16xf32>,
      %add3A_324 = arith.constant 16 : i32
      %add3A_325 = arith.addi %mul3A_213, %add3A_324 : i32
      %swap3A_326 = arith.index_cast %add3A_325 : i32 to index
      %swap3A_327 = tpu.vector_load %arg10[%swap3A_326] {strides = array<i32>} : memref<4096xf32, #tpu.memory_space<vmem>>, vector<16xf32>,
      tpu.vector_store %arg10[%swap3A_326], %bitcast3A_288 {strides = array<i32>} : memref<4096xf32, #tpu.memory_space<vmem>>, vector<16xf32>,
      %add3A_328 = arith.constant 32 : i32
      %add3A_329 = arith.addi %mul3A_213, %add3A_328 : i32
      %swap3A_330 = arith.index_cast %add3A_329 : i32 to index
      %swap3A_331 = tpu.vector_load %arg8[%swap3A_330] {strides = array<i32>} : memref<4096xf32, #tpu.memory_space<vmem>>, vector<16xf32>,
      tpu.vector_store %arg8[%swap3A_330], %bitcast3A_261 {strides = array<i32>} : memref<4096xf32, #tpu.memory_space<vmem>>, vector<16xf32>,
      %add3A_332 = arith.constant 32 : i32
      %add3A_333 = arith.addi %mul3A_213, %add3A_332 : i32
      %swap3A_334 = arith.index_cast %add3A_333 : i32 to index
      %swap3A_335 = tpu.vector_load %arg10[%swap3A_334] {strides = array<i32>} : memref<4096xf32, #tpu.memory_space<vmem>>, vector<16xf32>,
      tpu.vector_store %arg10[%swap3A_334], %bitcast3A_292 {strides = array<i32>} : memref<4096xf32, #tpu.memory_space<vmem>>, vector<16xf32>,
      %add3A_336 = arith.constant 48 : i32
      %add3A_337 = arith.addi %mul3A_213, %add3A_336 : i32
      %swap3A_338 = arith.index_cast %add3A_337 : i32 to index
      %swap3A_339 = tpu.vector_load %arg8[%swap3A_338] {strides = array<i32>} : memref<4096xf32, #tpu.memory_space<vmem>>, vector<16xf32>,
      tpu.vector_store %arg8[%swap3A_338], %bitcast3A_265 {strides = array<i32>} : memref<4096xf32, #tpu.memory_space<vmem>>, vector<16xf32>,
      %add3A_340 = arith.constant 48 : i32
      %add3A_341 = arith.addi %mul3A_213, %add3A_340 : i32
      %swap3A_342 = arith.index_cast %add3A_341 : i32 to index
      %swap3A_343 = tpu.vector_load %arg10[%swap3A_342] {strides = array<i32>} : memref<4096xf32, #tpu.memory_space<vmem>>, vector<16xf32>,
      tpu.vector_store %arg10[%swap3A_342], %bitcast3A_296 {strides = array<i32>} : memref<4096xf32, #tpu.memory_space<vmem>>, vector<16xf32>,
      %add3A_344 = arith.constant 64 : i32
      %add3A_345 = arith.addi %mul3A_213, %add3A_344 : i32
      %swap3A_346 = arith.index_cast %add3A_345 : i32 to index
      %swap3A_347 = tpu.vector_load %arg8[%swap3A_346] {strides = array<i32>} : memref<4096xf32, #tpu.memory_space<vmem>>, vector<16xf32>,
      tpu.vector_store %arg8[%swap3A_346], %bitcast3A_269 {strides = array<i32>} : memref<4096xf32, #tpu.memory_space<vmem>>, vector<16xf32>,
      %add3A_348 = arith.constant 64 : i32
      %add3A_349 = arith.addi %mul3A_213, %add3A_348 : i32
      %swap3A_350 = arith.index_cast %add3A_349 : i32 to index
      %swap3A_351 = tpu.vector_load %arg10[%swap3A_350] {strides = array<i32>} : memref<4096xf32, #tpu.memory_space<vmem>>, vector<16xf32>,
      tpu.vector_store %arg10[%swap3A_350], %bitcast3A_300 {strides = array<i32>} : memref<4096xf32, #tpu.memory_space<vmem>>, vector<16xf32>,
      %add3A_352 = arith.constant 80 : i32
      %add3A_353 = arith.addi %mul3A_213, %add3A_352 : i32
      %swap3A_354 = arith.index_cast %add3A_353 : i32 to index
      %swap3A_355 = tpu.vector_load %arg8[%swap3A_354] {strides = array<i32>} : memref<4096xf32, #tpu.memory_space<vmem>>, vector<16xf32>,
      tpu.vector_store %arg8[%swap3A_354], %bitcast3A_273 {strides = array<i32>} : memref<4096xf32, #tpu.memory_space<vmem>>, vector<16xf32>,
      %add3A_356 = arith.constant 80 : i32
      %add3A_357 = arith.addi %mul3A_213, %add3A_356 : i32
      %swap3A_358 = arith.index_cast %add3A_357 : i32 to index
      %swap3A_359 = tpu.vector_load %arg10[%swap3A_358] {strides = array<i32>} : memref<4096xf32, #tpu.memory_space<vmem>>, vector<16xf32>,
      tpu.vector_store %arg10[%swap3A_358], %bitcast3A_304 {strides = array<i32>} : memref<4096xf32, #tpu.memory_space<vmem>>, vector<16xf32>,
      %add3A_360 = arith.constant 96 : i32
      %add3A_361 = arith.addi %mul3A_213, %add3A_360 : i32
      %swap3A_362 = arith.index_cast %add3A_361 : i32 to index
      %swap3A_363 = tpu.vector_load %arg8[%swap3A_362] {strides = array<i32>} : memref<4096xf32, #tpu.memory_space<vmem>>, vector<16xf32>,
      tpu.vector_store %arg8[%swap3A_362], %bitcast3A_277 {strides = array<i32>} : memref<4096xf32, #tpu.memory_space<vmem>>, vector<16xf32>,
      %add3A_364 = arith.constant 96 : i32
      %add3A_365 = arith.addi %mul3A_213, %add3A_364 : i32
      %swap3A_366 = arith.index_cast %add3A_365 : i32 to index
      %swap3A_367 = tpu.vector_load %arg10[%swap3A_366] {strides = array<i32>} : memref<4096xf32, #tpu.memory_space<vmem>>, vector<16xf32>,
      tpu.vector_store %arg10[%swap3A_366], %bitcast3A_308 {strides = array<i32>} : memref<4096xf32, #tpu.memory_space<vmem>>, vector<16xf32>,
      %add3A_368 = arith.constant 112 : i32
      %add3A_369 = arith.addi %mul3A_213, %add3A_368 : i32
      %swap3A_370 = arith.index_cast %add3A_369 : i32 to index
      %swap3A_371 = tpu.vector_load %arg8[%swap3A_370] {strides = array<i32>} : memref<4096xf32, #tpu.memory_space<vmem>>, vector<16xf32>,
      tpu.vector_store %arg8[%swap3A_370], %bitcast3A_281 {strides = array<i32>} : memref<4096xf32, #tpu.memory_space<vmem>>, vector<16xf32>,
      %add3A_372 = arith.constant 112 : i32
      %add3A_373 = arith.addi %mul3A_213, %add3A_372 : i32
      %swap3A_374 = arith.index_cast %add3A_373 : i32 to index
      %swap3A_375 = tpu.vector_load %arg10[%swap3A_374] {strides = array<i32>} : memref<4096xf32, #tpu.memory_space<vmem>>, vector<16xf32>,
      tpu.vector_store %arg10[%swap3A_374], %bitcast3A_312 {strides = array<i32>} : memref<4096xf32, #tpu.memory_space<vmem>>, vector<16xf32>,
    }
    %scan3A_114 = arith.constant 32 : i32
    %dma_start3A_115 = arith.constant 48 : i32
    %dma_start3A_116 = arith.constant 0 : i32
    %dma_start3A_117 = tpu.memref_slice %arg4[%dma_start3A_115, %add3A, %dma_start3A_116] : memref<50x64x4096xf32, #tpu.memory_space<hbm>> -> memref<1x1x4096xf32, #tpu.memory_space<hbm>>
    %dma_start3A_118 = tpu.memref_squeeze %dma_start3A_117 : memref<1x1x4096xf32, #tpu.memory_space<hbm>> -> memref<4096xf32, #tpu.memory_space<hbm>>
    %dma_start3A_119 = arith.constant 0 : i32
    %dma_start3A_120 = tpu.memref_slice %arg4[%dma_start3A_115, %add3A, %dma_start3A_119] : memref<50x64x4096xf32, #tpu.memory_space<hbm>> -> memref<1x1x4096xf32, #tpu.memory_space<hbm>>
    %dma_start3A_121 = tpu.memref_squeeze %dma_start3A_120 : memref<1x1x4096xf32, #tpu.memory_space<hbm>> -> memref<4096xf32, #tpu.memory_space<hbm>>
    tpu.enqueue_dma source(%arg8 : memref<4096xf32, #tpu.memory_space<vmem>>) target(%dma_start3A_121 : memref<4096xf32, #tpu.memory_space<hbm>>) target_semaphore(%arg14 : memref<!tpu.dma_semaphore, #tpu.memory_space<semaphore_mem>>)
    %add3A_122 = arith.constant 32 : i32
    %add3A_123 = arith.addi %add3A, %add3A_122 : i32
    %dma_start3A_124 = arith.constant 48 : i32
    %dma_start3A_125 = arith.constant 0 : i32
    %dma_start3A_126 = tpu.memref_slice %arg4[%dma_start3A_124, %add3A_123, %dma_start3A_125] : memref<50x64x4096xf32, #tpu.memory_space<hbm>> -> memref<1x1x4096xf32, #tpu.memory_space<hbm>>
    %dma_start3A_127 = tpu.memref_squeeze %dma_start3A_126 : memref<1x1x4096xf32, #tpu.memory_space<hbm>> -> memref<4096xf32, #tpu.memory_space<hbm>>
    %dma_start3A_128 = arith.constant 0 : i32
    %dma_start3A_129 = tpu.memref_slice %arg4[%dma_start3A_124, %add3A_123, %dma_start3A_128] : memref<50x64x4096xf32, #tpu.memory_space<hbm>> -> memref<1x1x4096xf32, #tpu.memory_space<hbm>>
    %dma_start3A_130 = tpu.memref_squeeze %dma_start3A_129 : memref<1x1x4096xf32, #tpu.memory_space<hbm>> -> memref<4096xf32, #tpu.memory_space<hbm>>
    tpu.enqueue_dma source(%arg10 : memref<4096xf32, #tpu.memory_space<vmem>>) target(%dma_start3A_130 : memref<4096xf32, #tpu.memory_space<hbm>>) target_semaphore(%arg16 : memref<!tpu.dma_semaphore, #tpu.memory_space<semaphore_mem>>)
    %dma_wait3A_131 = arith.constant 0 : i32
    %dma_wait3A_132 = arith.constant 0 : i32
    %dma_wait3A_133 = tpu.memref_slice %arg3[%dma_wait3A_131, %dma_wait3A_132] : memref<50x4096xi32, #tpu.memory_space<hbm>> -> memref<1x4096xi32, #tpu.memory_space<hbm>>
    %dma_wait3A_134 = tpu.memref_squeeze %dma_wait3A_133 : memref<1x4096xi32, #tpu.memory_space<hbm>> -> memref<4096xi32, #tpu.memory_space<hbm>>
    %dma_wait3A_135 = arith.constant 0 : i32
    %dma_wait3A_136 = tpu.memref_slice %arg3[%dma_wait3A_131, %dma_wait3A_135] : memref<50x4096xi32, #tpu.memory_space<hbm>> -> memref<1x4096xi32, #tpu.memory_space<hbm>>
    %dma_wait3A_137 = tpu.memref_squeeze %dma_wait3A_136 : memref<1x4096xi32, #tpu.memory_space<hbm>> -> memref<4096xi32, #tpu.memory_space<hbm>>
    tpu.wait_dma2 semaphore(%arg13 : memref<!tpu.dma_semaphore, #tpu.memory_space<semaphore_mem>>) src(%dma_wait3A_137 : memref<4096xi32, #tpu.memory_space<hbm>>) dst(%arg7 : memref<4096xi32, #tpu.memory_space<vmem>>)
    %dma_wait3A_138 = arith.constant 0 : i32
    %dma_wait3A_139 = arith.constant 0 : i32
    %dma_wait3A_140 = arith.constant 0 : i32
    %dma_wait3A_141 = tpu.memref_slice %arg4[%dma_wait3A_138, %dma_wait3A_139, %dma_wait3A_140] : memref<50x64x4096xf32, #tpu.memory_space<hbm>> -> memref<1x1x4096xf32, #tpu.memory_space<hbm>>
    %dma_wait3A_142 = tpu.memref_squeeze %dma_wait3A_141 : memref<1x1x4096xf32, #tpu.memory_space<hbm>> -> memref<4096xf32, #tpu.memory_space<hbm>>
    %dma_wait3A_143 = arith.constant 0 : i32
    %dma_wait3A_144 = tpu.memref_slice %arg4[%dma_wait3A_138, %dma_wait3A_139, %dma_wait3A_143] : memref<50x64x4096xf32, #tpu.memory_space<hbm>> -> memref<1x1x4096xf32, #tpu.memory_space<hbm>>
    %dma_wait3A_145 = tpu.memref_squeeze %dma_wait3A_144 : memref<1x1x4096xf32, #tpu.memory_space<hbm>> -> memref<4096xf32, #tpu.memory_space<hbm>>
    tpu.wait_dma2 semaphore(%arg15 : memref<!tpu.dma_semaphore, #tpu.memory_space<semaphore_mem>>) src(%arg9 : memref<4096xf32, #tpu.memory_space<vmem>>) dst(%dma_wait3A_145 : memref<4096xf32, #tpu.memory_space<hbm>>)
    %dma_wait3A_146 = arith.constant 0 : i32
    %dma_wait3A_147 = arith.constant 0 : i32
    %dma_wait3A_148 = arith.constant 0 : i32
    %dma_wait3A_149 = tpu.memref_slice %arg4[%dma_wait3A_146, %dma_wait3A_147, %dma_wait3A_148] : memref<50x64x4096xf32, #tpu.memory_space<hbm>> -> memref<1x1x4096xf32, #tpu.memory_space<hbm>>
    %dma_wait3A_150 = tpu.memref_squeeze %dma_wait3A_149 : memref<1x1x4096xf32, #tpu.memory_space<hbm>> -> memref<4096xf32, #tpu.memory_space<hbm>>
    %dma_wait3A_151 = arith.constant 0 : i32
    %dma_wait3A_152 = tpu.memref_slice %arg4[%dma_wait3A_146, %dma_wait3A_147, %dma_wait3A_151] : memref<50x64x4096xf32, #tpu.memory_space<hbm>> -> memref<1x1x4096xf32, #tpu.memory_space<hbm>>
    %dma_wait3A_153 = tpu.memref_squeeze %dma_wait3A_152 : memref<1x1x4096xf32, #tpu.memory_space<hbm>> -> memref<4096xf32, #tpu.memory_space<hbm>>
    tpu.wait_dma2 semaphore(%arg17 : memref<!tpu.dma_semaphore, #tpu.memory_space<semaphore_mem>>) src(%arg11 : memref<4096xf32, #tpu.memory_space<vmem>>) dst(%dma_wait3A_153 : memref<4096xf32, #tpu.memory_space<hbm>>)
    %scan3A_154 = arith.constant 0 : i32
    %scan3A_155 = arith.constant 32 : i32
    %scan3A_156 = arith.addi %scan3A_154, %scan3A_155 : i32
    %scan3A_157 = arith.constant 1 : i32
    scf.for %scan3A_207 = %scan3A_154 to %scan3A_156 step %scan3A_157  : i32 {
      %mul3A_208 = arith.constant 1 : i32
      %mul3A_209 = arith.muli %scan3A_207, %mul3A_208 : i32
      %add3A_210 = arith.constant 0 : i32
      %add3A_211 = arith.addi %add3A_210, %mul3A_209 : i32
      %mul3A_212 = arith.constant 128 : i32
      %mul3A_213 = arith.muli %add3A_211, %mul3A_212 : i32
      %add3A_214 = arith.constant 0 : i32
      %add3A_215 = arith.addi %mul3A_213, %add3A_214 : i32
      %get3A = arith.index_cast %add3A_215 : i32 to index
      %get3A_216 = tpu.vector_load %arg7[%get3A] {strides = array<i32>} : memref<4096xi32, #tpu.memory_space<vmem>>, vector<16xi32>,
      %add3A_217 = arith.constant 16 : i32
      %add3A_218 = arith.addi %mul3A_213, %add3A_217 : i32
      %get3A_219 = arith.index_cast %add3A_218 : i32 to index
      %get3A_220 = tpu.vector_load %arg7[%get3A_219] {strides = array<i32>} : memref<4096xi32, #tpu.memory_space<vmem>>, vector<16xi32>,
      %add3A_221 = arith.constant 32 : i32
      %add3A_222 = arith.addi %mul3A_213, %add3A_221 : i32
      %get3A_223 = arith.index_cast %add3A_222 : i32 to index
      %get3A_224 = tpu.vector_load %arg7[%get3A_223] {strides = array<i32>} : memref<4096xi32, #tpu.memory_space<vmem>>, vector<16xi32>,
      %add3A_225 = arith.constant 48 : i32
      %add3A_226 = arith.addi %mul3A_213, %add3A_225 : i32
      %get3A_227 = arith.index_cast %add3A_226 : i32 to index
      %get3A_228 = tpu.vector_load %arg7[%get3A_227] {strides = array<i32>} : memref<4096xi32, #tpu.memory_space<vmem>>, vector<16xi32>,
      %add3A_229 = arith.constant 64 : i32
      %add3A_230 = arith.addi %mul3A_213, %add3A_229 : i32
      %get3A_231 = arith.index_cast %add3A_230 : i32 to index
      %get3A_232 = tpu.vector_load %arg7[%get3A_231] {strides = array<i32>} : memref<4096xi32, #tpu.memory_space<vmem>>, vector<16xi32>,
      %add3A_233 = arith.constant 80 : i32
      %add3A_234 = arith.addi %mul3A_213, %add3A_233 : i32
      %get3A_235 = arith.index_cast %add3A_234 : i32 to index
      %get3A_236 = tpu.vector_load %arg7[%get3A_235] {strides = array<i32>} : memref<4096xi32, #tpu.memory_space<vmem>>, vector<16xi32>,
      %add3A_237 = arith.constant 96 : i32
      %add3A_238 = arith.addi %mul3A_213, %add3A_237 : i32
      %get3A_239 = arith.index_cast %add3A_238 : i32 to index
      %get3A_240 = tpu.vector_load %arg7[%get3A_239] {strides = array<i32>} : memref<4096xi32, #tpu.memory_space<vmem>>, vector<16xi32>,
      %add3A_241 = arith.constant 112 : i32
      %add3A_242 = arith.addi %mul3A_213, %add3A_241 : i32
      %get3A_243 = arith.index_cast %add3A_242 : i32 to index
      %get3A_244 = tpu.vector_load %arg7[%get3A_243] {strides = array<i32>} : memref<4096xi32, #tpu.memory_space<vmem>>, vector<16xi32>,
      %gather3A = tpu.vector_load_idx %arg5[%get3A_216] : memref<100000xi32, #tpu.memory_space<vmem>>[vector<16xi32>], vector<16xi32>,
      %gather3A_245 = tpu.vector_load_idx %arg5[%get3A_220] : memref<100000xi32, #tpu.memory_space<vmem>>[vector<16xi32>], vector<16xi32>,
      %gather3A_246 = tpu.vector_load_idx %arg5[%get3A_224] : memref<100000xi32, #tpu.memory_space<vmem>>[vector<16xi32>], vector<16xi32>,
      %gather3A_247 = tpu.vector_load_idx %arg5[%get3A_228] : memref<100000xi32, #tpu.memory_space<vmem>>[vector<16xi32>], vector<16xi32>,
      %gather3A_248 = tpu.vector_load_idx %arg5[%get3A_232] : memref<100000xi32, #tpu.memory_space<vmem>>[vector<16xi32>], vector<16xi32>,
      %gather3A_249 = tpu.vector_load_idx %arg5[%get3A_236] : memref<100000xi32, #tpu.memory_space<vmem>>[vector<16xi32>], vector<16xi32>,
      %gather3A_250 = tpu.vector_load_idx %arg5[%get3A_240] : memref<100000xi32, #tpu.memory_space<vmem>>[vector<16xi32>], vector<16xi32>,
      %gather3A_251 = tpu.vector_load_idx %arg5[%get3A_244] : memref<100000xi32, #tpu.memory_space<vmem>>[vector<16xi32>], vector<16xi32>,
      %shift_left3A = arith.constant 16 : i32
      %shift_left3A_252 = vector.broadcast %shift_left3A : i32 to vector<16xi32>
      %shift_left3A_253 = arith.shli %gather3A, %shift_left3A_252 : vector<16xi32>
      %bitcast3A = vector.bitcast %shift_left3A_253 : vector<16xi32> to vector<16xf32>
      %shift_left3A_254 = arith.constant 16 : i32
      %shift_left3A_255 = vector.broadcast %shift_left3A_254 : i32 to vector<16xi32>
      %shift_left3A_256 = arith.shli %gather3A_245, %shift_left3A_255 : vector<16xi32>
      %bitcast3A_257 = vector.bitcast %shift_left3A_256 : vector<16xi32> to vector<16xf32>
      %shift_left3A_258 = arith.constant 16 : i32
      %shift_left3A_259 = vector.broadcast %shift_left3A_258 : i32 to vector<16xi32>
      %shift_left3A_260 = arith.shli %gather3A_246, %shift_left3A_259 : vector<16xi32>
      %bitcast3A_261 = vector.bitcast %shift_left3A_260 : vector<16xi32> to vector<16xf32>
      %shift_left3A_262 = arith.constant 16 : i32
      %shift_left3A_263 = vector.broadcast %shift_left3A_262 : i32 to vector<16xi32>
      %shift_left3A_264 = arith.shli %gather3A_247, %shift_left3A_263 : vector<16xi32>
      %bitcast3A_265 = vector.bitcast %shift_left3A_264 : vector<16xi32> to vector<16xf32>
      %shift_left3A_266 = arith.constant 16 : i32
      %shift_left3A_267 = vector.broadcast %shift_left3A_266 : i32 to vector<16xi32>
      %shift_left3A_268 = arith.shli %gather3A_248, %shift_left3A_267 : vector<16xi32>
      %bitcast3A_269 = vector.bitcast %shift_left3A_268 : vector<16xi32> to vector<16xf32>
      %shift_left3A_270 = arith.constant 16 : i32
      %shift_left3A_271 = vector.broadcast %shift_left3A_270 : i32 to vector<16xi32>
      %shift_left3A_272 = arith.shli %gather3A_249, %shift_left3A_271 : vector<16xi32>
      %bitcast3A_273 = vector.bitcast %shift_left3A_272 : vector<16xi32> to vector<16xf32>
      %shift_left3A_274 = arith.constant 16 : i32
      %shift_left3A_275 = vector.broadcast %shift_left3A_274 : i32 to vector<16xi32>
      %shift_left3A_276 = arith.shli %gather3A_250, %shift_left3A_275 : vector<16xi32>
      %bitcast3A_277 = vector.bitcast %shift_left3A_276 : vector<16xi32> to vector<16xf32>
      %shift_left3A_278 = arith.constant 16 : i32
      %shift_left3A_279 = vector.broadcast %shift_left3A_278 : i32 to vector<16xi32>
      %shift_left3A_280 = arith.shli %gather3A_251, %shift_left3A_279 : vector<16xi32>
      %bitcast3A_281 = vector.bitcast %shift_left3A_280 : vector<16xi32> to vector<16xf32>
      %and3A = arith.constant -65536 : i32
      %and3A_282 = vector.broadcast %and3A : i32 to vector<16xi32>
      %and3A_283 = arith.andi %gather3A, %and3A_282 : vector<16xi32>
      %bitcast3A_284 = vector.bitcast %and3A_283 : vector<16xi32> to vector<16xf32>
      %and3A_285 = arith.constant -65536 : i32
      %and3A_286 = vector.broadcast %and3A_285 : i32 to vector<16xi32>
      %and3A_287 = arith.andi %gather3A_245, %and3A_286 : vector<16xi32>
      %bitcast3A_288 = vector.bitcast %and3A_287 : vector<16xi32> to vector<16xf32>
      %and3A_289 = arith.constant -65536 : i32
      %and3A_290 = vector.broadcast %and3A_289 : i32 to vector<16xi32>
      %and3A_291 = arith.andi %gather3A_246, %and3A_290 : vector<16xi32>
      %bitcast3A_292 = vector.bitcast %and3A_291 : vector<16xi32> to vector<16xf32>
      %and3A_293 = arith.constant -65536 : i32
      %and3A_294 = vector.broadcast %and3A_293 : i32 to vector<16xi32>
      %and3A_295 = arith.andi %gather3A_247, %and3A_294 : vector<16xi32>
      %bitcast3A_296 = vector.bitcast %and3A_295 : vector<16xi32> to vector<16xf32>
      %and3A_297 = arith.constant -65536 : i32
      %and3A_298 = vector.broadcast %and3A_297 : i32 to vector<16xi32>
      %and3A_299 = arith.andi %gather3A_248, %and3A_298 : vector<16xi32>
      %bitcast3A_300 = vector.bitcast %and3A_299 : vector<16xi32> to vector<16xf32>
      %and3A_301 = arith.constant -65536 : i32
      %and3A_302 = vector.broadcast %and3A_301 : i32 to vector<16xi32>
      %and3A_303 = arith.andi %gather3A_249, %and3A_302 : vector<16xi32>
      %bitcast3A_304 = vector.bitcast %and3A_303 : vector<16xi32> to vector<16xf32>
      %and3A_305 = arith.constant -65536 : i32
      %and3A_306 = vector.broadcast %and3A_305 : i32 to vector<16xi32>
      %and3A_307 = arith.andi %gather3A_250, %and3A_306 : vector<16xi32>
      %bitcast3A_308 = vector.bitcast %and3A_307 : vector<16xi32> to vector<16xf32>
      %and3A_309 = arith.constant -65536 : i32
      %and3A_310 = vector.broadcast %and3A_309 : i32 to vector<16xi32>
      %and3A_311 = arith.andi %gather3A_251, %and3A_310 : vector<16xi32>
      %bitcast3A_312 = vector.bitcast %and3A_311 : vector<16xi32> to vector<16xf32>
      %add3A_313 = arith.constant 0 : i32
      %add3A_314 = arith.addi %mul3A_213, %add3A_313 : i32
      %swap3A = arith.index_cast %add3A_314 : i32 to index
      %swap3A_315 = tpu.vector_load %arg9[%swap3A] {strides = array<i32>} : memref<4096xf32, #tpu.memory_space<vmem>>, vector<16xf32>,
      tpu.vector_store %arg9[%swap3A], %bitcast3A {strides = array<i32>} : memref<4096xf32, #tpu.memory_space<vmem>>, vector<16xf32>,
      %add3A_316 = arith.constant 0 : i32
      %add3A_317 = arith.addi %mul3A_213, %add3A_316 : i32
      %swap3A_318 = arith.index_cast %add3A_317 : i32 to index
      %swap3A_319 = tpu.vector_load %arg11[%swap3A_318] {strides = array<i32>} : memref<4096xf32, #tpu.memory_space<vmem>>, vector<16xf32>,
      tpu.vector_store %arg11[%swap3A_318], %bitcast3A_284 {strides = array<i32>} : memref<4096xf32, #tpu.memory_space<vmem>>, vector<16xf32>,
      %add3A_320 = arith.constant 16 : i32
      %add3A_321 = arith.addi %mul3A_213, %add3A_320 : i32
      %swap3A_322 = arith.index_cast %add3A_321 : i32 to index
      %swap3A_323 = tpu.vector_load %arg9[%swap3A_322] {strides = array<i32>} : memref<4096xf32, #tpu.memory_space<vmem>>, vector<16xf32>,
      tpu.vector_store %arg9[%swap3A_322], %bitcast3A_257 {strides = array<i32>} : memref<4096xf32, #tpu.memory_space<vmem>>, vector<16xf32>,
      %add3A_324 = arith.constant 16 : i32
      %add3A_325 = arith.addi %mul3A_213, %add3A_324 : i32
      %swap3A_326 = arith.index_cast %add3A_325 : i32 to index
      %swap3A_327 = tpu.vector_load %arg11[%swap3A_326] {strides = array<i32>} : memref<4096xf32, #tpu.memory_space<vmem>>, vector<16xf32>,
      tpu.vector_store %arg11[%swap3A_326], %bitcast3A_288 {strides = array<i32>} : memref<4096xf32, #tpu.memory_space<vmem>>, vector<16xf32>,
      %add3A_328 = arith.constant 32 : i32
      %add3A_329 = arith.addi %mul3A_213, %add3A_328 : i32
      %swap3A_330 = arith.index_cast %add3A_329 : i32 to index
      %swap3A_331 = tpu.vector_load %arg9[%swap3A_330] {strides = array<i32>} : memref<4096xf32, #tpu.memory_space<vmem>>, vector<16xf32>,
      tpu.vector_store %arg9[%swap3A_330], %bitcast3A_261 {strides = array<i32>} : memref<4096xf32, #tpu.memory_space<vmem>>, vector<16xf32>,
      %add3A_332 = arith.constant 32 : i32
      %add3A_333 = arith.addi %mul3A_213, %add3A_332 : i32
      %swap3A_334 = arith.index_cast %add3A_333 : i32 to index
      %swap3A_335 = tpu.vector_load %arg11[%swap3A_334] {strides = array<i32>} : memref<4096xf32, #tpu.memory_space<vmem>>, vector<16xf32>,
      tpu.vector_store %arg11[%swap3A_334], %bitcast3A_292 {strides = array<i32>} : memref<4096xf32, #tpu.memory_space<vmem>>, vector<16xf32>,
      %add3A_336 = arith.constant 48 : i32
      %add3A_337 = arith.addi %mul3A_213, %add3A_336 : i32
      %swap3A_338 = arith.index_cast %add3A_337 : i32 to index
      %swap3A_339 = tpu.vector_load %arg9[%swap3A_338] {strides = array<i32>} : memref<4096xf32, #tpu.memory_space<vmem>>, vector<16xf32>,
      tpu.vector_store %arg9[%swap3A_338], %bitcast3A_265 {strides = array<i32>} : memref<4096xf32, #tpu.memory_space<vmem>>, vector<16xf32>,
      %add3A_340 = arith.constant 48 : i32
      %add3A_341 = arith.addi %mul3A_213, %add3A_340 : i32
      %swap3A_342 = arith.index_cast %add3A_341 : i32 to index
      %swap3A_343 = tpu.vector_load %arg11[%swap3A_342] {strides = array<i32>} : memref<4096xf32, #tpu.memory_space<vmem>>, vector<16xf32>,
      tpu.vector_store %arg11[%swap3A_342], %bitcast3A_296 {strides = array<i32>} : memref<4096xf32, #tpu.memory_space<vmem>>, vector<16xf32>,
      %add3A_344 = arith.constant 64 : i32
      %add3A_345 = arith.addi %mul3A_213, %add3A_344 : i32
      %swap3A_346 = arith.index_cast %add3A_345 : i32 to index
      %swap3A_347 = tpu.vector_load %arg9[%swap3A_346] {strides = array<i32>} : memref<4096xf32, #tpu.memory_space<vmem>>, vector<16xf32>,
      tpu.vector_store %arg9[%swap3A_346], %bitcast3A_269 {strides = array<i32>} : memref<4096xf32, #tpu.memory_space<vmem>>, vector<16xf32>,
      %add3A_348 = arith.constant 64 : i32
      %add3A_349 = arith.addi %mul3A_213, %add3A_348 : i32
      %swap3A_350 = arith.index_cast %add3A_349 : i32 to index
      %swap3A_351 = tpu.vector_load %arg11[%swap3A_350] {strides = array<i32>} : memref<4096xf32, #tpu.memory_space<vmem>>, vector<16xf32>,
      tpu.vector_store %arg11[%swap3A_350], %bitcast3A_300 {strides = array<i32>} : memref<4096xf32, #tpu.memory_space<vmem>>, vector<16xf32>,
      %add3A_352 = arith.constant 80 : i32
      %add3A_353 = arith.addi %mul3A_213, %add3A_352 : i32
      %swap3A_354 = arith.index_cast %add3A_353 : i32 to index
      %swap3A_355 = tpu.vector_load %arg9[%swap3A_354] {strides = array<i32>} : memref<4096xf32, #tpu.memory_space<vmem>>, vector<16xf32>,
      tpu.vector_store %arg9[%swap3A_354], %bitcast3A_273 {strides = array<i32>} : memref<4096xf32, #tpu.memory_space<vmem>>, vector<16xf32>,
      %add3A_356 = arith.constant 80 : i32
      %add3A_357 = arith.addi %mul3A_213, %add3A_356 : i32
      %swap3A_358 = arith.index_cast %add3A_357 : i32 to index
      %swap3A_359 = tpu.vector_load %arg11[%swap3A_358] {strides = array<i32>} : memref<4096xf32, #tpu.memory_space<vmem>>, vector<16xf32>,
      tpu.vector_store %arg11[%swap3A_358], %bitcast3A_304 {strides = array<i32>} : memref<4096xf32, #tpu.memory_space<vmem>>, vector<16xf32>,
      %add3A_360 = arith.constant 96 : i32
      %add3A_361 = arith.addi %mul3A_213, %add3A_360 : i32
      %swap3A_362 = arith.index_cast %add3A_361 : i32 to index
      %swap3A_363 = tpu.vector_load %arg9[%swap3A_362] {strides = array<i32>} : memref<4096xf32, #tpu.memory_space<vmem>>, vector<16xf32>,
      tpu.vector_store %arg9[%swap3A_362], %bitcast3A_277 {strides = array<i32>} : memref<4096xf32, #tpu.memory_space<vmem>>, vector<16xf32>,
      %add3A_364 = arith.constant 96 : i32
      %add3A_365 = arith.addi %mul3A_213, %add3A_364 : i32
      %swap3A_366 = arith.index_cast %add3A_365 : i32 to index
      %swap3A_367 = tpu.vector_load %arg11[%swap3A_366] {strides = array<i32>} : memref<4096xf32, #tpu.memory_space<vmem>>, vector<16xf32>,
      tpu.vector_store %arg11[%swap3A_366], %bitcast3A_308 {strides = array<i32>} : memref<4096xf32, #tpu.memory_space<vmem>>, vector<16xf32>,
      %add3A_368 = arith.constant 112 : i32
      %add3A_369 = arith.addi %mul3A_213, %add3A_368 : i32
      %swap3A_370 = arith.index_cast %add3A_369 : i32 to index
      %swap3A_371 = tpu.vector_load %arg9[%swap3A_370] {strides = array<i32>} : memref<4096xf32, #tpu.memory_space<vmem>>, vector<16xf32>,
      tpu.vector_store %arg9[%swap3A_370], %bitcast3A_281 {strides = array<i32>} : memref<4096xf32, #tpu.memory_space<vmem>>, vector<16xf32>,
      %add3A_372 = arith.constant 112 : i32
      %add3A_373 = arith.addi %mul3A_213, %add3A_372 : i32
      %swap3A_374 = arith.index_cast %add3A_373 : i32 to index
      %swap3A_375 = tpu.vector_load %arg11[%swap3A_374] {strides = array<i32>} : memref<4096xf32, #tpu.memory_space<vmem>>, vector<16xf32>,
      tpu.vector_store %arg11[%swap3A_374], %bitcast3A_312 {strides = array<i32>} : memref<4096xf32, #tpu.memory_space<vmem>>, vector<16xf32>,
    }
    %scan3A_158 = arith.constant 32 : i32
    %dma_start3A_159 = arith.constant 49 : i32
    %dma_start3A_160 = arith.constant 0 : i32
    %dma_start3A_161 = tpu.memref_slice %arg4[%dma_start3A_159, %add3A, %dma_start3A_160] : memref<50x64x4096xf32, #tpu.memory_space<hbm>> -> memref<1x1x4096xf32, #tpu.memory_space<hbm>>
    %dma_start3A_162 = tpu.memref_squeeze %dma_start3A_161 : memref<1x1x4096xf32, #tpu.memory_space<hbm>> -> memref<4096xf32, #tpu.memory_space<hbm>>
    %dma_start3A_163 = arith.constant 0 : i32
    %dma_start3A_164 = tpu.memref_slice %arg4[%dma_start3A_159, %add3A, %dma_start3A_163] : memref<50x64x4096xf32, #tpu.memory_space<hbm>> -> memref<1x1x4096xf32, #tpu.memory_space<hbm>>
    %dma_start3A_165 = tpu.memref_squeeze %dma_start3A_164 : memref<1x1x4096xf32, #tpu.memory_space<hbm>> -> memref<4096xf32, #tpu.memory_space<hbm>>
    tpu.enqueue_dma source(%arg9 : memref<4096xf32, #tpu.memory_space<vmem>>) target(%dma_start3A_165 : memref<4096xf32, #tpu.memory_space<hbm>>) target_semaphore(%arg15 : memref<!tpu.dma_semaphore, #tpu.memory_space<semaphore_mem>>)
    %add3A_166 = arith.constant 32 : i32
    %add3A_167 = arith.addi %add3A, %add3A_166 : i32
    %dma_start3A_168 = arith.constant 49 : i32
    %dma_start3A_169 = arith.constant 0 : i32
    %dma_start3A_170 = tpu.memref_slice %arg4[%dma_start3A_168, %add3A_167, %dma_start3A_169] : memref<50x64x4096xf32, #tpu.memory_space<hbm>> -> memref<1x1x4096xf32, #tpu.memory_space<hbm>>
    %dma_start3A_171 = tpu.memref_squeeze %dma_start3A_170 : memref<1x1x4096xf32, #tpu.memory_space<hbm>> -> memref<4096xf32, #tpu.memory_space<hbm>>
    %dma_start3A_172 = arith.constant 0 : i32
    %dma_start3A_173 = tpu.memref_slice %arg4[%dma_start3A_168, %add3A_167, %dma_start3A_172] : memref<50x64x4096xf32, #tpu.memory_space<hbm>> -> memref<1x1x4096xf32, #tpu.memory_space<hbm>>
    %dma_start3A_174 = tpu.memref_squeeze %dma_start3A_173 : memref<1x1x4096xf32, #tpu.memory_space<hbm>> -> memref<4096xf32, #tpu.memory_space<hbm>>
    tpu.enqueue_dma source(%arg11 : memref<4096xf32, #tpu.memory_space<vmem>>) target(%dma_start3A_174 : memref<4096xf32, #tpu.memory_space<hbm>>) target_semaphore(%arg17 : memref<!tpu.dma_semaphore, #tpu.memory_space<semaphore_mem>>)
    %dma_wait3A_175 = arith.constant 0 : i32
    %dma_wait3A_176 = arith.constant 0 : i32
    %dma_wait3A_177 = arith.constant 0 : i32
    %dma_wait3A_178 = tpu.memref_slice %arg4[%dma_wait3A_175, %dma_wait3A_176, %dma_wait3A_177] : memref<50x64x4096xf32, #tpu.memory_space<hbm>> -> memref<1x1x4096xf32, #tpu.memory_space<hbm>>
    %dma_wait3A_179 = tpu.memref_squeeze %dma_wait3A_178 : memref<1x1x4096xf32, #tpu.memory_space<hbm>> -> memref<4096xf32, #tpu.memory_space<hbm>>
    %dma_wait3A_180 = arith.constant 0 : i32
    %dma_wait3A_181 = tpu.memref_slice %arg4[%dma_wait3A_175, %dma_wait3A_176, %dma_wait3A_180] : memref<50x64x4096xf32, #tpu.memory_space<hbm>> -> memref<1x1x4096xf32, #tpu.memory_space<hbm>>
    %dma_wait3A_182 = tpu.memref_squeeze %dma_wait3A_181 : memref<1x1x4096xf32, #tpu.memory_space<hbm>> -> memref<4096xf32, #tpu.memory_space<hbm>>
    tpu.wait_dma2 semaphore(%arg14 : memref<!tpu.dma_semaphore, #tpu.memory_space<semaphore_mem>>) src(%arg8 : memref<4096xf32, #tpu.memory_space<vmem>>) dst(%dma_wait3A_182 : memref<4096xf32, #tpu.memory_space<hbm>>)
    %dma_wait3A_183 = arith.constant 0 : i32
    %dma_wait3A_184 = arith.constant 0 : i32
    %dma_wait3A_185 = arith.constant 0 : i32
    %dma_wait3A_186 = tpu.memref_slice %arg4[%dma_wait3A_183, %dma_wait3A_184, %dma_wait3A_185] : memref<50x64x4096xf32, #tpu.memory_space<hbm>> -> memref<1x1x4096xf32, #tpu.memory_space<hbm>>
    %dma_wait3A_187 = tpu.memref_squeeze %dma_wait3A_186 : memref<1x1x4096xf32, #tpu.memory_space<hbm>> -> memref<4096xf32, #tpu.memory_space<hbm>>
    %dma_wait3A_188 = arith.constant 0 : i32
    %dma_wait3A_189 = tpu.memref_slice %arg4[%dma_wait3A_183, %dma_wait3A_184, %dma_wait3A_188] : memref<50x64x4096xf32, #tpu.memory_space<hbm>> -> memref<1x1x4096xf32, #tpu.memory_space<hbm>>
    %dma_wait3A_190 = tpu.memref_squeeze %dma_wait3A_189 : memref<1x1x4096xf32, #tpu.memory_space<hbm>> -> memref<4096xf32, #tpu.memory_space<hbm>>
    tpu.wait_dma2 semaphore(%arg16 : memref<!tpu.dma_semaphore, #tpu.memory_space<semaphore_mem>>) src(%arg10 : memref<4096xf32, #tpu.memory_space<vmem>>) dst(%dma_wait3A_190 : memref<4096xf32, #tpu.memory_space<hbm>>)
    %dma_wait3A_191 = arith.constant 0 : i32
    %dma_wait3A_192 = arith.constant 0 : i32
    %dma_wait3A_193 = arith.constant 0 : i32
    %dma_wait3A_194 = tpu.memref_slice %arg4[%dma_wait3A_191, %dma_wait3A_192, %dma_wait3A_193] : memref<50x64x4096xf32, #tpu.memory_space<hbm>> -> memref<1x1x4096xf32, #tpu.memory_space<hbm>>
    %dma_wait3A_195 = tpu.memref_squeeze %dma_wait3A_194 : memref<1x1x4096xf32, #tpu.memory_space<hbm>> -> memref<4096xf32, #tpu.memory_space<hbm>>
    %dma_wait3A_196 = arith.constant 0 : i32
    %dma_wait3A_197 = tpu.memref_slice %arg4[%dma_wait3A_191, %dma_wait3A_192, %dma_wait3A_196] : memref<50x64x4096xf32, #tpu.memory_space<hbm>> -> memref<1x1x4096xf32, #tpu.memory_space<hbm>>
    %dma_wait3A_198 = tpu.memref_squeeze %dma_wait3A_197 : memref<1x1x4096xf32, #tpu.memory_space<hbm>> -> memref<4096xf32, #tpu.memory_space<hbm>>
    tpu.wait_dma2 semaphore(%arg15 : memref<!tpu.dma_semaphore, #tpu.memory_space<semaphore_mem>>) src(%arg9 : memref<4096xf32, #tpu.memory_space<vmem>>) dst(%dma_wait3A_198 : memref<4096xf32, #tpu.memory_space<hbm>>)
    %dma_wait3A_199 = arith.constant 0 : i32
    %dma_wait3A_200 = arith.constant 0 : i32
    %dma_wait3A_201 = arith.constant 0 : i32
    %dma_wait3A_202 = tpu.memref_slice %arg4[%dma_wait3A_199, %dma_wait3A_200, %dma_wait3A_201] : memref<50x64x4096xf32, #tpu.memory_space<hbm>> -> memref<1x1x4096xf32, #tpu.memory_space<hbm>>
    %dma_wait3A_203 = tpu.memref_squeeze %dma_wait3A_202 : memref<1x1x4096xf32, #tpu.memory_space<hbm>> -> memref<4096xf32, #tpu.memory_space<hbm>>
    %dma_wait3A_204 = arith.constant 0 : i32
    %dma_wait3A_205 = tpu.memref_slice %arg4[%dma_wait3A_199, %dma_wait3A_200, %dma_wait3A_204] : memref<50x64x4096xf32, #tpu.memory_space<hbm>> -> memref<1x1x4096xf32, #tpu.memory_space<hbm>>
    %dma_wait3A_206 = tpu.memref_squeeze %dma_wait3A_205 : memref<1x1x4096xf32, #tpu.memory_space<hbm>> -> memref<4096xf32, #tpu.memory_space<hbm>>
    tpu.wait_dma2 semaphore(%arg17 : memref<!tpu.dma_semaphore, #tpu.memory_space<semaphore_mem>>) src(%arg11 : memref<4096xf32, #tpu.memory_space<vmem>>) dst(%dma_wait3A_206 : memref<4096xf32, #tpu.memory_space<hbm>>)
    return
  }
}

module attributes {stable_mosaic.version = 14 : i64} {
  func.func @_fuse_body(%arg0: i32, %arg1: memref<64x12800xf32, #tpu.memory_space<vmem>>, %arg2: memref<100x12800xf32, #tpu.memory_space<vmem>>, %arg3: memref<64x100xf32, #tpu.memory_space<vmem>>, %arg4: memref<64x1xf32, #tpu.memory_space<vmem>>, %arg5: memref<32x12800xi32, #tpu.memory_space<vmem>>) attributes {dimension_semantics = [#tpu.dimension_semantics<arbitrary>], iteration_bounds = array<i64: 8>, scalar_prefetch = 0 : i64, scratch_operands = 0 : i64, tpu.core_type = #tpu.core_type<tc>, window_params = [{transform_indices = @transform_0, window_bounds = array<i64: 64, 12800>}, {transform_indices = @transform_1, window_bounds = array<i64: 100, 12800>}, {pipeline_mode = #tpu.pipeline_mode<synchronous>, transform_indices = @transform_2, window_bounds = array<i64: 64, 100>}, {pipeline_mode = #tpu.pipeline_mode<synchronous>, transform_indices = @transform_3, window_bounds = array<i64: 64, 1>}, {transform_indices = @transform_4, window_bounds = array<i64: 32, 12800>}]} {
    %get3A = arith.constant 0 : index
    %get3A_0 = arith.constant 0 : index
    %get3A_1 = vector.load %arg3[%get3A, %get3A_0] : memref<64x100xf32, #tpu.memory_space<vmem>>, vector<64x100xf32>
    %get3A_2 = arith.constant 0 : index
    %get3A_3 = arith.constant 0 : index
    %get3A_4 = vector.load %arg2[%get3A_2, %get3A_3] : memref<100x12800xf32, #tpu.memory_space<vmem>>, vector<100x12800xf32>
    %dot_general3A = arith.constant dense<0.000000e+00> : vector<64x12800xf32>
    %dot_general3A_5 = tpu.matmul %get3A_1, %get3A_4, %dot_general3A {dimension_numbers = #tpu.dot_dimension_numbers<[1], [0], [0], [1], [0, 0, 1, 1], [], []>, transpose_lhs_hint = false} : vector<64x100xf32>, vector<100x12800xf32>, vector<64x12800xf32> -> vector<64x12800xf32>
    %get3A_6 = arith.constant 0 : index
    %get3A_7 = arith.constant 0 : index
    %get3A_8 = vector.load %arg1[%get3A_6, %get3A_7] : memref<64x12800xf32, #tpu.memory_space<vmem>>, vector<64x12800xf32>
    %mul3A = arith.constant 1.000000e-03 : f32
    %mul3A_9 = vector.broadcast %mul3A : f32 to vector<64x12800xf32>
    %mul3A_10 = arith.mulf %mul3A_9, %dot_general3A_5 : vector<64x12800xf32>
    %add3A = arith.addf %get3A_8, %mul3A_10 : vector<64x12800xf32>
    %get3A_11 = arith.constant 0 : index
    %get3A_12 = arith.constant 0 : index
    %get3A_13 = vector.load %arg4[%get3A_11, %get3A_12] : memref<64x1xf32, #tpu.memory_space<vmem>>, vector<64x1xf32>
    %mul3A_14 = arith.constant 1.000000e-03 : f32
    %mul3A_15 = vector.broadcast %mul3A_14 : f32 to vector<64x1xf32>
    %mul3A_16 = arith.mulf %mul3A_15, %get3A_13 : vector<64x1xf32>
    %add3A_17 = vector.broadcast %mul3A_16 : vector<64x1xf32> to vector<64x12800xf32>
    %add3A_18 = arith.addf %add3A, %add3A_17 : vector<64x12800xf32>
    %slice3A = vector.extract_strided_slice %add3A_18 {offsets = [0, 0], sizes = [32, 12800], strides = [1, 1]} : vector<64x12800xf32> to vector<32x12800xf32>
    %bitcast_convert_type3A = tpu.bitcast %slice3A : vector<32x12800xf32> -> vector<32x12800xi32>
    %add3A_19 = arith.constant 32767 : i32
    %add3A_20 = vector.broadcast %add3A_19 : i32 to vector<32x12800xi32>
    %add3A_21 = arith.addi %bitcast_convert_type3A, %add3A_20 : vector<32x12800xi32>
    %shift_right_logical3A = arith.constant 16 : i32
    %shift_right_logical3A_22 = vector.broadcast %shift_right_logical3A : i32 to vector<32x12800xi32>
    %shift_right_logical3A_23 = arith.shrui %bitcast_convert_type3A, %shift_right_logical3A_22 : vector<32x12800xi32>
    %and3A = arith.constant 1 : i32
    %and3A_24 = vector.broadcast %and3A : i32 to vector<32x12800xi32>
    %and3A_25 = arith.andi %shift_right_logical3A_23, %and3A_24 : vector<32x12800xi32>
    %add3A_26 = arith.addi %add3A_21, %and3A_25 : vector<32x12800xi32>
    %shift_right_logical3A_27 = arith.constant 16 : i32
    %shift_right_logical3A_28 = vector.broadcast %shift_right_logical3A_27 : i32 to vector<32x12800xi32>
    %shift_right_logical3A_29 = arith.shrui %add3A_26, %shift_right_logical3A_28 : vector<32x12800xi32>
    %slice3A_30 = vector.extract_strided_slice %add3A_18 {offsets = [32, 0], sizes = [32, 12800], strides = [1, 1]} : vector<64x12800xf32> to vector<32x12800xf32>
    %bitcast_convert_type3A_31 = tpu.bitcast %slice3A_30 : vector<32x12800xf32> -> vector<32x12800xi32>
    %add3A_32 = arith.constant 32767 : i32
    %add3A_33 = vector.broadcast %add3A_32 : i32 to vector<32x12800xi32>
    %add3A_34 = arith.addi %bitcast_convert_type3A_31, %add3A_33 : vector<32x12800xi32>
    %shift_right_logical3A_35 = arith.constant 16 : i32
    %shift_right_logical3A_36 = vector.broadcast %shift_right_logical3A_35 : i32 to vector<32x12800xi32>
    %shift_right_logical3A_37 = arith.shrui %bitcast_convert_type3A_31, %shift_right_logical3A_36 : vector<32x12800xi32>
    %and3A_38 = arith.constant 1 : i32
    %and3A_39 = vector.broadcast %and3A_38 : i32 to vector<32x12800xi32>
    %and3A_40 = arith.andi %shift_right_logical3A_37, %and3A_39 : vector<32x12800xi32>
    %add3A_41 = arith.addi %add3A_34, %and3A_40 : vector<32x12800xi32>
    %shift_right_logical3A_42 = arith.constant 16 : i32
    %shift_right_logical3A_43 = vector.broadcast %shift_right_logical3A_42 : i32 to vector<32x12800xi32>
    %shift_right_logical3A_44 = arith.shrui %add3A_41, %shift_right_logical3A_43 : vector<32x12800xi32>
    %shift_left3A = arith.constant 16 : i32
    %shift_left3A_45 = vector.broadcast %shift_left3A : i32 to vector<32x12800xi32>
    %shift_left3A_46 = arith.shli %shift_right_logical3A_44, %shift_left3A_45 : vector<32x12800xi32>
    %or3A = arith.ori %shift_right_logical3A_29, %shift_left3A_46 : vector<32x12800xi32>
    %bitcast_convert_type3A_47 = tpu.bitcast %or3A : vector<32x12800xi32> -> vector<32x12800xi32>
    %swap3A = arith.constant 0 : index
    %swap3A_48 = arith.constant 0 : index
    %swap3A_49 = vector.load %arg5[%swap3A, %swap3A_48] : memref<32x12800xi32, #tpu.memory_space<vmem>>, vector<32x12800xi32>
    tpu.vector_store %arg5[%swap3A, %swap3A_48], %bitcast_convert_type3A_47 {strides = array<i32>} : memref<32x12800xi32, #tpu.memory_space<vmem>>, vector<32x12800xi32>,
    return
  }
  func.func @transform_0(%arg0: i32) -> (i32, i32) {
    %c0_i32 = arith.constant 0 : i32
    %c0_i32_0 = arith.constant 0 : i32
    return %c0_i32, %arg0 : i32, i32
  }
  func.func @transform_1(%arg0: i32) -> (i32, i32) {
    %c0_i32 = arith.constant 0 : i32
    %c0_i32_0 = arith.constant 0 : i32
    return %c0_i32, %arg0 : i32, i32
  }
  func.func @transform_2(%arg0: i32) -> (i32, i32) {
    %c0_i32 = arith.constant 0 : i32
    %c0_i32_0 = arith.constant 0 : i32
    %c0_i32_1 = arith.constant 0 : i32
    return %c0_i32, %c0_i32_0 : i32, i32
  }
  func.func @transform_3(%arg0: i32) -> (i32, i32) {
    %c0_i32 = arith.constant 0 : i32
    %c0_i32_0 = arith.constant 0 : i32
    %c0_i32_1 = arith.constant 0 : i32
    return %c0_i32, %c0_i32_0 : i32, i32
  }
  func.func @transform_4(%arg0: i32) -> (i32, i32) {
    %c0_i32 = arith.constant 0 : i32
    %c0_i32_0 = arith.constant 0 : i32
    return %c0_i32, %arg0 : i32, i32
  }
}

</mosaic_0001>

<sc_bundles>
// kernel: kernel.4.cloned.1.call-start
scs
__scs_entry_jumppad:
0x0: {  	(pc) =	sbr.rel $0x88, $3  }
0x1: {  	(tag) =	ssettag $0x0;
	lr =	simm.s32 $0x1  }
0x2: {  	[smem:$0x3F9C] =	sst lr;
	_ =	strace $0xD0000000  }
0x3: {  	_ = 	snop  }
0x4: {  	_ = 	snop  }
0x5: {  	_ = 	snop  }
0x6: {  	_ = 	snop  }
0x7: {  	_ = 	snop  }
__scs_overlays_trampoline_lowered:
0x8: {  	[smem:$0x3FAB] =	sst s0  }
0x9: {  	[smem:$0x3FAC] =	sst s1  }
0xa: {  	[smem:$0x3FAD] =	sst s2  }
0xb: {  	[smem:$0x3FAE] =	sst s3  }
0xc: {  	[smem:$0x3FAF] =	sst s4  }
0xd: {  	[smem:$0x3FB0] =	sst s5  }
0xe: {  	[smem:$0x3FB1] =	sst s6  }
0xf: {  	[smem:$0x3FB2] =	sst s7  }
0x10: {  	[smem:$0x3FB3] =	sst s8  }
0x11: {  	[smem:$0x3FB4] =	sst s9;
	s0 =	simm.s32 @!p0 $0x0  }
0x12: {  	s1 =	sld [smem:$0x3F9A];
	s0 =	simm.s32 @p0 $0x1  }
0x13: {  	[smem:$0x3FB5] =	sst s0;
	s0 =	simm.s32 @!p1 $0x0  }
0x14: {  	s2 =	sld [smem:$0x3F99];
	s0 =	simm.s32 @p1 $0x1  }
0x15: {  	[smem:$0x3FB6] =	sst s0;
	s0 =	simm.s32 @!p2 $0x0  }
0x16: {  	s3 =	sld [smem:$0x3FDB];
	s0 =	simm.s32 @p2 $0x1  }
0x17: {  	s4 =	simm.s32 $0x1BF5;
	[smem:$0x3FB8] =	sst s0  }
0x18: {  	s0 =	sld [smem:$0x3F9B];
	_ =	swait.ge [sflag:s4], $0x0  }
0x19: {  	s7 =	sld [smem:$0x3F9C]  }
0x1a: {  	s8 =	sadd.s32 $0xFFFFE003, lr  }
0x1b: {  	s9 =	sadd.s32 $0xFFFFFEF7, lr;
	s5 =	simm.s32 $0xFFFFFFFF;
	p2 =	slt.u32 s8, $0xFFFFF086  }
0x1c: {  	p1 =	slt.u32 s9, $0xF7A;
	s5 =	simm.s32 @!p2 $0x0  }
0x1d: {  	s5 =	simm.s32 @p1 $0x1;
	p0 =	seq.s32 s7, s2  }
0x1e: {  	s7 =	smul.u32 @!p0 $0xF7A, s2;
	p2 =	seq.s32 @!p0 s5, $0x0  }
0x1f: {  	s9 =	smul.u32 $0xF7A, s1;
	s8 =	simm.s32 @!p0 $0x1BF5;
	p2 =	por !p2, p0  }
0x20: {  	[sflag:s8] =	ssyncset.s32 @!p0 $0xFFFFF086;
	s6 =	sadd.s32 @!p0 s3, s7;
	s7 =	simm.s32 @!p0 $0x108  }
0x21: {  	s3 =	sadd.s32 s3, s9;
	s6 =	sadd.s32 @!p0 $0x88, s6;
	s7 =	simm.s32 @p2 $0x1082  }
0x22: {  	[simem:s7], [sflag:s8] =	dma.local @!p0 [hbm:s6], $0xF7A  }
0x23: {  	s9 =	sor.u32 $0xD0000000, s2;
	s6 =	simm.s32 $0x108;
	_ =	swait.ge @!p0 [sflag:s8], $0x0  }
0x24: {  	s3 =	sadd.s32 $0x88, s3;
	s6 =	simm.s32 @!p1 $0x1082;
	[sflag:s4] =	ssyncset.s32 $0xFFFFF086  }
0x25: {  	[simem:s6], [sflag:s4] =	dma.local [hbm:s3], $0xF7A  }
0x26: {  	[smem:$0x3F9C] =	sst s1;
	(tag) =	ssettag s2;
	_ =	strace s9  }
0x27: {  	s1 =	sld [smem:$0x3FAC]  }
0x28: {  	s2 =	sld [smem:$0x3FAD]  }
0x29: {  	s4 =	sld [smem:$0x3FAF]  }
0x2a: {  	p0 =	seq.s32 s5, $0x0;
	s5 =	sld [smem:$0x3FB0]  }
0x2b: {  	s6 =	sld [smem:$0x3FB1]  }
0x2c: {  	s7 =	sld [smem:$0x3FB2]  }
0x2d: {  	s3 =	simm.s32 $0x108;
	s8 =	sld [smem:$0x3FB3]  }
0x2e: {  	s3 =	simm.s32 @!p0 $0x1082;
	s9 =	sld [smem:$0x3FB4]  }
0x2f: {  	lr =	sadd.s32 s0, s3;
	s0 =	sld [smem:$0x3FAB]  }
0x30: {  	s3 =	sld [smem:$0x3FAE]  }
0x31: {  	[smem:$0x3FB7] =	sst s10  }
0x32: {  	s10 =	sld [smem:$0x3FB5];
	_ =	sdelay $0x3  }
0x33: {  	p0 =	seq.s32 s10, $0x1;
	s10 =	sld [smem:$0x3FB7];
	_ =	sdelay $0x3  }
0x34: {  	[smem:$0x3FB7] =	sst s10  }
0x35: {  	s10 =	sld [smem:$0x3FB6];
	_ =	sdelay $0x3  }
0x36: {  	p1 =	seq.s32 s10, $0x1;
	s10 =	sld [smem:$0x3FB7];
	_ =	sdelay $0x3  }
0x37: {  	[smem:$0x3FB7] =	sst s10  }
0x38: {  	s10 =	sld [smem:$0x3FB8]  }
0x39: {  	_ = 	snop;
	(pc) =	sbr.ind lr, $3  }
0x3a: {  	_ = 	snop  }
0x3b: {  	_ = 	snop  }
0x3c: {  	p2 =	seq.s32 s10, $0x1;
	s10 =	sld [smem:$0x3FB7]  }
0x3d: {  	_ =	shalt  }
0x3e: {  	_ =	shalt  }
0x3f: {  	_ =	shalt  }
0x40: {  	_ =	shalt  }
0x41: {  	_ =	shalt  }
0x42: {  	_ =	shalt  }
0x43: {  	_ =	shalt  }
0x44: {  	_ =	shalt  }
0x45: {  	_ =	shalt  }
0x46: {  	_ =	shalt  }
0x47: {  	_ =	shalt  }
0x48: {  	_ =	shalt  }
0x49: {  	_ =	shalt  }
0x4a: {  	_ =	shalt  }
0x4b: {  	_ =	shalt  }
0x4c: {  	_ =	shalt  }
0x4d: {  	_ =	shalt  }
0x4e: {  	_ =	shalt  }
0x4f: {  	_ =	shalt  }
0x50: {  	_ =	shalt  }
0x51: {  	_ =	shalt  }
0x52: {  	_ =	shalt  }
0x53: {  	_ =	shalt  }
0x54: {  	_ =	shalt  }
0x55: {  	_ =	shalt  }
0x56: {  	_ =	shalt  }
0x57: {  	_ =	shalt  }
0x58: {  	_ =	shalt  }
0x59: {  	_ =	shalt  }
0x5a: {  	_ =	shalt  }
0x5b: {  	_ =	shalt  }
0x5c: {  	_ =	shalt  }
0x5d: {  	_ =	shalt  }
0x5e: {  	_ =	shalt  }
0x5f: {  	_ =	shalt  }
0x60: {  	_ =	shalt  }
0x61: {  	_ =	shalt  }
0x62: {  	_ =	shalt  }
0x63: {  	_ =	shalt  }
0x64: {  	_ =	shalt  }
0x65: {  	_ =	shalt  }
0x66: {  	_ =	shalt  }
0x67: {  	_ =	shalt  }
0x68: {  	_ =	shalt  }
0x69: {  	_ =	shalt  }
0x6a: {  	_ =	shalt  }
0x6b: {  	_ =	shalt  }
0x6c: {  	_ =	shalt  }
0x6d: {  	_ =	shalt  }
0x6e: {  	_ =	shalt  }
0x6f: {  	_ =	shalt  }
0x70: {  	_ =	shalt  }
0x71: {  	_ =	shalt  }
0x72: {  	_ =	shalt  }
0x73: {  	_ =	shalt  }
0x74: {  	_ =	shalt  }
0x75: {  	_ =	shalt  }
0x76: {  	_ =	shalt  }
0x77: {  	_ =	shalt  }
0x78: {  	_ =	shalt  }
0x79: {  	_ =	shalt  }
0x7a: {  	_ =	shalt  }
0x7b: {  	_ =	shalt  }
0x7c: {  	_ =	shalt  }
0x7d: {  	_ =	shalt  }
0x7e: {  	_ =	shalt  }
0x7f: {  	_ =	shalt  }
0x80: {  	_ =	shalt  }
0x81: {  	_ =	shalt  }
0x82: {  	_ =	shalt  }
0x83: {  	_ =	shalt  }
0x84: {  	_ =	shalt  }
0x85: {  	_ =	shalt  }
0x86: {  	_ =	shalt  }
0x87: {  	_ =	shalt  }
.Lfunc_end0:
.L_simem_size_0:
called_computation_lowered:
.L_overlay_start_0:
0x88: {  	s2 =	sld [smem:$0x3FD9]  }
0x89: {  	s3 =	sld [smem:$0x3FFE];
	_ =	sdelay $0x1  }
0x8a: {  	s1 =	srdreg.scid  }
0x8b: {  	s0 =	sand.u32 $0x1, s1  }
0x8c: {  	s17 =	sshll.u32 s0, $0xA;
	s2 =	sadd.s32 s3, s2  }
0x8d: {  	s2 =	sadd.s32 s2, s17  }
0x8e: {  	[smem:$0x3FC3] =	sst s2  }
0x8f: {  	_ = 	snop  }
0x90: {  	s2 =	sld [smem:$0x3FC9]  }
0x91: {  	s18 =	sld [smem:$0x3FD0];
	(tm) =	ssettm $0x1  }
0x92: {  	s4 =	sld [smem:$0x3FFB];
	_ =	sdelay $0x3  }
0x93: {  	_ =	strace s4  }
0x94: {  	s4 =	sld [smem:$0x3FFC];
	_ =	sdelay $0x3  }
0x95: {  	_ =	strace s4  }
0x96: {  	s4 =	sld [smem:$0x3FFD];
	_ =	sdelay $0x3  }
0x97: {  	_ =	strace s4  }
0x98: {  	_ =	strace $0x8FFFFFFF  }
0x99: {  	s19 =	sld [smem:$0x3FDB];
	_ =	sdelay $0x1  }
0x9a: {  	s5 =	simm.s32 $_scs_section_size  }
0x9b: {  	s6 =	simm.s32 $_size__tile_overlayer_lowered;
	s7 =	simm.s32 $_tile_overlayer_lowered  }
0x9c: {  	s22 =	simm.s32 $0x1BFF;
	s21 =	sshll.u32 s7, $0x1;
	s4 =	sadd.s32 s5, s19  }
0x9d: {  	s8 =	simm.s32 $0x0;
	s20 =	sshll.u32 s6, $0x1;
	s6 =	sadd.s32 s21, s4  }
0x9e: {  	[timem:s8], [sflag:s22] =	dma.local [hbm:s6], s20  }
0x9f: {  	_ =	swait.ge [sflag:s22], s20  }
0xa0: {  	s5 =	ssub.s32 $0x0, s20;
	[sflag:s22] =	ssyncset.done $0x0  }
0xa1: {  	[sflag:s22] =	ssyncadd.s32 s5;
	_ =	sdelay $0x1  }
0xa2: {  	s23 =	simm.s32 $0x1B8B  }
0xa3: {  	_ =	swait.ge [sflag:s23], $0x1  }
0xa4: {  	[sflag:s23] =	ssyncset.done $0x0  }
0xa5: {  	s25 =	simm.s32 $0x1B8E;
	s24 =	sld [smem:$0x3FFE];
	[sflag:s23] =	ssyncadd.s32 $0xFFFFFFFF  }
0xa6: {  	s26 =	simm.s32 $execute0_lowered;
	[smem:$0x3FD2] =	sst s25  }
0xa7: {  	s6 =	sshll.u32 s26, $0x1;
	_ =	strace $0x80000046;
	[dreg:$0x1] =	wrdreg $0xFFFFFFFF  }
0xa8: {  	s28 =	simm.s32 $_size_execute0_lowered;
	s4 =	sadd.s32 s4, s6;
	[dreg:$0x0] =	wrdreg $0x0  }
0xa9: {  	s6 =	sshll.u32 s28, $0x1;
	[dreg:$0x2] =	wrdreg s4  }
0xaa: {  	[dreg:$0x3] =	wrdreg s6  }
0xab: {  	[dreg:$0x4] =	wrdreg $0xC0  }
0xac: {  	_ =	task [dreg:s8], $0x5FFFF  }
0xad: {  	[dreg:$0x1] =	wrdreg $0xFFFFFFFF  }
0xae: {  	[dreg:$0x0] =	wrdreg $0x60  }
0xaf: {  	[dreg:$0x2] =	wrdreg s24  }
0xb0: {  	[dreg:$0x3] =	wrdreg s2  }
0xb1: {  	[dreg:$0x4] =	wrdreg s18  }
0xb2: {  	[dreg:$0x5] =	wrdreg $0x9  }
0xb3: {  	_ =	task.clear_ibuf [dreg:s8], $0x6FFFF;
	_ =	strace $0x90000046  }
0xb4: {  	s29 =	simm.s32 $0x9;
	_ =	strace $0x80000048  }
0xb5: {  	_ =	swait.ge [sflag:s29], $0x1  }
0xb6: {  	[sflag:s29] =	ssyncadd.s32 $0xFFFFFFFF  }
0xb7: {  	_ =	strace $0x90000048  }
0xb8: {  	_ =	sfence  }
0xb9: {  	s30 =	sld [smem:$0x0];
	_ =	sdelay $0x2  }
0xba: {  	s31 =	sshll.u32 s1, $0xD;
	s1 =	sshrl.u32 s1, $0x2  }
0xbb: {  	s3 =	sand.u32 $0x4000, s31;
	s1 =	sadd.s32 s1, s30  }
0xbc: {  	s0 =	sor.u32 s3, s0;
	s1 =	sshll.u32 s1, $0x11  }
0xbd: {  	s0 =	sor.u32 s1, s0  }
0xbe: {  	s0 =	sadd.s32 $0x8F2B, s0  }
0xbf: {  	[sflag:s0] =	ssyncadd.remote.s32 $0x1  }
0xc0: {  	_ =	sfence.sel $0xFFFF  }
0xc1: {  	[dreg:$0x0] =	wrdreg $0xFFFFFFFF;
	(pc) =	sbr.abs _section_cstart, $3  }
0xc2: {  	[dreg:$0x1] =	wrdreg $0xFFFFFFFF  }
0xc3: {  	_ =	task.clear_ibuf [dreg:s8], $0x2FFFF;
	_ =	strace $0x9FFFFFFF  }
0xc4: {  	(tm) =	ssettm $0x7FFFFFFF  }
0xc5: {  	_ =	shalt  }
tec
execute0_lowered:
.L_overlay_start_1:
0x0: {  	(tag) =	ssettag $0x1  }
0x1: {  	s0 =	rddreg [dreg:$0x0]  }
0x2: {  	s1 =	rddreg [dreg:$0x1]  }
0x3: {  	s2 =	rddreg [dreg:$0x2]  }
0x4: {  	s3 =	srdreg.scid;
	s9 =	stileid.u32;
	s28 =	simm.s32 $0x1C700  }
0x5: {  	s29 =	simm.s32 $0x2;
	s30 =	simm.s32 $0x1B700;
	s31 =	simm.s32 $0x1D700  }
0x6: {  	s10 =	simm.s32 $0x0;
	s3 =	sand.u32 $0x1, s3;
	s5 =	sshrl.u32 s9, $0x2  }
0x7: {  	s4 =	sshll.u32 s9, $0x8;
	s16 =	sshll.u32 s9, $0xD;
	s18 =	sadd.s32 $0x10, s1  }
0x8: {  	s21 =	sadd.s32 $0x20, s1;
	s24 =	sadd.s32 $0x30, s1;
	s6 =	sshll.u32 s3, $0x7  }
0x9: {  	s7 =	sand.u32 $0x300, s4;
	s8 =	smul.u32 $0xC3800, s5;
	s4 =	simm.s32 $0x0  }
0xa: {  	s3 =	ssub.s32 $0x2, s3;
	s5 =	sshll.u32 s5, $0xF;
	[smem:$0x7FF] =	sst s4  }
0xb: {  	s7 =	sor.u32 s6, s7;
	_ =	strace $0x80000047;
	[dreg:$0x5] =	wrdreg s18  }
0xc: {  	s15 =	sshrl.u32 s3, $0x1;
	s6 =	sor.u32 s8, s7;
	[dreg:$0x7] =	wrdreg s21  }
0xd: {  	s3 =	ssub.s32 s3, s15;
	s8 =	sand.u32 $0x18000, s16;
	[dreg:$0xa] =	wrdreg s24  }
0xe: {  	s21 =	simm.s32 $0x400;
	s24 =	simm.s32 $0x19700;
	s6 =	sshrl.u32 s6, $0x3  }
0xf: {  	s17 =	sor.u32 s7, s8;
	s0 =	sadd.s32 s6, s0;
	s6 =	sor.u32 s5, s7  }
0x10: {  	s8 =	sor.u32 $0x20000, s17;
	s7 =	simm.s32 $0x6;
	s0 =	sadd.s32 $0x800, s0  }
0x11: {  	s19 =	sshrl.u32 s6, $0x3;
	s20 =	sshrl.u32 s8, $0x3;
	[dreg:$0x4] =	wrdreg s0  }
0x12: {  	s9 =	sadd.s32 s2, s19;
	s0 =	sshrl.u32 s17, $0x3;
	s5 =	sadd.s32 s2, s20  }
0x13: {  	s19 =	smax.u32 s3, $0x1;
	s20 =	simm.s32 $0x80;
	s3 =	simm.s32 $0x3  }
0x14: {  	[dreg:$0x6] =	wrdreg s5;
	s0 =	sadd.s32 s0, s2;
	s22 =	sadd.s32 $0x8000, s9  }
0x15: {  	s25 =	sadd.s32 $0x180000, s9;
	s17 =	sadd.s32 $0x188000, s9;
	[dreg:$0x8] =	wrdreg s22  }
0x16: {  	s5 =	simm.s32 $0x4;
	s23 =	sadd.s32 $0xC000, s0;
	[dreg:$0xb] =	wrdreg s25  }
0x17: {  	s26 =	sadd.s32 $0x184000, s0;
	s18 =	sadd.s32 $0x18C000, s0;
	s22 =	simm.s32 $0x7  }
0x18: {  	s25 =	simm.s32 $0x1;
	s0 =	simm.s32 $0x5;
	[dreg:$0x9] =	wrdreg s23  }
0x19: {  	[dreg:$0xc] =	wrdreg s26;
	s23 =	simm.s32 $0x18700;
	s26 =	simm.s32 $0x1A700  }
.LBB2_1:
0x1a: {  	s11 =	rddreg [dreg:$0x4]  }
0x1b: {  	[tilespmem:s4], [sflag:$0x7] =	stream.strided.gather [hbm4b:s11+s20], $0x18700, s21, s20, $0x38;
	[tilespmem:$0x1E700] =	vst v63  }
0x1c: {  	_ =	swait.ge [sflag:s22], $0x18700  }
0x1d: {  	[sflag:s22] =	ssyncset.done $0x0  }
0x1e: {  	[sflag:s22] =	ssyncadd.s32 $0xFFFE7900  }
0x1f: {  	[tilespmem:s23], [sflag:$0x1] =	stream.strided.gather [hbm4b:s1+s20], $0x1000, s21, s20, $0x38;
	[tilespmem:$0x1E700] =	vst v63  }
0x20: {  	s16 =	rddreg [dreg:$0x5]  }
0x21: {  	[tilespmem:s24], [sflag:$0x2] =	stream.strided.gather [hbm4b:s16+s20], $0x1000, s21, s20, $0x38;
	[tilespmem:$0x1E700] =	vst v63  }
0x22: {  	_ =	swait.ge [sflag:s25], $0x1000  }
0x23: {  	[sflag:s25] =	ssyncset.done $0x0  }
0x24: {  	s11 =	simm.s32 $0x0;
	[sflag:s25] =	ssyncadd.s32 $0xFFFFF000  }
0x25: {  	v0 =	vld [tilespmem:s11+$0x18770]  }
0x26: {  	v1 =	vld [tilespmem:s11+$0x18700]  }
0x27: {  	v2 =	vld [tilespmem:s11+$0x18710]  }
0x28: {  	v3 =	vld [tilespmem:s11+$0x18720]  }
0x29: {  	v4 =	vld [tilespmem:s11+$0x18730]  }
0x2a: {  	v5 =	vld [tilespmem:s11+$0x18740]  }
0x2b: {  	v6 =	vld [tilespmem:s11+$0x18750]  }
0x2c: {  	v7 =	vld [tilespmem:s11+$0x18760]  }
0x2d: {  	v0 =	vld.idx.msk [tilespmem:v0+s4+$0x0], $0xffff  }
0x2e: {  	v1 =	vld.idx.msk [tilespmem:v1+s4+$0x0], $0xffff  }
0x2f: {  	v2 =	vld.idx.msk [tilespmem:v2+s4+$0x0], $0xffff  }
0x30: {  	v3 =	vld.idx.msk [tilespmem:v3+s4+$0x0], $0xffff  }
0x31: {  	v8 =	vld.idx.msk [tilespmem:v4+s4+$0x0], $0xffff  }
0x32: {  	v5 =	vld.idx.msk [tilespmem:v5+s4+$0x0], $0xffff  }
0x33: {  	v6 =	vld.idx.msk [tilespmem:v6+s4+$0x0], $0xffff;
	v4 =	vand.u32 $0xFFFF0000, v0  }
0x34: {  	v9 =	vld.idx.msk [tilespmem:v7+s4+$0x0], $0xffff;
	v7 =	vshll.u32 v1, $0x10;
	[tilespmem:s11+$0x1C770] =	vst v4  }
0x35: {  	v1 =	vand.u32 $0xFFFF0000, v1;
	[tilespmem:s11+$0x1A700] =	vst v7  }
0x36: {  	v4 =	vshll.u32 v2, $0x10;
	[tilespmem:s11+$0x1C700] =	vst v1  }
0x37: {  	v1 =	vand.u32 $0xFFFF0000, v2;
	[tilespmem:s11+$0x1A710] =	vst v4  }
0x38: {  	v0 =	vshll.u32 v0, $0x10;
	v7 =	vshll.u32 v3, $0x10;
	[tilespmem:s11+$0x1C710] =	vst v1  }
0x39: {  	v2 =	vand.u32 $0xFFFF0000, v3;
	v3 =	vshll.u32 v5, $0x10;
	v4 =	vshll.u32 v8, $0x10;
	[tilespmem:s11+$0x1A720] =	vst v7  }
0x3a: {  	v7 =	vand.u32 $0xFFFF0000, v8;
	v8 =	vand.u32 $0xFFFF0000, v5;
	v1 =	vshll.u32 v6, $0x10;
	[tilespmem:s11+$0x1A740] =	vst v3  }
0x3b: {  	s12 =	simm.s32 $0x80;
	s13 =	simm.s32 $0x400;
	v3 =	vand.u32 $0xFFFF0000, v6;
	v5 =	vshll.u32 v9, $0x10;
	v6 =	vand.u32 $0xFFFF0000, v9;
	[tilespmem:s11+$0x1C740] =	vst v8  }
.LBB2_2:
0x3c: {  	p0 =	sne.s32 s13, $0x3E00;
	v8 =	vld [tilespmem:s12+$0x18770];
	[tilespmem:s11+$0x1C730] =	vst v7  }
0x3d: {  	v7 =	vld [tilespmem:s12+$0x18700];
	[tilespmem:s11+$0x1A730] =	vst v4  }
0x3e: {  	v4 =	vld [tilespmem:s12+$0x18710];
	[tilespmem:s11+$0x1C720] =	vst v2  }
0x3f: {  	v2 =	vld [tilespmem:s12+$0x18720];
	[tilespmem:s11+$0x1A770] =	vst v0  }
0x40: {  	v0 =	vld [tilespmem:s12+$0x18730];
	[tilespmem:s11+$0x1C760] =	vst v6  }
0x41: {  	v6 =	vld [tilespmem:s12+$0x18740];
	[tilespmem:s11+$0x1A760] =	vst v5  }
0x42: {  	v5 =	vld [tilespmem:s12+$0x18750];
	[tilespmem:s11+$0x1C750] =	vst v3  }
0x43: {  	v3 =	vld [tilespmem:s12+$0x18760];
	[tilespmem:s11+$0x1A750] =	vst v1;
	s11 =	smov.u32 s12  }
0x44: {  	v1 =	vld.idx.msk [tilespmem:v8+s4+$0x0], $0xffff  }
0x45: {  	v7 =	vld.idx.msk [tilespmem:v7+s4+$0x0], $0xffff  }
0x46: {  	v4 =	vld.idx.msk [tilespmem:v4+s4+$0x0], $0xffff  }
0x47: {  	v2 =	vld.idx.msk [tilespmem:v2+s4+$0x0], $0xffff  }
0x48: {  	v8 =	vld.idx.msk [tilespmem:v0+s4+$0x0], $0xffff  }
0x49: {  	v6 =	vld.idx.msk [tilespmem:v6+s4+$0x0], $0xffff  }
0x4a: {  	v0 =	vshll.u32 v1, $0x10;
	v1 =	vand.u32 $0xFFFF0000, v1;
	v5 =	vld.idx.msk [tilespmem:v5+s4+$0x0], $0xffff  }
0x4b: {  	v9 =	vld.idx.msk [tilespmem:v3+s4+$0x0], $0xffff;
	v3 =	vshll.u32 v7, $0x10;
	v7 =	vand.u32 $0xFFFF0000, v7;
	[tilespmem:s11+$0x1C770] =	vst v1  }
0x4c: {  	v1 =	vshll.u32 v4, $0x10;
	v10 =	vand.u32 $0xFFFF0000, v4;
	[tilespmem:s11+$0x1A700] =	vst v3  }
0x4d: {  	v11 =	vshll.u32 v2, $0x10;
	v2 =	vand.u32 $0xFFFF0000, v2;
	[tilespmem:s11+$0x1C700] =	vst v7  }
.Ltmp0:
0x4e: {  	v4 =	vshll.u32 v8, $0x10;
	v7 =	vand.u32 $0xFFFF0000, v8;
	[tilespmem:s11+$0x1A710] =	vst v1;
	(pc) =	sbr.rel @p0 .LBB2_2-.Ltmp0, $4  }
0x4f: {  	v8 =	vshll.u32 v6, $0x10;
	v12 =	vand.u32 $0xFFFF0000, v6;
	[tilespmem:s11+$0x1C710] =	vst v10  }
0x50: {  	v1 =	vshll.u32 v5, $0x10;
	v3 =	vand.u32 $0xFFFF0000, v5;
	[tilespmem:s11+$0x1A720] =	vst v11  }
0x51: {  	v5 =	vshll.u32 v9, $0x10;
	v6 =	vand.u32 $0xFFFF0000, v9;
	[tilespmem:s11+$0x1A740] =	vst v8  }
0x52: {  	s12 =	sshra.s32 s13, $0x2;
	s13 =	sadd.s32 $0x200, s13;
	[tilespmem:s11+$0x1C740] =	vst v12  }
0x53: {  	v8 =	vld [tilespmem:s12+$0x18770];
	[tilespmem:s11+$0x1C730] =	vst v7  }
0x54: {  	v7 =	vld [tilespmem:s12+$0x18700];
	[tilespmem:s11+$0x1A730] =	vst v4  }
0x55: {  	v4 =	vld [tilespmem:s12+$0x18710];
	[tilespmem:s11+$0x1C720] =	vst v2  }
0x56: {  	v2 =	vld [tilespmem:s12+$0x18720];
	[tilespmem:s11+$0x1A770] =	vst v0  }
0x57: {  	v0 =	vld [tilespmem:s12+$0x18730];
	[tilespmem:s11+$0x1C760] =	vst v6  }
0x58: {  	v6 =	vld [tilespmem:s12+$0x18740];
	[tilespmem:s11+$0x1A760] =	vst v5  }
0x59: {  	v5 =	vld [tilespmem:s12+$0x18750];
	[tilespmem:s11+$0x1C750] =	vst v3  }
0x5a: {  	v3 =	vld [tilespmem:s12+$0x18760];
	[tilespmem:s11+$0x1A750] =	vst v1  }
0x5b: {  	v1 =	vld.idx.msk [tilespmem:v8+s4+$0x0], $0xffff  }
0x5c: {  	v7 =	vld.idx.msk [tilespmem:v7+s4+$0x0], $0xffff  }
0x5d: {  	v4 =	vld.idx.msk [tilespmem:v4+s4+$0x0], $0xffff  }
0x5e: {  	v2 =	vld.idx.msk [tilespmem:v2+s4+$0x0], $0xffff  }
0x5f: {  	v0 =	vld.idx.msk [tilespmem:v0+s4+$0x0], $0xffff  }
0x60: {  	v6 =	vld.idx.msk [tilespmem:v6+s4+$0x0], $0xffff  }
0x61: {  	v8 =	vand.u32 $0xFFFF0000, v1;
	v5 =	vld.idx.msk [tilespmem:v5+s4+$0x0], $0xffff  }
0x62: {  	v9 =	vshll.u32 v7, $0x10;
	v3 =	vld.idx.msk [tilespmem:v3+s4+$0x0], $0xffff;
	[tilespmem:s12+$0x1C770] =	vst v8  }
0x63: {  	v7 =	vand.u32 $0xFFFF0000, v7;
	[tilespmem:s12+$0x1A700] =	vst v9  }
0x64: {  	v8 =	vshll.u32 v4, $0x10;
	[tilespmem:s12+$0x1C700] =	vst v7  }
0x65: {  	v4 =	vand.u32 $0xFFFF0000, v4;
	[tilespmem:s12+$0x1A710] =	vst v8  }
0x66: {  	v7 =	vshll.u32 v2, $0x10;
	[tilespmem:s12+$0x1C710] =	vst v4  }
0x67: {  	v2 =	vand.u32 $0xFFFF0000, v2;
	[tilespmem:s12+$0x1A720] =	vst v7  }
0x68: {  	[tilespmem:s12+$0x1C720] =	vst v2;
	v4 =	vshll.u32 v6, $0x10  }
0x69: {  	v6 =	vand.u32 $0xFFFF0000, v6;
	[tilespmem:s12+$0x1A740] =	vst v4  }
0x6a: {  	v4 =	vand.u32 $0xFFFF0000, v0;
	[tilespmem:s12+$0x1C740] =	vst v6  }
0x6b: {  	v0 =	vshll.u32 v0, $0x10;
	[tilespmem:s12+$0x1C730] =	vst v4  }
0x6c: {  	[tilespmem:s12+$0x1A730] =	vst v0;
	v0 =	vshll.u32 v1, $0x10  }
0x6d: {  	v1 =	vand.u32 $0xFFFF0000, v3;
	[tilespmem:s12+$0x1A770] =	vst v0  }
0x6e: {  	v0 =	vshll.u32 v3, $0x10;
	[tilespmem:s12+$0x1C760] =	vst v1  }
0x6f: {  	v1 =	vand.u32 $0xFFFF0000, v5;
	[tilespmem:s12+$0x1A760] =	vst v0  }
0x70: {  	v0 =	vshll.u32 v5, $0x10;
	[tilespmem:s12+$0x1C750] =	vst v1  }
0x71: {  	[tilespmem:s12+$0x1A750] =	vst v0  }
0x72: {  	[hbm4b:s9+s20] =	stream.strided.scatter [tilespmem:s26], [sflag:$0x3], $0x1000, s21, s20, $0x38;
	[tilespmem:$0x1E700] =	vst v63  }
0x73: {  	s15 =	rddreg [dreg:$0x6]  }
0x74: {  	[hbm4b:s15+s20] =	stream.strided.scatter [tilespmem:s28], [sflag:$0x5], $0x1000, s21, s20, $0x38;
	[tilespmem:$0x1E700] =	vst v63  }
0x75: {  	s16 =	rddreg [dreg:$0x7]  }
0x76: {  	[tilespmem:s23], [sflag:$0x1] =	stream.strided.gather [hbm4b:s16+s20], $0x1000, s21, s20, $0x38;
	[tilespmem:$0x1E700] =	vst v63  }
0x77: {  	_ =	swait.ge [sflag:s29], $0x1000  }
0x78: {  	[sflag:s29] =	ssyncset.done $0x0  }
0x79: {  	s11 =	simm.s32 $0x0;
	[sflag:s29] =	ssyncadd.s32 $0xFFFFF000  }
0x7a: {  	v0 =	vld [tilespmem:s11+$0x19770]  }
0x7b: {  	v1 =	vld [tilespmem:s11+$0x19700]  }
0x7c: {  	v2 =	vld [tilespmem:s11+$0x19710]  }
0x7d: {  	v3 =	vld [tilespmem:s11+$0x19720]  }
0x7e: {  	v4 =	vld [tilespmem:s11+$0x19730]  }
0x7f: {  	v5 =	vld [tilespmem:s11+$0x19740]  }
0x80: {  	v6 =	vld [tilespmem:s11+$0x19750]  }
0x81: {  	v7 =	vld [tilespmem:s11+$0x19760]  }
0x82: {  	v0 =	vld.idx.msk [tilespmem:v0+s4+$0x0], $0xffff  }
0x83: {  	v1 =	vld.idx.msk [tilespmem:v1+s4+$0x0], $0xffff  }
0x84: {  	v2 =	vld.idx.msk [tilespmem:v2+s4+$0x0], $0xffff  }
0x85: {  	v3 =	vld.idx.msk [tilespmem:v3+s4+$0x0], $0xffff  }
0x86: {  	v8 =	vld.idx.msk [tilespmem:v4+s4+$0x0], $0xffff  }
0x87: {  	v5 =	vld.idx.msk [tilespmem:v5+s4+$0x0], $0xffff  }
0x88: {  	v6 =	vld.idx.msk [tilespmem:v6+s4+$0x0], $0xffff;
	v4 =	vand.u32 $0xFFFF0000, v0  }
0x89: {  	v63 =	vld.idx.msk [tilespmem:v7+s4+$0x0], $0xffff;
	v7 =	vshll.u32 v1, $0x10;
	[tilespmem:s11+$0x1D770] =	vst v4  }
0x8a: {  	v1 =	vand.u32 $0xFFFF0000, v1;
	[tilespmem:s11+$0x1B700] =	vst v7  }
0x8b: {  	v4 =	vshll.u32 v2, $0x10;
	[tilespmem:s11+$0x1D700] =	vst v1  }
0x8c: {  	v1 =	vand.u32 $0xFFFF0000, v2;
	[tilespmem:s11+$0x1B710] =	vst v4  }
0x8d: {  	v0 =	vshll.u32 v0, $0x10;
	v7 =	vshll.u32 v3, $0x10;
	[tilespmem:s11+$0x1D710] =	vst v1  }
0x8e: {  	v2 =	vand.u32 $0xFFFF0000, v3;
	v3 =	vshll.u32 v5, $0x10;
	v4 =	vshll.u32 v8, $0x10;
	[tilespmem:s11+$0x1B720] =	vst v7  }
0x8f: {  	v7 =	vand.u32 $0xFFFF0000, v8;
	v8 =	vand.u32 $0xFFFF0000, v5;
	v1 =	vshll.u32 v6, $0x10;
	[tilespmem:s11+$0x1B740] =	vst v3  }
0x90: {  	s13 =	simm.s32 $0x400;
	s12 =	simm.s32 $0x80;
	v3 =	vand.u32 $0xFFFF0000, v6;
	v5 =	vshll.u32 v63, $0x10;
	v6 =	vand.u32 $0xFFFF0000, v63;
	[tilespmem:s11+$0x1D740] =	vst v8  }
.LBB2_4:
0x91: {  	p0 =	sne.s32 s13, $0x3E00;
	v8 =	vld [tilespmem:s12+$0x19770];
	[tilespmem:s11+$0x1D730] =	vst v7  }
0x92: {  	v7 =	vld [tilespmem:s12+$0x19700];
	[tilespmem:s11+$0x1B730] =	vst v4  }
0x93: {  	v4 =	vld [tilespmem:s12+$0x19710];
	[tilespmem:s11+$0x1D720] =	vst v2  }
0x94: {  	v2 =	vld [tilespmem:s12+$0x19720];
	[tilespmem:s11+$0x1B770] =	vst v0  }
0x95: {  	v0 =	vld [tilespmem:s12+$0x19730];
	[tilespmem:s11+$0x1D760] =	vst v6  }
0x96: {  	v6 =	vld [tilespmem:s12+$0x19740];
	[tilespmem:s11+$0x1B760] =	vst v5  }
0x97: {  	v5 =	vld [tilespmem:s12+$0x19750];
	[tilespmem:s11+$0x1D750] =	vst v3  }
0x98: {  	v3 =	vld [tilespmem:s12+$0x19760];
	[tilespmem:s11+$0x1B750] =	vst v1;
	s11 =	smov.u32 s12  }
0x99: {  	v1 =	vld.idx.msk [tilespmem:v8+s4+$0x0], $0xffff  }
0x9a: {  	v7 =	vld.idx.msk [tilespmem:v7+s4+$0x0], $0xffff  }
0x9b: {  	v4 =	vld.idx.msk [tilespmem:v4+s4+$0x0], $0xffff  }
0x9c: {  	v2 =	vld.idx.msk [tilespmem:v2+s4+$0x0], $0xffff  }
0x9d: {  	v8 =	vld.idx.msk [tilespmem:v0+s4+$0x0], $0xffff  }
0x9e: {  	v6 =	vld.idx.msk [tilespmem:v6+s4+$0x0], $0xffff  }
0x9f: {  	v0 =	vshll.u32 v1, $0x10;
	v1 =	vand.u32 $0xFFFF0000, v1;
	v5 =	vld.idx.msk [tilespmem:v5+s4+$0x0], $0xffff  }
0xa0: {  	v9 =	vld.idx.msk [tilespmem:v3+s4+$0x0], $0xffff;
	v3 =	vshll.u32 v7, $0x10;
	v7 =	vand.u32 $0xFFFF0000, v7;
	[tilespmem:s11+$0x1D770] =	vst v1  }
0xa1: {  	v1 =	vshll.u32 v4, $0x10;
	v10 =	vand.u32 $0xFFFF0000, v4;
	[tilespmem:s11+$0x1B700] =	vst v3  }
0xa2: {  	v11 =	vshll.u32 v2, $0x10;
	v2 =	vand.u32 $0xFFFF0000, v2;
	[tilespmem:s11+$0x1D700] =	vst v7  }
.Ltmp1:
0xa3: {  	v4 =	vshll.u32 v8, $0x10;
	v7 =	vand.u32 $0xFFFF0000, v8;
	[tilespmem:s11+$0x1B710] =	vst v1;
	(pc) =	sbr.rel @p0 .LBB2_4-.Ltmp1, $4  }
0xa4: {  	v8 =	vshll.u32 v6, $0x10;
	v12 =	vand.u32 $0xFFFF0000, v6;
	[tilespmem:s11+$0x1D710] =	vst v10  }
0xa5: {  	v1 =	vshll.u32 v5, $0x10;
	v3 =	vand.u32 $0xFFFF0000, v5;
	[tilespmem:s11+$0x1B720] =	vst v11  }
0xa6: {  	v5 =	vshll.u32 v9, $0x10;
	v6 =	vand.u32 $0xFFFF0000, v9;
	[tilespmem:s11+$0x1B740] =	vst v8  }
0xa7: {  	s12 =	sshra.s32 s13, $0x2;
	s13 =	sadd.s32 $0x200, s13;
	[tilespmem:s11+$0x1D740] =	vst v12  }
0xa8: {  	v8 =	vld [tilespmem:s12+$0x19770];
	[tilespmem:s11+$0x1D730] =	vst v7  }
0xa9: {  	v7 =	vld [tilespmem:s12+$0x19700];
	[tilespmem:s11+$0x1B730] =	vst v4  }
0xaa: {  	v4 =	vld [tilespmem:s12+$0x19710];
	[tilespmem:s11+$0x1D720] =	vst v2  }
0xab: {  	v2 =	vld [tilespmem:s12+$0x19720];
	[tilespmem:s11+$0x1B770] =	vst v0  }
0xac: {  	v0 =	vld [tilespmem:s12+$0x19730];
	[tilespmem:s11+$0x1D760] =	vst v6  }
0xad: {  	v6 =	vld [tilespmem:s12+$0x19740];
	[tilespmem:s11+$0x1B760] =	vst v5  }
0xae: {  	v5 =	vld [tilespmem:s12+$0x19750];
	[tilespmem:s11+$0x1D750] =	vst v3  }
0xaf: {  	v3 =	vld [tilespmem:s12+$0x19760];
	[tilespmem:s11+$0x1B750] =	vst v1  }
0xb0: {  	v1 =	vld.idx.msk [tilespmem:v8+s4+$0x0], $0xffff  }
0xb1: {  	v7 =	vld.idx.msk [tilespmem:v7+s4+$0x0], $0xffff  }
0xb2: {  	v4 =	vld.idx.msk [tilespmem:v4+s4+$0x0], $0xffff  }
0xb3: {  	v2 =	vld.idx.msk [tilespmem:v2+s4+$0x0], $0xffff  }
0xb4: {  	v0 =	vld.idx.msk [tilespmem:v0+s4+$0x0], $0xffff  }
0xb5: {  	v6 =	vld.idx.msk [tilespmem:v6+s4+$0x0], $0xffff  }
0xb6: {  	v8 =	vand.u32 $0xFFFF0000, v1;
	v5 =	vld.idx.msk [tilespmem:v5+s4+$0x0], $0xffff  }
0xb7: {  	v9 =	vshll.u32 v7, $0x10;
	v3 =	vld.idx.msk [tilespmem:v3+s4+$0x0], $0xffff;
	[tilespmem:s12+$0x1D770] =	vst v8  }
0xb8: {  	v7 =	vand.u32 $0xFFFF0000, v7;
	[tilespmem:s12+$0x1B700] =	vst v9  }
0xb9: {  	v59 =	vshll.u32 v1, $0x10;
	[tilespmem:s12+$0x1D700] =	vst v7  }
0xba: {  	v55 =	vshll.u32 v4, $0x10;
	[tilespmem:s12+$0x1B770] =	vst v59  }
0xbb: {  	v4 =	vand.u32 $0xFFFF0000, v4;
	[tilespmem:s12+$0x1B710] =	vst v55  }
0xbc: {  	v56 =	vshll.u32 v2, $0x10;
	[tilespmem:s12+$0x1D710] =	vst v4  }
0xbd: {  	v2 =	vand.u32 $0xFFFF0000, v2;
	[tilespmem:s12+$0x1B720] =	vst v56  }
0xbe: {  	v58 =	vand.u32 $0xFFFF0000, v0;
	[tilespmem:s12+$0x1D720] =	vst v2  }
0xbf: {  	v0 =	vshll.u32 v0, $0x10;
	[tilespmem:s12+$0x1D730] =	vst v58  }
0xc0: {  	v57 =	vshll.u32 v6, $0x10;
	[tilespmem:s12+$0x1B730] =	vst v0  }
0xc1: {  	v6 =	vand.u32 $0xFFFF0000, v6;
	[tilespmem:s12+$0x1B740] =	vst v57  }
0xc2: {  	[tilespmem:s12+$0x1D740] =	vst v6;
	v62 =	vand.u32 $0xFFFF0000, v5  }
0xc3: {  	v63 =	vshll.u32 v5, $0x10;
	[tilespmem:s12+$0x1D750] =	vst v62  }
0xc4: {  	v60 =	vand.u32 $0xFFFF0000, v3;
	[tilespmem:s12+$0x1B750] =	vst v63  }
0xc5: {  	v61 =	vshll.u32 v3, $0x10;
	[tilespmem:s12+$0x1D760] =	vst v60  }
0xc6: {  	s14 =	rddreg [dreg:$0x8];
	[tilespmem:s12+$0x1B760] =	vst v61  }
0xc7: {  	[hbm4b:s14+s20] =	stream.strided.scatter [tilespmem:s30], [sflag:$0x4], $0x1000, s21, s20, $0x38;
	[tilespmem:$0x1E700] =	vst v63  }
0xc8: {  	s15 =	rddreg [dreg:$0x9]  }
0xc9: {  	[hbm4b:s15+s20] =	stream.strided.scatter [tilespmem:s31], [sflag:$0x6], $0x1000, s21, s20, $0x38;
	[tilespmem:$0x1E700] =	vst v63  }
0xca: {  	s16 =	rddreg [dreg:$0xa];
	s11 =	simm.s32 $0x0  }
0xcb: {  	[tilespmem:s24], [sflag:$0x2] =	stream.strided.gather [hbm4b:s16+s20], $0x1000, s21, s20, $0x38;
	[tilespmem:$0x1E700] =	vst v63  }
.LBB2_6:
0xcc: {  	_ =	swait.ge [sflag:s25], $0x1000  }
0xcd: {  	[sflag:s25] =	ssyncset.done $0x0  }
0xce: {  	[sflag:s25] =	ssyncadd.s32 $0xFFFFF000  }
0xcf: {  	_ =	swait.ge [sflag:s3], $0x1000  }
0xd0: {  	[sflag:s3] =	ssyncset.done $0x0  }
0xd1: {  	[sflag:s3] =	ssyncadd.s32 $0xFFFFF000  }
0xd2: {  	_ =	swait.ge [sflag:s0], $0x1000  }
0xd3: {  	[sflag:s0] =	ssyncset.done $0x0  }
0xd4: {  	s12 =	simm.s32 $0x0;
	[sflag:s0] =	ssyncadd.s32 $0xFFFFF000  }
0xd5: {  	v0 =	vld [tilespmem:s12+$0x18770]  }
0xd6: {  	v1 =	vld [tilespmem:s12+$0x18700]  }
0xd7: {  	v2 =	vld [tilespmem:s12+$0x18710]  }
0xd8: {  	v3 =	vld [tilespmem:s12+$0x18720]  }
0xd9: {  	v4 =	vld [tilespmem:s12+$0x18730]  }
0xda: {  	v5 =	vld [tilespmem:s12+$0x18740]  }
0xdb: {  	v6 =	vld [tilespmem:s12+$0x18750]  }
0xdc: {  	v7 =	vld [tilespmem:s12+$0x18760]  }
0xdd: {  	v0 =	vld.idx.msk [tilespmem:v0+s4+$0x0], $0xffff  }
0xde: {  	v1 =	vld.idx.msk [tilespmem:v1+s4+$0x0], $0xffff  }
0xdf: {  	v2 =	vld.idx.msk [tilespmem:v2+s4+$0x0], $0xffff  }
0xe0: {  	v3 =	vld.idx.msk [tilespmem:v3+s4+$0x0], $0xffff  }
0xe1: {  	v8 =	vld.idx.msk [tilespmem:v4+s4+$0x0], $0xffff  }
0xe2: {  	v5 =	vld.idx.msk [tilespmem:v5+s4+$0x0], $0xffff  }
0xe3: {  	v6 =	vld.idx.msk [tilespmem:v6+s4+$0x0], $0xffff;
	v4 =	vand.u32 $0xFFFF0000, v0  }
0xe4: {  	v9 =	vld.idx.msk [tilespmem:v7+s4+$0x0], $0xffff;
	v7 =	vshll.u32 v1, $0x10;
	[tilespmem:s12+$0x1C770] =	vst v4  }
0xe5: {  	v1 =	vand.u32 $0xFFFF0000, v1;
	[tilespmem:s12+$0x1A700] =	vst v7  }
0xe6: {  	v4 =	vshll.u32 v2, $0x10;
	[tilespmem:s12+$0x1C700] =	vst v1  }
0xe7: {  	v1 =	vand.u32 $0xFFFF0000, v2;
	[tilespmem:s12+$0x1A710] =	vst v4  }
0xe8: {  	v0 =	vshll.u32 v0, $0x10;
	v7 =	vshll.u32 v3, $0x10;
	[tilespmem:s12+$0x1C710] =	vst v1  }
0xe9: {  	v2 =	vand.u32 $0xFFFF0000, v3;
	v3 =	vshll.u32 v5, $0x10;
	v4 =	vshll.u32 v8, $0x10;
	[tilespmem:s12+$0x1A720] =	vst v7  }
0xea: {  	v7 =	vand.u32 $0xFFFF0000, v8;
	v8 =	vand.u32 $0xFFFF0000, v5;
	v1 =	vshll.u32 v6, $0x10;
	[tilespmem:s12+$0x1A740] =	vst v3  }
0xeb: {  	s14 =	simm.s32 $0x80;
	s13 =	simm.s32 $0x400;
	v3 =	vand.u32 $0xFFFF0000, v6;
	v5 =	vshll.u32 v9, $0x10;
	v6 =	vand.u32 $0xFFFF0000, v9;
	[tilespmem:s12+$0x1C740] =	vst v8  }
.LBB2_7:
0xec: {  	p0 =	sne.s32 s13, $0x3E00;
	v8 =	vld [tilespmem:s14+$0x18770];
	[tilespmem:s12+$0x1C730] =	vst v7  }
0xed: {  	v7 =	vld [tilespmem:s14+$0x18700];
	[tilespmem:s12+$0x1A730] =	vst v4  }
0xee: {  	v4 =	vld [tilespmem:s14+$0x18710];
	[tilespmem:s12+$0x1C720] =	vst v2  }
0xef: {  	v2 =	vld [tilespmem:s14+$0x18720];
	[tilespmem:s12+$0x1A770] =	vst v0  }
0xf0: {  	v0 =	vld [tilespmem:s14+$0x18730];
	[tilespmem:s12+$0x1C760] =	vst v6  }
0xf1: {  	v6 =	vld [tilespmem:s14+$0x18740];
	[tilespmem:s12+$0x1A760] =	vst v5  }
0xf2: {  	v5 =	vld [tilespmem:s14+$0x18750];
	[tilespmem:s12+$0x1C750] =	vst v3  }
0xf3: {  	v3 =	vld [tilespmem:s14+$0x18760];
	[tilespmem:s12+$0x1A750] =	vst v1;
	s12 =	smov.u32 s14  }
0xf4: {  	v1 =	vld.idx.msk [tilespmem:v8+s4+$0x0], $0xffff  }
0xf5: {  	v7 =	vld.idx.msk [tilespmem:v7+s4+$0x0], $0xffff  }
0xf6: {  	v4 =	vld.idx.msk [tilespmem:v4+s4+$0x0], $0xffff  }
0xf7: {  	v2 =	vld.idx.msk [tilespmem:v2+s4+$0x0], $0xffff  }
0xf8: {  	v8 =	vld.idx.msk [tilespmem:v0+s4+$0x0], $0xffff  }
0xf9: {  	v6 =	vld.idx.msk [tilespmem:v6+s4+$0x0], $0xffff  }
0xfa: {  	v0 =	vshll.u32 v1, $0x10;
	v1 =	vand.u32 $0xFFFF0000, v1;
	v5 =	vld.idx.msk [tilespmem:v5+s4+$0x0], $0xffff  }
0xfb: {  	v9 =	vld.idx.msk [tilespmem:v3+s4+$0x0], $0xffff;
	v3 =	vshll.u32 v7, $0x10;
	v7 =	vand.u32 $0xFFFF0000, v7;
	[tilespmem:s12+$0x1C770] =	vst v1  }
0xfc: {  	v1 =	vshll.u32 v4, $0x10;
	v10 =	vand.u32 $0xFFFF0000, v4;
	[tilespmem:s12+$0x1A700] =	vst v3  }
0xfd: {  	v11 =	vshll.u32 v2, $0x10;
	v2 =	vand.u32 $0xFFFF0000, v2;
	[tilespmem:s12+$0x1C700] =	vst v7  }
.Ltmp2:
0xfe: {  	v4 =	vshll.u32 v8, $0x10;
	v7 =	vand.u32 $0xFFFF0000, v8;
	[tilespmem:s12+$0x1A710] =	vst v1;
	(pc) =	sbr.rel @p0 .LBB2_7-.Ltmp2, $4  }
0xff: {  	v8 =	vshll.u32 v6, $0x10;
	v12 =	vand.u32 $0xFFFF0000, v6;
	[tilespmem:s12+$0x1C710] =	vst v10  }
0x100: {  	v1 =	vshll.u32 v5, $0x10;
	v3 =	vand.u32 $0xFFFF0000, v5;
	[tilespmem:s12+$0x1A720] =	vst v11  }
0x101: {  	v5 =	vshll.u32 v9, $0x10;
	v6 =	vand.u32 $0xFFFF0000, v9;
	[tilespmem:s12+$0x1A740] =	vst v8  }
0x102: {  	s14 =	sshra.s32 s13, $0x2;
	s13 =	sadd.s32 $0x200, s13;
	[tilespmem:s12+$0x1C740] =	vst v12  }
0x103: {  	v8 =	vld [tilespmem:s14+$0x18770];
	[tilespmem:s12+$0x1C730] =	vst v7  }
0x104: {  	v7 =	vld [tilespmem:s14+$0x18700];
	[tilespmem:s12+$0x1A730] =	vst v4  }
0x105: {  	v4 =	vld [tilespmem:s14+$0x18710];
	[tilespmem:s12+$0x1C720] =	vst v2  }
0x106: {  	v2 =	vld [tilespmem:s14+$0x18720];
	[tilespmem:s12+$0x1A770] =	vst v0  }
0x107: {  	v0 =	vld [tilespmem:s14+$0x18730];
	[tilespmem:s12+$0x1C760] =	vst v6  }
0x108: {  	v6 =	vld [tilespmem:s14+$0x18740];
	[tilespmem:s12+$0x1A760] =	vst v5  }
0x109: {  	v5 =	vld [tilespmem:s14+$0x18750];
	[tilespmem:s12+$0x1C750] =	vst v3  }
0x10a: {  	v3 =	vld [tilespmem:s14+$0x18760];
	[tilespmem:s12+$0x1A750] =	vst v1  }
0x10b: {  	v1 =	vld.idx.msk [tilespmem:v8+s4+$0x0], $0xffff  }
0x10c: {  	v7 =	vld.idx.msk [tilespmem:v7+s4+$0x0], $0xffff  }
0x10d: {  	v4 =	vld.idx.msk [tilespmem:v4+s4+$0x0], $0xffff  }
0x10e: {  	v2 =	vld.idx.msk [tilespmem:v2+s4+$0x0], $0xffff  }
0x10f: {  	v0 =	vld.idx.msk [tilespmem:v0+s4+$0x0], $0xffff  }
0x110: {  	v6 =	vld.idx.msk [tilespmem:v6+s4+$0x0], $0xffff  }
0x111: {  	v8 =	vand.u32 $0xFFFF0000, v1;
	v5 =	vld.idx.msk [tilespmem:v5+s4+$0x0], $0xffff  }
0x112: {  	v9 =	vshll.u32 v7, $0x10;
	v3 =	vld.idx.msk [tilespmem:v3+s4+$0x0], $0xffff;
	[tilespmem:s14+$0x1C770] =	vst v8  }
0x113: {  	v7 =	vand.u32 $0xFFFF0000, v7;
	[tilespmem:s14+$0x1A700] =	vst v9  }
0x114: {  	v8 =	vshll.u32 v4, $0x10;
	[tilespmem:s14+$0x1C700] =	vst v7  }
0x115: {  	v4 =	vand.u32 $0xFFFF0000, v4;
	[tilespmem:s14+$0x1A710] =	vst v8  }
0x116: {  	v7 =	vshll.u32 v2, $0x10;
	[tilespmem:s14+$0x1C710] =	vst v4  }
0x117: {  	v2 =	vand.u32 $0xFFFF0000, v2;
	[tilespmem:s14+$0x1A720] =	vst v7  }
0x118: {  	[tilespmem:s14+$0x1C720] =	vst v2;
	v4 =	vshll.u32 v6, $0x10  }
0x119: {  	v6 =	vand.u32 $0xFFFF0000, v6;
	[tilespmem:s14+$0x1A740] =	vst v4  }
0x11a: {  	v4 =	vand.u32 $0xFFFF0000, v0;
	[tilespmem:s14+$0x1C740] =	vst v6  }
0x11b: {  	v0 =	vshll.u32 v0, $0x10;
	[tilespmem:s14+$0x1C730] =	vst v4  }
0x11c: {  	[tilespmem:s14+$0x1A730] =	vst v0;
	v0 =	vshll.u32 v1, $0x10  }
0x11d: {  	s11 =	sadd.s32 $0x1, s11;
	v1 =	vand.u32 $0xFFFF0000, v3;
	[tilespmem:s14+$0x1A770] =	vst v0  }
0x11e: {  	s13 =	sshll.u32 s11, $0x13;
	v0 =	vshll.u32 v3, $0x10;
	[tilespmem:s14+$0x1C760] =	vst v1  }
0x11f: {  	s16 =	sor.u32 s13, s6;
	v1 =	vand.u32 $0xFFFF0000, v5;
	[tilespmem:s14+$0x1A760] =	vst v0  }
0x120: {  	s12 =	sshrl.u32 s16, $0x3;
	v0 =	vshll.u32 v5, $0x10;
	[tilespmem:s14+$0x1C750] =	vst v1  }
0x121: {  	s12 =	sadd.s32 s2, s12;
	[tilespmem:s14+$0x1A750] =	vst v0;
	s14 =	sor.u32 s13, s8  }
0x122: {  	[hbm4b:s12+s20] =	stream.strided.scatter [tilespmem:s26], [sflag:$0x3], $0x1000, s21, s20, $0x38;
	[tilespmem:$0x1E700] =	vst v63  }
0x123: {  	s15 =	sshrl.u32 s14, $0x3;
	s12 =	sshll.u32 s11, $0x1  }
0x124: {  	s14 =	sadd.s32 s2, s15;
	s16 =	sadd.s32 $0x2, s12  }
0x125: {  	[hbm4b:s14+s20] =	stream.strided.scatter [tilespmem:s28], [sflag:$0x5], $0x1000, s21, s20, $0x38;
	[tilespmem:$0x1E700] =	vst v63  }
0x126: {  	s15 =	sshll.u32 s16, $0x4  }
0x127: {  	s14 =	sshll.u32 s16, $0x9;
	s15 =	sand.u32 $0x60, s15  }
0x128: {  	s14 =	sand.u32 $0x1F000, s14;
	s15 =	sadd.s32 s1, s15  }
0x129: {  	s14 =	sadd.s32 s14, s15  }
0x12a: {  	[tilespmem:s23], [sflag:$0x1] =	stream.strided.gather [hbm4b:s14+s20], $0x1000, s21, s20, $0x38;
	[tilespmem:$0x1E700] =	vst v63  }
0x12b: {  	_ =	swait.ge [sflag:s29], $0x1000  }
0x12c: {  	[sflag:s29] =	ssyncset.done $0x0  }
0x12d: {  	[sflag:s29] =	ssyncadd.s32 $0xFFFFF000  }
0x12e: {  	_ =	swait.ge [sflag:s5], $0x1000  }
0x12f: {  	[sflag:s5] =	ssyncset.done $0x0  }
0x130: {  	[sflag:s5] =	ssyncadd.s32 $0xFFFFF000  }
0x131: {  	_ =	swait.ge [sflag:s7], $0x1000  }
0x132: {  	[sflag:s7] =	ssyncset.done $0x0  }
0x133: {  	s14 =	simm.s32 $0x0;
	[sflag:s7] =	ssyncadd.s32 $0xFFFFF000  }
0x134: {  	v0 =	vld [tilespmem:s14+$0x19770]  }
0x135: {  	v1 =	vld [tilespmem:s14+$0x19700]  }
0x136: {  	v2 =	vld [tilespmem:s14+$0x19710]  }
0x137: {  	v3 =	vld [tilespmem:s14+$0x19720]  }
0x138: {  	v4 =	vld [tilespmem:s14+$0x19730]  }
0x139: {  	v5 =	vld [tilespmem:s14+$0x19740]  }
0x13a: {  	v6 =	vld [tilespmem:s14+$0x19750]  }
0x13b: {  	v7 =	vld [tilespmem:s14+$0x19760]  }
0x13c: {  	v0 =	vld.idx.msk [tilespmem:v0+s4+$0x0], $0xffff  }
0x13d: {  	v1 =	vld.idx.msk [tilespmem:v1+s4+$0x0], $0xffff  }
0x13e: {  	v2 =	vld.idx.msk [tilespmem:v2+s4+$0x0], $0xffff  }
0x13f: {  	v3 =	vld.idx.msk [tilespmem:v3+s4+$0x0], $0xffff  }
0x140: {  	v8 =	vld.idx.msk [tilespmem:v4+s4+$0x0], $0xffff  }
0x141: {  	v5 =	vld.idx.msk [tilespmem:v5+s4+$0x0], $0xffff  }
0x142: {  	v6 =	vld.idx.msk [tilespmem:v6+s4+$0x0], $0xffff;
	v4 =	vand.u32 $0xFFFF0000, v0  }
0x143: {  	v63 =	vld.idx.msk [tilespmem:v7+s4+$0x0], $0xffff;
	v7 =	vshll.u32 v1, $0x10;
	[tilespmem:s14+$0x1D770] =	vst v4  }
0x144: {  	v1 =	vand.u32 $0xFFFF0000, v1;
	[tilespmem:s14+$0x1B700] =	vst v7  }
0x145: {  	v4 =	vshll.u32 v2, $0x10;
	[tilespmem:s14+$0x1D700] =	vst v1  }
0x146: {  	v1 =	vand.u32 $0xFFFF0000, v2;
	[tilespmem:s14+$0x1B710] =	vst v4  }
0x147: {  	v0 =	vshll.u32 v0, $0x10;
	v7 =	vshll.u32 v3, $0x10;
	[tilespmem:s14+$0x1D710] =	vst v1  }
0x148: {  	v2 =	vand.u32 $0xFFFF0000, v3;
	v3 =	vshll.u32 v5, $0x10;
	v4 =	vshll.u32 v8, $0x10;
	[tilespmem:s14+$0x1B720] =	vst v7  }
0x149: {  	v7 =	vand.u32 $0xFFFF0000, v8;
	v8 =	vand.u32 $0xFFFF0000, v5;
	v1 =	vshll.u32 v6, $0x10;
	[tilespmem:s14+$0x1B740] =	vst v3  }
0x14a: {  	s16 =	simm.s32 $0x400;
	s15 =	simm.s32 $0x80;
	v3 =	vand.u32 $0xFFFF0000, v6;
	v5 =	vshll.u32 v63, $0x10;
	v6 =	vand.u32 $0xFFFF0000, v63;
	[tilespmem:s14+$0x1D740] =	vst v8  }
.LBB2_9:
0x14b: {  	p0 =	sne.s32 s16, $0x3E00;
	v8 =	vld [tilespmem:s15+$0x19770];
	[tilespmem:s14+$0x1D730] =	vst v7  }
0x14c: {  	v7 =	vld [tilespmem:s15+$0x19700];
	[tilespmem:s14+$0x1B730] =	vst v4  }
0x14d: {  	v4 =	vld [tilespmem:s15+$0x19710];
	[tilespmem:s14+$0x1D720] =	vst v2  }
0x14e: {  	v2 =	vld [tilespmem:s15+$0x19720];
	[tilespmem:s14+$0x1B770] =	vst v0  }
0x14f: {  	v0 =	vld [tilespmem:s15+$0x19730];
	[tilespmem:s14+$0x1D760] =	vst v6  }
0x150: {  	v6 =	vld [tilespmem:s15+$0x19740];
	[tilespmem:s14+$0x1B760] =	vst v5  }
0x151: {  	v5 =	vld [tilespmem:s15+$0x19750];
	[tilespmem:s14+$0x1D750] =	vst v3  }
0x152: {  	v3 =	vld [tilespmem:s15+$0x19760];
	[tilespmem:s14+$0x1B750] =	vst v1;
	s14 =	smov.u32 s15  }
0x153: {  	v1 =	vld.idx.msk [tilespmem:v8+s4+$0x0], $0xffff  }
0x154: {  	v7 =	vld.idx.msk [tilespmem:v7+s4+$0x0], $0xffff  }
0x155: {  	v4 =	vld.idx.msk [tilespmem:v4+s4+$0x0], $0xffff  }
0x156: {  	v2 =	vld.idx.msk [tilespmem:v2+s4+$0x0], $0xffff  }
0x157: {  	v8 =	vld.idx.msk [tilespmem:v0+s4+$0x0], $0xffff  }
0x158: {  	v6 =	vld.idx.msk [tilespmem:v6+s4+$0x0], $0xffff  }
0x159: {  	v0 =	vshll.u32 v1, $0x10;
	v1 =	vand.u32 $0xFFFF0000, v1;
	v5 =	vld.idx.msk [tilespmem:v5+s4+$0x0], $0xffff  }
0x15a: {  	v9 =	vld.idx.msk [tilespmem:v3+s4+$0x0], $0xffff;
	v3 =	vshll.u32 v7, $0x10;
	v7 =	vand.u32 $0xFFFF0000, v7;
	[tilespmem:s14+$0x1D770] =	vst v1  }
0x15b: {  	v1 =	vshll.u32 v4, $0x10;
	v10 =	vand.u32 $0xFFFF0000, v4;
	[tilespmem:s14+$0x1B700] =	vst v3  }
0x15c: {  	v11 =	vshll.u32 v2, $0x10;
	v2 =	vand.u32 $0xFFFF0000, v2;
	[tilespmem:s14+$0x1D700] =	vst v7  }
.Ltmp3:
0x15d: {  	v4 =	vshll.u32 v8, $0x10;
	v7 =	vand.u32 $0xFFFF0000, v8;
	[tilespmem:s14+$0x1B710] =	vst v1;
	(pc) =	sbr.rel @p0 .LBB2_9-.Ltmp3, $4  }
0x15e: {  	v8 =	vshll.u32 v6, $0x10;
	v12 =	vand.u32 $0xFFFF0000, v6;
	[tilespmem:s14+$0x1D710] =	vst v10  }
0x15f: {  	v1 =	vshll.u32 v5, $0x10;
	v3 =	vand.u32 $0xFFFF0000, v5;
	[tilespmem:s14+$0x1B720] =	vst v11  }
0x160: {  	v5 =	vshll.u32 v9, $0x10;
	v6 =	vand.u32 $0xFFFF0000, v9;
	[tilespmem:s14+$0x1B740] =	vst v8  }
0x161: {  	s15 =	sshra.s32 s16, $0x2;
	s16 =	sadd.s32 $0x200, s16;
	[tilespmem:s14+$0x1D740] =	vst v12  }
0x162: {  	v8 =	vld [tilespmem:s15+$0x19770];
	[tilespmem:s14+$0x1D730] =	vst v7  }
0x163: {  	v7 =	vld [tilespmem:s15+$0x19700];
	[tilespmem:s14+$0x1B730] =	vst v4  }
0x164: {  	v4 =	vld [tilespmem:s15+$0x19710];
	[tilespmem:s14+$0x1D720] =	vst v2  }
0x165: {  	v2 =	vld [tilespmem:s15+$0x19720];
	[tilespmem:s14+$0x1B770] =	vst v0  }
0x166: {  	v0 =	vld [tilespmem:s15+$0x19730];
	[tilespmem:s14+$0x1D760] =	vst v6  }
0x167: {  	v6 =	vld [tilespmem:s15+$0x19740];
	[tilespmem:s14+$0x1B760] =	vst v5  }
0x168: {  	v5 =	vld [tilespmem:s15+$0x19750];
	[tilespmem:s14+$0x1D750] =	vst v3  }
0x169: {  	v3 =	vld [tilespmem:s15+$0x19760];
	[tilespmem:s14+$0x1B750] =	vst v1  }
0x16a: {  	v1 =	vld.idx.msk [tilespmem:v8+s4+$0x0], $0xffff  }
0x16b: {  	v7 =	vld.idx.msk [tilespmem:v7+s4+$0x0], $0xffff  }
0x16c: {  	v4 =	vld.idx.msk [tilespmem:v4+s4+$0x0], $0xffff  }
0x16d: {  	v2 =	vld.idx.msk [tilespmem:v2+s4+$0x0], $0xffff  }
0x16e: {  	v0 =	vld.idx.msk [tilespmem:v0+s4+$0x0], $0xffff  }
0x16f: {  	v6 =	vld.idx.msk [tilespmem:v6+s4+$0x0], $0xffff  }
0x170: {  	v8 =	vand.u32 $0xFFFF0000, v1;
	v5 =	vld.idx.msk [tilespmem:v5+s4+$0x0], $0xffff  }
0x171: {  	v9 =	vshll.u32 v7, $0x10;
	v3 =	vld.idx.msk [tilespmem:v3+s4+$0x0], $0xffff;
	[tilespmem:s15+$0x1D770] =	vst v8  }
0x172: {  	v7 =	vand.u32 $0xFFFF0000, v7;
	[tilespmem:s15+$0x1B700] =	vst v9  }
0x173: {  	v59 =	vshll.u32 v1, $0x10;
	[tilespmem:s15+$0x1D700] =	vst v7  }
0x174: {  	v55 =	vshll.u32 v4, $0x10;
	[tilespmem:s15+$0x1B770] =	vst v59  }
0x175: {  	v4 =	vand.u32 $0xFFFF0000, v4;
	[tilespmem:s15+$0x1B710] =	vst v55  }
0x176: {  	v56 =	vshll.u32 v2, $0x10;
	[tilespmem:s15+$0x1D710] =	vst v4  }
0x177: {  	v2 =	vand.u32 $0xFFFF0000, v2;
	[tilespmem:s15+$0x1B720] =	vst v56  }
0x178: {  	v58 =	vand.u32 $0xFFFF0000, v0;
	[tilespmem:s15+$0x1D720] =	vst v2  }
0x179: {  	v0 =	vshll.u32 v0, $0x10;
	[tilespmem:s15+$0x1D730] =	vst v58  }
0x17a: {  	v57 =	vshll.u32 v6, $0x10;
	[tilespmem:s15+$0x1B730] =	vst v0  }
0x17b: {  	v6 =	vand.u32 $0xFFFF0000, v6;
	[tilespmem:s15+$0x1B740] =	vst v57  }
0x17c: {  	[tilespmem:s15+$0x1D740] =	vst v6;
	v62 =	vand.u32 $0xFFFF0000, v5  }
0x17d: {  	s13 =	sor.u32 $0x40000, s13;
	v63 =	vshll.u32 v5, $0x10;
	[tilespmem:s15+$0x1D750] =	vst v62  }
0x17e: {  	s16 =	sor.u32 s13, s6;
	v60 =	vand.u32 $0xFFFF0000, v3;
	[tilespmem:s15+$0x1B750] =	vst v63  }
0x17f: {  	s13 =	sor.u32 s13, s8;
	s14 =	sshrl.u32 s16, $0x3;
	v61 =	vshll.u32 v3, $0x10;
	[tilespmem:s15+$0x1D760] =	vst v60  }
0x180: {  	s13 =	sshrl.u32 s13, $0x3;
	s14 =	sadd.s32 s2, s14;
	[tilespmem:s15+$0x1B760] =	vst v61  }
0x181: {  	[hbm4b:s14+s20] =	stream.strided.scatter [tilespmem:s30], [sflag:$0x4], $0x1000, s21, s20, $0x38;
	[tilespmem:$0x1E700] =	vst v63  }
0x182: {  	s12 =	sadd.s32 $0x3, s12;
	p0 =	sne.s32 s11, $0x17;
	s13 =	sadd.s32 s2, s13  }
0x183: {  	[hbm4b:s13+s20] =	stream.strided.scatter [tilespmem:s31], [sflag:$0x6], $0x1000, s21, s20, $0x38;
	[tilespmem:$0x1E700] =	vst v63  }
.Ltmp4:
0x184: {  	s16 =	sshll.u32 s12, $0x4;
	(pc) =	sbr.rel @p0 .LBB2_6-.Ltmp4, $4  }
0x185: {  	s12 =	sshll.u32 s12, $0x9;
	s13 =	sand.u32 $0x70, s16  }
0x186: {  	s12 =	sand.u32 $0x1F000, s12;
	s13 =	sadd.s32 s1, s13  }
0x187: {  	s12 =	sadd.s32 s12, s13  }
0x188: {  	[tilespmem:s24], [sflag:$0x2] =	stream.strided.gather [hbm4b:s12+s20], $0x1000, s21, s20, $0x38;
	[tilespmem:$0x1E700] =	vst v63  }
0x189: {  	_ =	swait.ge [sflag:s25], $0x1000  }
0x18a: {  	[sflag:s25] =	ssyncset.done $0x0  }
0x18b: {  	[sflag:s25] =	ssyncadd.s32 $0xFFFFF000  }
0x18c: {  	_ =	swait.ge [sflag:s3], $0x1000  }
0x18d: {  	[sflag:s3] =	ssyncset.done $0x0  }
0x18e: {  	[sflag:s3] =	ssyncadd.s32 $0xFFFFF000  }
0x18f: {  	_ =	swait.ge [sflag:s0], $0x1000  }
0x190: {  	[sflag:s0] =	ssyncset.done $0x0  }
0x191: {  	s11 =	simm.s32 $0x0;
	[sflag:s0] =	ssyncadd.s32 $0xFFFFF000  }
0x192: {  	v0 =	vld [tilespmem:s11+$0x18770]  }
0x193: {  	v1 =	vld [tilespmem:s11+$0x18700]  }
0x194: {  	v2 =	vld [tilespmem:s11+$0x18710]  }
0x195: {  	v3 =	vld [tilespmem:s11+$0x18720]  }
0x196: {  	v4 =	vld [tilespmem:s11+$0x18730]  }
0x197: {  	v5 =	vld [tilespmem:s11+$0x18740]  }
0x198: {  	v6 =	vld [tilespmem:s11+$0x18750]  }
0x199: {  	v7 =	vld [tilespmem:s11+$0x18760]  }
0x19a: {  	v0 =	vld.idx.msk [tilespmem:v0+s4+$0x0], $0xffff  }
0x19b: {  	v1 =	vld.idx.msk [tilespmem:v1+s4+$0x0], $0xffff  }
0x19c: {  	v2 =	vld.idx.msk [tilespmem:v2+s4+$0x0], $0xffff  }
0x19d: {  	v3 =	vld.idx.msk [tilespmem:v3+s4+$0x0], $0xffff  }
0x19e: {  	v8 =	vld.idx.msk [tilespmem:v4+s4+$0x0], $0xffff  }
0x19f: {  	v5 =	vld.idx.msk [tilespmem:v5+s4+$0x0], $0xffff  }
0x1a0: {  	v6 =	vld.idx.msk [tilespmem:v6+s4+$0x0], $0xffff;
	v4 =	vand.u32 $0xFFFF0000, v0  }
0x1a1: {  	v9 =	vld.idx.msk [tilespmem:v7+s4+$0x0], $0xffff;
	v7 =	vshll.u32 v1, $0x10;
	[tilespmem:s11+$0x1C770] =	vst v4  }
0x1a2: {  	v1 =	vand.u32 $0xFFFF0000, v1;
	[tilespmem:s11+$0x1A700] =	vst v7  }
0x1a3: {  	v4 =	vshll.u32 v2, $0x10;
	[tilespmem:s11+$0x1C700] =	vst v1  }
0x1a4: {  	v1 =	vand.u32 $0xFFFF0000, v2;
	[tilespmem:s11+$0x1A710] =	vst v4  }
0x1a5: {  	v0 =	vshll.u32 v0, $0x10;
	v7 =	vshll.u32 v3, $0x10;
	[tilespmem:s11+$0x1C710] =	vst v1  }
0x1a6: {  	v2 =	vand.u32 $0xFFFF0000, v3;
	v3 =	vshll.u32 v5, $0x10;
	v4 =	vshll.u32 v8, $0x10;
	[tilespmem:s11+$0x1A720] =	vst v7  }
0x1a7: {  	v7 =	vand.u32 $0xFFFF0000, v8;
	v8 =	vand.u32 $0xFFFF0000, v5;
	v1 =	vshll.u32 v6, $0x10;
	[tilespmem:s11+$0x1A740] =	vst v3  }
0x1a8: {  	s12 =	simm.s32 $0x80;
	s13 =	simm.s32 $0x400;
	v3 =	vand.u32 $0xFFFF0000, v6;
	v5 =	vshll.u32 v9, $0x10;
	v6 =	vand.u32 $0xFFFF0000, v9;
	[tilespmem:s11+$0x1C740] =	vst v8  }
.LBB2_12:
0x1a9: {  	p0 =	sne.s32 s13, $0x3E00;
	v8 =	vld [tilespmem:s12+$0x18770];
	[tilespmem:s11+$0x1C730] =	vst v7  }
0x1aa: {  	v7 =	vld [tilespmem:s12+$0x18700];
	[tilespmem:s11+$0x1A730] =	vst v4  }
0x1ab: {  	v4 =	vld [tilespmem:s12+$0x18710];
	[tilespmem:s11+$0x1C720] =	vst v2  }
0x1ac: {  	v2 =	vld [tilespmem:s12+$0x18720];
	[tilespmem:s11+$0x1A770] =	vst v0  }
0x1ad: {  	v0 =	vld [tilespmem:s12+$0x18730];
	[tilespmem:s11+$0x1C760] =	vst v6  }
0x1ae: {  	v6 =	vld [tilespmem:s12+$0x18740];
	[tilespmem:s11+$0x1A760] =	vst v5  }
0x1af: {  	v5 =	vld [tilespmem:s12+$0x18750];
	[tilespmem:s11+$0x1C750] =	vst v3  }
0x1b0: {  	v3 =	vld [tilespmem:s12+$0x18760];
	[tilespmem:s11+$0x1A750] =	vst v1;
	s11 =	smov.u32 s12  }
0x1b1: {  	v1 =	vld.idx.msk [tilespmem:v8+s4+$0x0], $0xffff  }
0x1b2: {  	v7 =	vld.idx.msk [tilespmem:v7+s4+$0x0], $0xffff  }
0x1b3: {  	v4 =	vld.idx.msk [tilespmem:v4+s4+$0x0], $0xffff  }
0x1b4: {  	v2 =	vld.idx.msk [tilespmem:v2+s4+$0x0], $0xffff  }
0x1b5: {  	v8 =	vld.idx.msk [tilespmem:v0+s4+$0x0], $0xffff  }
0x1b6: {  	v6 =	vld.idx.msk [tilespmem:v6+s4+$0x0], $0xffff  }
0x1b7: {  	v0 =	vshll.u32 v1, $0x10;
	v1 =	vand.u32 $0xFFFF0000, v1;
	v5 =	vld.idx.msk [tilespmem:v5+s4+$0x0], $0xffff  }
0x1b8: {  	v9 =	vld.idx.msk [tilespmem:v3+s4+$0x0], $0xffff;
	v3 =	vshll.u32 v7, $0x10;
	v7 =	vand.u32 $0xFFFF0000, v7;
	[tilespmem:s11+$0x1C770] =	vst v1  }
0x1b9: {  	v1 =	vshll.u32 v4, $0x10;
	v10 =	vand.u32 $0xFFFF0000, v4;
	[tilespmem:s11+$0x1A700] =	vst v3  }
0x1ba: {  	v11 =	vshll.u32 v2, $0x10;
	v2 =	vand.u32 $0xFFFF0000, v2;
	[tilespmem:s11+$0x1C700] =	vst v7  }
.Ltmp5:
0x1bb: {  	v4 =	vshll.u32 v8, $0x10;
	v7 =	vand.u32 $0xFFFF0000, v8;
	[tilespmem:s11+$0x1A710] =	vst v1;
	(pc) =	sbr.rel @p0 .LBB2_12-.Ltmp5, $4  }
0x1bc: {  	v8 =	vshll.u32 v6, $0x10;
	v12 =	vand.u32 $0xFFFF0000, v6;
	[tilespmem:s11+$0x1C710] =	vst v10  }
0x1bd: {  	v1 =	vshll.u32 v5, $0x10;
	v3 =	vand.u32 $0xFFFF0000, v5;
	[tilespmem:s11+$0x1A720] =	vst v11  }
0x1be: {  	v5 =	vshll.u32 v9, $0x10;
	v6 =	vand.u32 $0xFFFF0000, v9;
	[tilespmem:s11+$0x1A740] =	vst v8  }
0x1bf: {  	s12 =	sshra.s32 s13, $0x2;
	s13 =	sadd.s32 $0x200, s13;
	[tilespmem:s11+$0x1C740] =	vst v12  }
0x1c0: {  	v8 =	vld [tilespmem:s12+$0x18770];
	[tilespmem:s11+$0x1C730] =	vst v7  }
0x1c1: {  	v7 =	vld [tilespmem:s12+$0x18700];
	[tilespmem:s11+$0x1A730] =	vst v4  }
0x1c2: {  	v4 =	vld [tilespmem:s12+$0x18710];
	[tilespmem:s11+$0x1C720] =	vst v2  }
0x1c3: {  	v2 =	vld [tilespmem:s12+$0x18720];
	[tilespmem:s11+$0x1A770] =	vst v0  }
0x1c4: {  	v0 =	vld [tilespmem:s12+$0x18730];
	[tilespmem:s11+$0x1C760] =	vst v6  }
0x1c5: {  	v6 =	vld [tilespmem:s12+$0x18740];
	[tilespmem:s11+$0x1A760] =	vst v5  }
0x1c6: {  	v5 =	vld [tilespmem:s12+$0x18750];
	[tilespmem:s11+$0x1C750] =	vst v3  }
0x1c7: {  	v3 =	vld [tilespmem:s12+$0x18760];
	[tilespmem:s11+$0x1A750] =	vst v1  }
0x1c8: {  	v1 =	vld.idx.msk [tilespmem:v8+s4+$0x0], $0xffff  }
0x1c9: {  	v7 =	vld.idx.msk [tilespmem:v7+s4+$0x0], $0xffff  }
0x1ca: {  	v4 =	vld.idx.msk [tilespmem:v4+s4+$0x0], $0xffff  }
0x1cb: {  	v2 =	vld.idx.msk [tilespmem:v2+s4+$0x0], $0xffff  }
0x1cc: {  	v0 =	vld.idx.msk [tilespmem:v0+s4+$0x0], $0xffff  }
0x1cd: {  	v6 =	vld.idx.msk [tilespmem:v6+s4+$0x0], $0xffff  }
0x1ce: {  	v8 =	vand.u32 $0xFFFF0000, v1;
	v5 =	vld.idx.msk [tilespmem:v5+s4+$0x0], $0xffff  }
0x1cf: {  	v9 =	vshll.u32 v7, $0x10;
	v3 =	vld.idx.msk [tilespmem:v3+s4+$0x0], $0xffff;
	[tilespmem:s12+$0x1C770] =	vst v8  }
0x1d0: {  	v7 =	vand.u32 $0xFFFF0000, v7;
	[tilespmem:s12+$0x1A700] =	vst v9  }
0x1d1: {  	v8 =	vshll.u32 v4, $0x10;
	[tilespmem:s12+$0x1C700] =	vst v7  }
0x1d2: {  	v4 =	vand.u32 $0xFFFF0000, v4;
	[tilespmem:s12+$0x1A710] =	vst v8  }
0x1d3: {  	v7 =	vshll.u32 v2, $0x10;
	[tilespmem:s12+$0x1C710] =	vst v4  }
0x1d4: {  	v2 =	vand.u32 $0xFFFF0000, v2;
	[tilespmem:s12+$0x1A720] =	vst v7  }
0x1d5: {  	[tilespmem:s12+$0x1C720] =	vst v2;
	v4 =	vshll.u32 v6, $0x10  }
0x1d6: {  	v6 =	vand.u32 $0xFFFF0000, v6;
	[tilespmem:s12+$0x1A740] =	vst v4  }
0x1d7: {  	v4 =	vand.u32 $0xFFFF0000, v0;
	[tilespmem:s12+$0x1C740] =	vst v6  }
0x1d8: {  	v0 =	vshll.u32 v0, $0x10;
	[tilespmem:s12+$0x1C730] =	vst v4  }
0x1d9: {  	[tilespmem:s12+$0x1A730] =	vst v0;
	v0 =	vshll.u32 v1, $0x10  }
0x1da: {  	v1 =	vand.u32 $0xFFFF0000, v3;
	[tilespmem:s12+$0x1A770] =	vst v0  }
0x1db: {  	v0 =	vshll.u32 v3, $0x10;
	[tilespmem:s12+$0x1C760] =	vst v1  }
0x1dc: {  	v1 =	vand.u32 $0xFFFF0000, v5;
	[tilespmem:s12+$0x1A760] =	vst v0  }
0x1dd: {  	v0 =	vshll.u32 v5, $0x10;
	[tilespmem:s12+$0x1C750] =	vst v1  }
0x1de: {  	s15 =	rddreg [dreg:$0xb];
	[tilespmem:s12+$0x1A750] =	vst v0  }
0x1df: {  	[hbm4b:s15+s20] =	stream.strided.scatter [tilespmem:s26], [sflag:$0x3], $0x1000, s21, s20, $0x38;
	[tilespmem:$0x1E700] =	vst v63  }
0x1e0: {  	s16 =	rddreg [dreg:$0xc]  }
0x1e1: {  	[hbm4b:s16+s20] =	stream.strided.scatter [tilespmem:s28], [sflag:$0x5], $0x1000, s21, s20, $0x38;
	[tilespmem:$0x1E700] =	vst v63  }
0x1e2: {  	_ =	swait.ge [sflag:s29], $0x1000  }
0x1e3: {  	[sflag:s29] =	ssyncset.done $0x0  }
0x1e4: {  	[sflag:s29] =	ssyncadd.s32 $0xFFFFF000  }
0x1e5: {  	_ =	swait.ge [sflag:s5], $0x1000  }
0x1e6: {  	[sflag:s5] =	ssyncset.done $0x0  }
0x1e7: {  	[sflag:s5] =	ssyncadd.s32 $0xFFFFF000  }
0x1e8: {  	_ =	swait.ge [sflag:s7], $0x1000  }
0x1e9: {  	[sflag:s7] =	ssyncset.done $0x0  }
0x1ea: {  	s11 =	simm.s32 $0x0;
	[sflag:s7] =	ssyncadd.s32 $0xFFFFF000  }
0x1eb: {  	v0 =	vld [tilespmem:s11+$0x19770]  }
0x1ec: {  	v1 =	vld [tilespmem:s11+$0x19700]  }
0x1ed: {  	v2 =	vld [tilespmem:s11+$0x19710]  }
0x1ee: {  	v3 =	vld [tilespmem:s11+$0x19720]  }
0x1ef: {  	v4 =	vld [tilespmem:s11+$0x19730]  }
0x1f0: {  	v5 =	vld [tilespmem:s11+$0x19740]  }
0x1f1: {  	v6 =	vld [tilespmem:s11+$0x19750]  }
0x1f2: {  	v7 =	vld [tilespmem:s11+$0x19760]  }
0x1f3: {  	v0 =	vld.idx.msk [tilespmem:v0+s4+$0x0], $0xffff  }
0x1f4: {  	v1 =	vld.idx.msk [tilespmem:v1+s4+$0x0], $0xffff  }
0x1f5: {  	v2 =	vld.idx.msk [tilespmem:v2+s4+$0x0], $0xffff  }
0x1f6: {  	v3 =	vld.idx.msk [tilespmem:v3+s4+$0x0], $0xffff  }
0x1f7: {  	v8 =	vld.idx.msk [tilespmem:v4+s4+$0x0], $0xffff  }
0x1f8: {  	v5 =	vld.idx.msk [tilespmem:v5+s4+$0x0], $0xffff  }
0x1f9: {  	v6 =	vld.idx.msk [tilespmem:v6+s4+$0x0], $0xffff;
	v4 =	vand.u32 $0xFFFF0000, v0  }
0x1fa: {  	v63 =	vld.idx.msk [tilespmem:v7+s4+$0x0], $0xffff;
	v7 =	vshll.u32 v1, $0x10;
	[tilespmem:s11+$0x1D770] =	vst v4  }
0x1fb: {  	v1 =	vand.u32 $0xFFFF0000, v1;
	[tilespmem:s11+$0x1B700] =	vst v7  }
0x1fc: {  	v4 =	vshll.u32 v2, $0x10;
	[tilespmem:s11+$0x1D700] =	vst v1  }
0x1fd: {  	v1 =	vand.u32 $0xFFFF0000, v2;
	[tilespmem:s11+$0x1B710] =	vst v4  }
0x1fe: {  	v0 =	vshll.u32 v0, $0x10;
	v7 =	vshll.u32 v3, $0x10;
	[tilespmem:s11+$0x1D710] =	vst v1  }
0x1ff: {  	v2 =	vand.u32 $0xFFFF0000, v3;
	v3 =	vshll.u32 v5, $0x10;
	v4 =	vshll.u32 v8, $0x10;
	[tilespmem:s11+$0x1B720] =	vst v7  }
0x200: {  	v7 =	vand.u32 $0xFFFF0000, v8;
	v8 =	vand.u32 $0xFFFF0000, v5;
	v1 =	vshll.u32 v6, $0x10;
	[tilespmem:s11+$0x1B740] =	vst v3  }
0x201: {  	s13 =	simm.s32 $0x400;
	s12 =	simm.s32 $0x80;
	v3 =	vand.u32 $0xFFFF0000, v6;
	v5 =	vshll.u32 v63, $0x10;
	v6 =	vand.u32 $0xFFFF0000, v63;
	[tilespmem:s11+$0x1D740] =	vst v8  }
.LBB2_14:
0x202: {  	p0 =	sne.s32 s13, $0x3E00;
	v8 =	vld [tilespmem:s12+$0x19770];
	[tilespmem:s11+$0x1D730] =	vst v7  }
0x203: {  	v7 =	vld [tilespmem:s12+$0x19700];
	[tilespmem:s11+$0x1B730] =	vst v4  }
0x204: {  	v4 =	vld [tilespmem:s12+$0x19710];
	[tilespmem:s11+$0x1D720] =	vst v2  }
0x205: {  	v2 =	vld [tilespmem:s12+$0x19720];
	[tilespmem:s11+$0x1B770] =	vst v0  }
0x206: {  	v0 =	vld [tilespmem:s12+$0x19730];
	[tilespmem:s11+$0x1D760] =	vst v6  }
0x207: {  	v6 =	vld [tilespmem:s12+$0x19740];
	[tilespmem:s11+$0x1B760] =	vst v5  }
0x208: {  	v5 =	vld [tilespmem:s12+$0x19750];
	[tilespmem:s11+$0x1D750] =	vst v3  }
0x209: {  	v3 =	vld [tilespmem:s12+$0x19760];
	[tilespmem:s11+$0x1B750] =	vst v1;
	s11 =	smov.u32 s12  }
0x20a: {  	v1 =	vld.idx.msk [tilespmem:v8+s4+$0x0], $0xffff  }
0x20b: {  	v7 =	vld.idx.msk [tilespmem:v7+s4+$0x0], $0xffff  }
0x20c: {  	v4 =	vld.idx.msk [tilespmem:v4+s4+$0x0], $0xffff  }
0x20d: {  	v2 =	vld.idx.msk [tilespmem:v2+s4+$0x0], $0xffff  }
0x20e: {  	v8 =	vld.idx.msk [tilespmem:v0+s4+$0x0], $0xffff  }
0x20f: {  	v6 =	vld.idx.msk [tilespmem:v6+s4+$0x0], $0xffff  }
0x210: {  	v0 =	vshll.u32 v1, $0x10;
	v1 =	vand.u32 $0xFFFF0000, v1;
	v5 =	vld.idx.msk [tilespmem:v5+s4+$0x0], $0xffff  }
0x211: {  	v9 =	vld.idx.msk [tilespmem:v3+s4+$0x0], $0xffff;
	v3 =	vshll.u32 v7, $0x10;
	v7 =	vand.u32 $0xFFFF0000, v7;
	[tilespmem:s11+$0x1D770] =	vst v1  }
0x212: {  	v1 =	vshll.u32 v4, $0x10;
	v10 =	vand.u32 $0xFFFF0000, v4;
	[tilespmem:s11+$0x1B700] =	vst v3  }
0x213: {  	v11 =	vshll.u32 v2, $0x10;
	v2 =	vand.u32 $0xFFFF0000, v2;
	[tilespmem:s11+$0x1D700] =	vst v7  }
.Ltmp6:
0x214: {  	v4 =	vshll.u32 v8, $0x10;
	v7 =	vand.u32 $0xFFFF0000, v8;
	[tilespmem:s11+$0x1B710] =	vst v1;
	(pc) =	sbr.rel @p0 .LBB2_14-.Ltmp6, $4  }
0x215: {  	v8 =	vshll.u32 v6, $0x10;
	v12 =	vand.u32 $0xFFFF0000, v6;
	[tilespmem:s11+$0x1D710] =	vst v10  }
0x216: {  	v1 =	vshll.u32 v5, $0x10;
	v3 =	vand.u32 $0xFFFF0000, v5;
	[tilespmem:s11+$0x1B720] =	vst v11  }
0x217: {  	v5 =	vshll.u32 v9, $0x10;
	v6 =	vand.u32 $0xFFFF0000, v9;
	[tilespmem:s11+$0x1B740] =	vst v8  }
0x218: {  	s12 =	sshra.s32 s13, $0x2;
	s13 =	sadd.s32 $0x200, s13;
	[tilespmem:s11+$0x1D740] =	vst v12  }
0x219: {  	v8 =	vld [tilespmem:s12+$0x19770];
	[tilespmem:s11+$0x1D730] =	vst v7  }
0x21a: {  	v7 =	vld [tilespmem:s12+$0x19700];
	[tilespmem:s11+$0x1B730] =	vst v4  }
0x21b: {  	v4 =	vld [tilespmem:s12+$0x19710];
	[tilespmem:s11+$0x1D720] =	vst v2  }
0x21c: {  	v2 =	vld [tilespmem:s12+$0x19720];
	[tilespmem:s11+$0x1B770] =	vst v0  }
0x21d: {  	v0 =	vld [tilespmem:s12+$0x19730];
	[tilespmem:s11+$0x1D760] =	vst v6  }
0x21e: {  	v6 =	vld [tilespmem:s12+$0x19740];
	[tilespmem:s11+$0x1B760] =	vst v5  }
0x21f: {  	v5 =	vld [tilespmem:s12+$0x19750];
	[tilespmem:s11+$0x1D750] =	vst v3  }
0x220: {  	v3 =	vld [tilespmem:s12+$0x19760];
	[tilespmem:s11+$0x1B750] =	vst v1  }
0x221: {  	v1 =	vld.idx.msk [tilespmem:v8+s4+$0x0], $0xffff  }
0x222: {  	v7 =	vld.idx.msk [tilespmem:v7+s4+$0x0], $0xffff  }
0x223: {  	v4 =	vld.idx.msk [tilespmem:v4+s4+$0x0], $0xffff  }
0x224: {  	v2 =	vld.idx.msk [tilespmem:v2+s4+$0x0], $0xffff  }
0x225: {  	v0 =	vld.idx.msk [tilespmem:v0+s4+$0x0], $0xffff  }
0x226: {  	v6 =	vld.idx.msk [tilespmem:v6+s4+$0x0], $0xffff  }
0x227: {  	v8 =	vand.u32 $0xFFFF0000, v1;
	v5 =	vld.idx.msk [tilespmem:v5+s4+$0x0], $0xffff  }
0x228: {  	v9 =	vshll.u32 v7, $0x10;
	v3 =	vld.idx.msk [tilespmem:v3+s4+$0x0], $0xffff;
	[tilespmem:s12+$0x1D770] =	vst v8  }
0x229: {  	v7 =	vand.u32 $0xFFFF0000, v7;
	[tilespmem:s12+$0x1B700] =	vst v9  }
0x22a: {  	v59 =	vshll.u32 v1, $0x10;
	[tilespmem:s12+$0x1D700] =	vst v7  }
0x22b: {  	v55 =	vshll.u32 v4, $0x10;
	[tilespmem:s12+$0x1B770] =	vst v59  }
0x22c: {  	v4 =	vand.u32 $0xFFFF0000, v4;
	[tilespmem:s12+$0x1B710] =	vst v55  }
0x22d: {  	v56 =	vshll.u32 v2, $0x10;
	[tilespmem:s12+$0x1D710] =	vst v4  }
0x22e: {  	v2 =	vand.u32 $0xFFFF0000, v2;
	[tilespmem:s12+$0x1B720] =	vst v56  }
0x22f: {  	v58 =	vand.u32 $0xFFFF0000, v0;
	[tilespmem:s12+$0x1D720] =	vst v2  }
0x230: {  	v0 =	vshll.u32 v0, $0x10;
	[tilespmem:s12+$0x1D730] =	vst v58  }
0x231: {  	v57 =	vshll.u32 v6, $0x10;
	[tilespmem:s12+$0x1B730] =	vst v0  }
0x232: {  	v6 =	vand.u32 $0xFFFF0000, v6;
	[tilespmem:s12+$0x1B740] =	vst v57  }
0x233: {  	[tilespmem:s12+$0x1D740] =	vst v6;
	v62 =	vand.u32 $0xFFFF0000, v5  }
0x234: {  	v63 =	vshll.u32 v5, $0x10;
	[tilespmem:s12+$0x1D750] =	vst v62  }
0x235: {  	v60 =	vand.u32 $0xFFFF0000, v3;
	[tilespmem:s12+$0x1B750] =	vst v63  }
0x236: {  	v61 =	vshll.u32 v3, $0x10;
	[tilespmem:s12+$0x1D760] =	vst v60  }
0x237: {  	[tilespmem:s12+$0x1B760] =	vst v61  }
0x238: {  	[hbm4b:s17+s20] =	stream.strided.scatter [tilespmem:s30], [sflag:$0x4], $0x1000, s21, s20, $0x38;
	[tilespmem:$0x1E700] =	vst v63  }
0x239: {  	_ = 	snop  }
0x23a: {  	[hbm4b:s18+s20] =	stream.strided.scatter [tilespmem:s31], [sflag:$0x6], $0x1000, s21, s20, $0x38;
	[tilespmem:$0x1E700] =	vst v63  }
0x23b: {  	_ =	swait.ge [sflag:s3], $0x1000  }
0x23c: {  	[sflag:s3] =	ssyncset.done $0x0  }
0x23d: {  	[sflag:s3] =	ssyncadd.s32 $0xFFFFF000  }
0x23e: {  	_ =	swait.ge [sflag:s0], $0x1000  }
0x23f: {  	[sflag:s0] =	ssyncset.done $0x0  }
0x240: {  	s10 =	sadd.s32 $0x1, s10;
	[sflag:s0] =	ssyncadd.s32 $0xFFFFF000  }
0x241: {  	p0 =	sne.s32 s10, s19;
	_ =	swait.ge [sflag:s5], $0x1000  }
.Ltmp7:
0x242: {  	[sflag:s5] =	ssyncset.done $0x0;
	(pc) =	sbr.rel @p0 .LBB2_1-.Ltmp7, $4  }
0x243: {  	[sflag:s5] =	ssyncadd.s32 $0xFFFFF000  }
0x244: {  	_ =	swait.ge [sflag:s7], $0x1000  }
0x245: {  	[sflag:s7] =	ssyncset.done $0x0  }
0x246: {  	[sflag:s7] =	ssyncadd.s32 $0xFFFFF000  }
0x247: {  	_ =	sfence.sel $0x180000  }
0x248: {  	[bflag:$0x0] =	sbarrier.arrive $0xFFFF  }
0x249: {  	_ =	strace $0x90000047  }
0x24a: {  	s0 =	stileid.u32;
	[bflag:$0x2] =	sbarrier.arrive $0xFFFF  }
0x24b: {  	p0 =	sne.s32 s0, $0x0;
	s0 =	rddreg [dreg:$0x3]  }
0x24c: {  	s0 =	sadd.s32 @!p0 $0x100000, s0  }
0x24d: {  	[sflag:s0] =	ssyncadd.tile.s32 @!p0 $0x1;
	_ =	shalt  }
.Lfunc_end2:
_tile_overlayer_lowered:
.L_overlay_start_2:
0x24e: {  	(tag) =	ssettag $0x2  }
0x24f: {  	s0 =	rddreg [dreg:$0x0];
	s2 =	stileid.u32  }
0x250: {  	s1 =	rddreg [dreg:$0x1];
	p0 =	sne.s32 s2, $0x0  }
0x251: {  	s3 =	rddreg [dreg:$0x2];
	[bflag:$0x3] =	sbarrier.arrive $0xFFFF;
	s2 =	simm.s32 @!p0 $0x1C07  }
0x252: {  	[timem:s3], [sflag:s2] =	dma.local @!p0 [hbm:s0], s1  }
0x253: {  	s0 =	simm.s32 @!p0 $0x7  }
0x254: {  	_ =	swait.ge @!p0 [sflag:s0], s1  }
0x255: {  	s1 =	ssub.s32 @!p0 $0x0, s1;
	[sflag:s0] =	ssyncset.done @!p0 $0x0  }
0x256: {  	[sflag:s0] =	ssyncadd.s32 @!p0 s1  }
0x257: {  	[bflag:$0x3] =	sbarrier.arrive $0xFFFF  }
0x258: {  	_ =	shalt  }

</sc_bundles>
